<compile_context>
chip_gen: v7x
topology: tpu7x:2x2x1
jax: 0.10.2.dev20260603
libtpu: 0.0.44.dev20260713+nightly
codegen_flags: <defaults>
</compile_context>

<pallas_src>
import functools

import jax
import jax.numpy as jnp
from jax import lax
from jax.experimental import pallas as pl
from jax.experimental.pallas import tpu as pltpu
from jax.experimental.pallas import tpu_sc as plsc

_N0, _N1, _N2 = 250000, 20480, 2048
_E0, _E1 = 512000, 20480
_D = 128
_NC, _NS = 2, 16
_CH = 64
_K = 10


def _chunk_plan(total, maxc):
    sizes = [maxc] * (total // maxc)
    if total % maxc:
        sizes.append(total % maxc)
    return sizes


def _make_sc_agg(n_tgt, n_edges):
    half = n_tgt // _NC
    chunks = n_edges // (_NS * _CH)
    groups = chunks // _K
    assert chunks * _NS * _CH == n_edges and half * _NC == n_tgt
    assert groups * _K == chunks
    rows_sh = half + 128
    zper = rows_sh // _NS
    assert zper * _NS == rows_sh and zper % 8 == 0
    wper = half // _NS
    assert wper * _NS == half and wper % 8 == 0
    mesh = plsc.VectorSubcoreMesh(core_axis_name="c", subcore_axis_name="s")

    @functools.partial(
        pl.kernel,
        mesh=mesh,
        compiler_params=pltpu.CompilerParams(
            needs_layout_passes=False, use_tc_tiling_on_sc=False),
        out_type=[
            jax.ShapeDtypeStruct((n_tgt, _D), jnp.float32),
            jax.ShapeDtypeStruct((_NS * n_tgt,), jnp.float32),
        ],
        scratch_types=[
            pltpu.VMEM((_K * _CH,), jnp.int32),
            pltpu.VMEM((_K * _CH,), jnp.int32),
            pltpu.VMEM((_K, _CH), jnp.int32),
            pltpu.VMEM((_CH, _D), jnp.float32),
            pltpu.VMEM((_CH, _D), jnp.float32),
            pltpu.VMEM((half,), jnp.float32),
            pltpu.VMEM_SHARED((rows_sh, _D), jnp.float32),
            pltpu.SemaphoreType.DMA,
            pltpu.SemaphoreType.DMA,
            pltpu.SemaphoreType.DMA,
            pltpu.SemaphoreType.DMA,
        ],
    )
    def agg_kernel(src_hbm, dst_hbm, x_hbm, agg_hbm, hist_hbm,
                   idx_v, dst_v, loc_v, rows_a, rows_b, hist_v, agg_sh,
                   sem_a, sem_b, sem_sa, sem_sb):
        core = lax.axis_index("c")
        sid = lax.axis_index("s")
        core_base = core * half

        zero16 = jnp.zeros((16,), jnp.float32)
        one16 = jnp.ones((16,), jnp.float32)

        def zrows_body(i, _):
            for j in range(_D // 16):
                rows_a[i, pl.ds(j * 16, 16)] = zero16
                rows_b[i, pl.ds(j * 16, 16)] = zero16
            return 0

        lax.fori_loop(0, _CH, zrows_body, 0)

        def zhist_body(i, _):
            hist_v[pl.ds(i * 16, 16)] = zero16
            return 0

        lax.fori_loop(0, half // 16, zhist_body, 0)

        zbase = sid * zper
        off = 0
        for sz in _chunk_plan(zper, _CH):
            pltpu.sync_copy(rows_a.at[pl.ds(0, sz)],
                            agg_sh.at[pl.ds(zbase + off, sz)])
            off += sz
        plsc.subcore_barrier()

        bufs = (rows_a, rows_b)
        sems = (sem_a, sem_b)
        ssems = (sem_sa, sem_sb)

        def group_body(g, _):
            base = sid * chunks * _CH + g * (_K * _CH)
            pltpu.sync_copy(src_hbm.at[pl.ds(base, _K * _CH)], idx_v)
            pltpu.sync_copy(dst_hbm.at[pl.ds(base, _K * _CH)], dst_v)

            def munge_body(m, _):
                dv = dst_v[pl.ds(m * 16, 16)]
                local = dv - core_base
                ok = (local >= 0) & (local < half)
                loc_v[m // (_CH // 16), pl.ds((m % (_CH // 16)) * 16, 16)] = (
                    jnp.where(ok, local, half))
                plsc.addupdate_scatter(hist_v, [jnp.where(ok, local, 0)],
                                       jnp.where(ok, one16, 0.0))
                return 0

            lax.fori_loop(0, (_K * _CH) // 16, munge_body, 0)

            cp = pltpu.async_copy(x_hbm.at[idx_v.at[pl.ds(0, _CH)]],
                                  bufs[0], sems[0])
            sc = [None, None]
            for k in range(_K):
                b = k % 2
                nb = 1 - b
                if sc[nb] is not None:
                    sc[nb].wait()
                    sc[nb] = None
                nxt = None
                if k + 1 < _K:
                    nxt = pltpu.async_copy(
                        x_hbm.at[idx_v.at[pl.ds((k + 1) * _CH, _CH)]],
                        bufs[nb], sems[nb])
                cp.wait()
                sc[b] = pltpu.async_copy(bufs[b], agg_sh.at[loc_v.at[k]],
                                         ssems[b], add=True)
                cp = nxt
            for d in sc:
                if d is not None:
                    d.wait()
            return 0

        lax.fori_loop(0, groups, group_body, 0)
        plsc.subcore_barrier()

        wbase = sid * wper
        off = 0
        for sz in _chunk_plan(wper, _CH):
            pltpu.sync_copy(agg_sh.at[pl.ds(wbase + off, sz)],
                            rows_a.at[pl.ds(0, sz)])
            pltpu.sync_copy(rows_a.at[pl.ds(0, sz)],
                            agg_hbm.at[pl.ds(core_base + wbase + off, sz)])
            off += sz
        pltpu.sync_copy(hist_v,
                        hist_hbm.at[pl.ds(sid * n_tgt + core_base, half)])

    return agg_kernel


def _make_dense(n, relu):
    blk = min(n, 1024)
    assert n % blk == 0

    def body(agg_ref, hist_ref, xt_ref, wl_ref, wr_ref, b_ref, o_ref):
        ones_col = jnp.ones((_NS, 1), jnp.float32)
        cnt = lax.dot_general(hist_ref[...], ones_col,
                              (((0,), (0,)), ((), ())),
                              preferred_element_type=jnp.float32)
        mean = agg_ref[...] / jnp.maximum(cnt, 1.0)
        acc = jnp.dot(mean, wl_ref[...], preferred_element_type=jnp.float32,
                      precision=lax.Precision.HIGHEST)
        acc += jnp.dot(xt_ref[...], wr_ref[...],
                       preferred_element_type=jnp.float32,
                       precision=lax.Precision.HIGHEST)
        acc += b_ref[...]
        o_ref[...] = jnp.maximum(acc, 0.0) if relu else acc

    return pl.pallas_call(
        body,
        grid=(n // blk,),
        in_specs=[
            pl.BlockSpec((blk, _D), lambda i: (i, 0)),
            pl.BlockSpec((_NS, blk), lambda i: (0, i)),
            pl.BlockSpec((blk, _D), lambda i: (i, 0)),
            pl.BlockSpec((_D, _D), lambda i: (0, 0)),
            pl.BlockSpec((_D, _D), lambda i: (0, 0)),
            pl.BlockSpec((1, _D), lambda i: (0, 0)),
        ],
        out_specs=pl.BlockSpec((blk, _D), lambda i: (i, 0)),
        out_shape=jax.ShapeDtypeStruct((n, _D), jnp.float32),
    )


_agg0 = _make_sc_agg(_N1, _E0)
_agg1 = _make_sc_agg(_N2, _E1)
_dense0 = _make_dense(_N1, relu=True)
_dense1 = _make_dense(_N2, relu=False)


def kernel(x, edge_src_0, edge_dst_0, edge_src_1, edge_dst_1,
           W_l0, W_r0, b0, W_l1, W_r1, b1):
    es0 = edge_src_0.astype(jnp.int32)
    ed0 = edge_dst_0.astype(jnp.int32)
    es1 = edge_src_1.astype(jnp.int32)
    ed1 = edge_dst_1.astype(jnp.int32)
    agg0, hist0 = _agg0(es0, ed0, x)
    h = _dense0(agg0, hist0.reshape(_NS, _N1), x[:_N1], W_l0, W_r0,
                b0.reshape(1, _D))
    agg1, hist1 = _agg1(es1, ed1, h)
    out = _dense1(agg1, hist1.reshape(_NS, _N2), h[:_N2], W_l1, W_r1,
                  b1.reshape(1, _D))
    return out

# --- scband reference (transcript-rebuilt; emitter-appended) ---
"""Pipeline reference for scband-sage-31525059953310 (READ-ONLY COPY).

The authoritative reference and input builder live on the scoring server;
editing this copy changes nothing except your own understanding.
"""

import jax, jax.numpy as jnp
import numpy as np

N0 = 250000  # source nodes layer 0
N1 = 20480   # target nodes layer 0 / source nodes layer 1
N2 = 2048    # target (seed) nodes layer 1
E0 = 512000
E1 = 20480
D = 128


def setup_inputs(seed: int = 0) -> dict:
    key = jax.random.key(seed)
    ks = jax.random.split(key, 12)
    x = jax.random.normal(ks[0], (N0, D), dtype=jnp.float32)
    edge_src_0 = jax.random.randint(ks[1], (E0,), 0, N0)
    edge_dst_0 = jax.random.randint(ks[2], (E0,), 0, N1)
    edge_src_1 = jax.random.randint(ks[3], (E1,), 0, N1)
    edge_dst_1 = jax.random.randint(ks[4], (E1,), 0, N2)
    # SAGEConv params: lin_l applied to aggregated neighbor mean, lin_r to target (root) features
    W_l0 = jax.random.normal(ks[5], (D, D), dtype=jnp.float32) * 0.05
    W_r0 = jax.random.normal(ks[6], (D, D), dtype=jnp.float32) * 0.05
    b0 = jnp.zeros((D,), dtype=jnp.float32)
    W_l1 = jax.random.normal(ks[7], (D, D), dtype=jnp.float32) * 0.05
    W_r1 = jax.random.normal(ks[8], (D, D), dtype=jnp.float32) * 0.05
    b1 = jnp.zeros((D,), dtype=jnp.float32)
    return {
        "x": x,
        "edge_src_0": edge_src_0, "edge_dst_0": edge_dst_0,
        "edge_src_1": edge_src_1, "edge_dst_1": edge_dst_1,
        "W_l0": W_l0, "W_r0": W_r0, "b0": b0,
        "W_l1": W_l1, "W_r1": W_r1, "b1": b1,
    }


def _sage_layer(h_src, h_tgt, src, dst, Wl, Wr, b, n_tgt):
    # SAGEConv with mean aggregation on a bipartite (src, tgt) graph
    msg = jnp.take(h_src, src, axis=0)                       # gather x_j  [E, D]
    agg = jax.ops.segment_sum(msg, dst, num_segments=n_tgt)  # scatter-add [n_tgt, D]
    cnt = jax.ops.segment_sum(jnp.ones((src.shape[0],), dtype=h_src.dtype), dst, num_segments=n_tgt)
    mean = agg / jnp.maximum(cnt, 1.0)[:, None]
    return mean @ Wl + h_tgt @ Wr + b


def reference(x, edge_src_0, edge_dst_0, edge_src_1, edge_dst_1,
              W_l0, W_r0, b0, W_l1, W_r1, b1):
    # layer 0: (N0 -> N1); x_target = x[:size[1]]
    h = _sage_layer(x, x[:N1], edge_src_0, edge_dst_0, W_l0, W_r0, b0, N1)
    h = jax.nn.relu(h)
    # dropout(p=0.5) is identity at inference (training=False)
    # layer 1: (N1 -> N2)
    out = _sage_layer(h, h[:N2], edge_src_1, edge_dst_1, W_l1, W_r1, b1, N2)
    return out

if __name__ == "__main__":
    import jax
    _d = setup_inputs()
    print(jax.jit(kernel)(*tuple(_d.values())))

</pallas_src>

<mosaic_0001>
#map = affine_map<(d0, d1) -> (0)>
#map1 = affine_map<(d0, d1) -> (0, 0)>
module attributes {stable_mosaic.version = 14 : i64} {
  func.func @agg_kernel(%arg0: i32, %arg1: i32, %arg2: memref<20480xi32, #tpu.memory_space<hbm>>, %arg3: memref<20480xi32, #tpu.memory_space<hbm>>, %arg4: memref<20480x128xf32, #tpu.memory_space<hbm>>, %arg5: memref<2048x128xf32, #tpu.memory_space<hbm>>, %arg6: memref<32768xf32, #tpu.memory_space<hbm>>, %arg7: memref<640xi32, #tpu.memory_space<vmem>>, %arg8: memref<640xi32, #tpu.memory_space<vmem>>, %arg9: memref<10x64xi32, #tpu.memory_space<vmem>>, %arg10: memref<64x128xf32, #tpu.memory_space<vmem>>, %arg11: memref<64x128xf32, #tpu.memory_space<vmem>>, %arg12: memref<1024xf32, #tpu.memory_space<vmem>>, %arg13: memref<1152x128xf32, #tpu.memory_space<vmem_shared>>, %arg14: memref<!tpu.dma_semaphore, #tpu.memory_space<semaphore_mem>>, %arg15: memref<!tpu.dma_semaphore, #tpu.memory_space<semaphore_mem>>, %arg16: memref<!tpu.dma_semaphore, #tpu.memory_space<semaphore_mem>>, %arg17: memref<!tpu.dma_semaphore, #tpu.memory_space<semaphore_mem>>) attributes {dimension_semantics = [#tpu.dimension_semantics<core_parallel>, #tpu.dimension_semantics<subcore_parallel>], iteration_bounds = array<i64: 2, 16>, scalar_prefetch = 0 : i64, scratch_operands = 11 : i64, tpu.core_type = #tpu.core_type<sc_vector_subcore>, window_params = [{transform_indices = #map}, {transform_indices = #map}, {transform_indices = #map1}, {transform_indices = #map1}, {transform_indices = #map}]} {
    %mul3A = arith.constant 1024 : i32
    %mul3A_0 = arith.muli %arg0, %mul3A : i32
    %broadcast_in_dim3A = arith.constant 0.000000e+00 : f32
    %broadcast_in_dim3A_1 = vector.broadcast %broadcast_in_dim3A : f32 to vector<16xf32>
    %broadcast_in_dim3A_2 = arith.constant 1.000000e+00 : f32
    %broadcast_in_dim3A_3 = vector.broadcast %broadcast_in_dim3A_2 : f32 to vector<16xf32>
    %scan3A = arith.constant 0 : i32
    %scan3A_4 = arith.constant 0 : i32
    %scan3A_5 = arith.constant 64 : i32
    %scan3A_6 = arith.addi %scan3A_4, %scan3A_5 : i32
    %scan3A_7 = arith.constant 1 : i32
    %scan3A_8 = scf.for %scan3A_40 = %scan3A_4 to %scan3A_6 step %scan3A_7 iter_args(%scan3A_41 = %scan3A) -> (i32)  : i32 {
      %swap3A = arith.index_cast %scan3A_40 : i32 to index
      %swap3A_42 = arith.constant 0 : index
      %swap3A_43 = tpu.vector_load %arg10[%swap3A, %swap3A_42] {strides = array<i32>} : memref<64x128xf32, #tpu.memory_space<vmem>>, vector<16xf32>,
      tpu.vector_store %arg10[%swap3A, %swap3A_42], %broadcast_in_dim3A_1 {strides = array<i32>} : memref<64x128xf32, #tpu.memory_space<vmem>>, vector<16xf32>,
      %swap3A_44 = arith.index_cast %scan3A_40 : i32 to index
      %swap3A_45 = arith.constant 0 : index
      %swap3A_46 = tpu.vector_load %arg11[%swap3A_44, %swap3A_45] {strides = array<i32>} : memref<64x128xf32, #tpu.memory_space<vmem>>, vector<16xf32>,
      tpu.vector_store %arg11[%swap3A_44, %swap3A_45], %broadcast_in_dim3A_1 {strides = array<i32>} : memref<64x128xf32, #tpu.memory_space<vmem>>, vector<16xf32>,
      %swap3A_47 = arith.index_cast %scan3A_40 : i32 to index
      %swap3A_48 = arith.constant 16 : index
      %swap3A_49 = tpu.vector_load %arg10[%swap3A_47, %swap3A_48] {strides = array<i32>} : memref<64x128xf32, #tpu.memory_space<vmem>>, vector<16xf32>,
      tpu.vector_store %arg10[%swap3A_47, %swap3A_48], %broadcast_in_dim3A_1 {strides = array<i32>} : memref<64x128xf32, #tpu.memory_space<vmem>>, vector<16xf32>,
      %swap3A_50 = arith.index_cast %scan3A_40 : i32 to index
      %swap3A_51 = arith.constant 16 : index
      %swap3A_52 = tpu.vector_load %arg11[%swap3A_50, %swap3A_51] {strides = array<i32>} : memref<64x128xf32, #tpu.memory_space<vmem>>, vector<16xf32>,
      tpu.vector_store %arg11[%swap3A_50, %swap3A_51], %broadcast_in_dim3A_1 {strides = array<i32>} : memref<64x128xf32, #tpu.memory_space<vmem>>, vector<16xf32>,
      %swap3A_53 = arith.index_cast %scan3A_40 : i32 to index
      %swap3A_54 = arith.constant 32 : index
      %swap3A_55 = tpu.vector_load %arg10[%swap3A_53, %swap3A_54] {strides = array<i32>} : memref<64x128xf32, #tpu.memory_space<vmem>>, vector<16xf32>,
      tpu.vector_store %arg10[%swap3A_53, %swap3A_54], %broadcast_in_dim3A_1 {strides = array<i32>} : memref<64x128xf32, #tpu.memory_space<vmem>>, vector<16xf32>,
      %swap3A_56 = arith.index_cast %scan3A_40 : i32 to index
      %swap3A_57 = arith.constant 32 : index
      %swap3A_58 = tpu.vector_load %arg11[%swap3A_56, %swap3A_57] {strides = array<i32>} : memref<64x128xf32, #tpu.memory_space<vmem>>, vector<16xf32>,
      tpu.vector_store %arg11[%swap3A_56, %swap3A_57], %broadcast_in_dim3A_1 {strides = array<i32>} : memref<64x128xf32, #tpu.memory_space<vmem>>, vector<16xf32>,
      %swap3A_59 = arith.index_cast %scan3A_40 : i32 to index
      %swap3A_60 = arith.constant 48 : index
      %swap3A_61 = tpu.vector_load %arg10[%swap3A_59, %swap3A_60] {strides = array<i32>} : memref<64x128xf32, #tpu.memory_space<vmem>>, vector<16xf32>,
      tpu.vector_store %arg10[%swap3A_59, %swap3A_60], %broadcast_in_dim3A_1 {strides = array<i32>} : memref<64x128xf32, #tpu.memory_space<vmem>>, vector<16xf32>,
      %swap3A_62 = arith.index_cast %scan3A_40 : i32 to index
      %swap3A_63 = arith.constant 48 : index
      %swap3A_64 = tpu.vector_load %arg11[%swap3A_62, %swap3A_63] {strides = array<i32>} : memref<64x128xf32, #tpu.memory_space<vmem>>, vector<16xf32>,
      tpu.vector_store %arg11[%swap3A_62, %swap3A_63], %broadcast_in_dim3A_1 {strides = array<i32>} : memref<64x128xf32, #tpu.memory_space<vmem>>, vector<16xf32>,
      %swap3A_65 = arith.index_cast %scan3A_40 : i32 to index
      %swap3A_66 = arith.constant 64 : index
      %swap3A_67 = tpu.vector_load %arg10[%swap3A_65, %swap3A_66] {strides = array<i32>} : memref<64x128xf32, #tpu.memory_space<vmem>>, vector<16xf32>,
      tpu.vector_store %arg10[%swap3A_65, %swap3A_66], %broadcast_in_dim3A_1 {strides = array<i32>} : memref<64x128xf32, #tpu.memory_space<vmem>>, vector<16xf32>,
      %swap3A_68 = arith.index_cast %scan3A_40 : i32 to index
      %swap3A_69 = arith.constant 64 : index
      %swap3A_70 = tpu.vector_load %arg11[%swap3A_68, %swap3A_69] {strides = array<i32>} : memref<64x128xf32, #tpu.memory_space<vmem>>, vector<16xf32>,
      tpu.vector_store %arg11[%swap3A_68, %swap3A_69], %broadcast_in_dim3A_1 {strides = array<i32>} : memref<64x128xf32, #tpu.memory_space<vmem>>, vector<16xf32>,
      %swap3A_71 = arith.index_cast %scan3A_40 : i32 to index
      %swap3A_72 = arith.constant 80 : index
      %swap3A_73 = tpu.vector_load %arg10[%swap3A_71, %swap3A_72] {strides = array<i32>} : memref<64x128xf32, #tpu.memory_space<vmem>>, vector<16xf32>,
      tpu.vector_store %arg10[%swap3A_71, %swap3A_72], %broadcast_in_dim3A_1 {strides = array<i32>} : memref<64x128xf32, #tpu.memory_space<vmem>>, vector<16xf32>,
      %swap3A_74 = arith.index_cast %scan3A_40 : i32 to index
      %swap3A_75 = arith.constant 80 : index
      %swap3A_76 = tpu.vector_load %arg11[%swap3A_74, %swap3A_75] {strides = array<i32>} : memref<64x128xf32, #tpu.memory_space<vmem>>, vector<16xf32>,
      tpu.vector_store %arg11[%swap3A_74, %swap3A_75], %broadcast_in_dim3A_1 {strides = array<i32>} : memref<64x128xf32, #tpu.memory_space<vmem>>, vector<16xf32>,
      %swap3A_77 = arith.index_cast %scan3A_40 : i32 to index
      %swap3A_78 = arith.constant 96 : index
      %swap3A_79 = tpu.vector_load %arg10[%swap3A_77, %swap3A_78] {strides = array<i32>} : memref<64x128xf32, #tpu.memory_space<vmem>>, vector<16xf32>,
      tpu.vector_store %arg10[%swap3A_77, %swap3A_78], %broadcast_in_dim3A_1 {strides = array<i32>} : memref<64x128xf32, #tpu.memory_space<vmem>>, vector<16xf32>,
      %swap3A_80 = arith.index_cast %scan3A_40 : i32 to index
      %swap3A_81 = arith.constant 96 : index
      %swap3A_82 = tpu.vector_load %arg11[%swap3A_80, %swap3A_81] {strides = array<i32>} : memref<64x128xf32, #tpu.memory_space<vmem>>, vector<16xf32>,
      tpu.vector_store %arg11[%swap3A_80, %swap3A_81], %broadcast_in_dim3A_1 {strides = array<i32>} : memref<64x128xf32, #tpu.memory_space<vmem>>, vector<16xf32>,
      %swap3A_83 = arith.index_cast %scan3A_40 : i32 to index
      %swap3A_84 = arith.constant 112 : index
      %swap3A_85 = tpu.vector_load %arg10[%swap3A_83, %swap3A_84] {strides = array<i32>} : memref<64x128xf32, #tpu.memory_space<vmem>>, vector<16xf32>,
      tpu.vector_store %arg10[%swap3A_83, %swap3A_84], %broadcast_in_dim3A_1 {strides = array<i32>} : memref<64x128xf32, #tpu.memory_space<vmem>>, vector<16xf32>,
      %swap3A_86 = arith.index_cast %scan3A_40 : i32 to index
      %swap3A_87 = arith.constant 112 : index
      %swap3A_88 = tpu.vector_load %arg11[%swap3A_86, %swap3A_87] {strides = array<i32>} : memref<64x128xf32, #tpu.memory_space<vmem>>, vector<16xf32>,
      tpu.vector_store %arg11[%swap3A_86, %swap3A_87], %broadcast_in_dim3A_1 {strides = array<i32>} : memref<64x128xf32, #tpu.memory_space<vmem>>, vector<16xf32>,
      %scan3A_89 = arith.constant 0 : i32
      scf.yield %scan3A_89 : i32
    }
    %scan3A_9 = arith.constant 64 : i32
    %scan3A_10 = arith.constant 0 : i32
    %scan3A_11 = arith.constant 0 : i32
    %scan3A_12 = arith.constant 64 : i32
    %scan3A_13 = arith.addi %scan3A_11, %scan3A_12 : i32
    %scan3A_14 = arith.constant 1 : i32
    %scan3A_15 = scf.for %scan3A_40 = %scan3A_11 to %scan3A_13 step %scan3A_14 iter_args(%scan3A_41 = %scan3A_10) -> (i32)  : i32 {
      %mul3A_42 = arith.constant 16 : i32
      %mul3A_43 = arith.muli %scan3A_40, %mul3A_42 : i32
      %swap3A = arith.index_cast %mul3A_43 : i32 to index
      %swap3A_44 = tpu.vector_load %arg12[%swap3A] {strides = array<i32>} : memref<1024xf32, #tpu.memory_space<vmem>>, vector<16xf32>,
      tpu.vector_store %arg12[%swap3A], %broadcast_in_dim3A_1 {strides = array<i32>} : memref<1024xf32, #tpu.memory_space<vmem>>, vector<16xf32>,
      %scan3A_45 = arith.constant 0 : i32
      scf.yield %scan3A_45 : i32
    }
    %scan3A_16 = arith.constant 64 : i32
    %mul3A_17 = arith.constant 72 : i32
    %mul3A_18 = arith.muli %arg1, %mul3A_17 : i32
    %add3A = arith.constant 0 : i32
    %add3A_19 = arith.addi %mul3A_18, %add3A : i32
    "tpu.region"() ({
      %run_scoped3A = tpu.sem_alloc : memref<!tpu.dma_semaphore, #tpu.memory_space<semaphore_mem>>
      %dma_start3A = arith.constant 0 : i32
      %dma_start3A_40 = arith.constant 0 : i32
      %dma_start3A_41 = tpu.memref_slice %arg10[%dma_start3A, %dma_start3A_40] : memref<64x128xf32, #tpu.memory_space<vmem>> -> memref<64x128xf32, #tpu.memory_space<vmem>>
      %dma_start3A_42 = arith.constant 0 : i32
      %dma_start3A_43 = tpu.memref_slice %arg13[%add3A_19, %dma_start3A_42] : memref<1152x128xf32, #tpu.memory_space<vmem_shared>> -> memref<64x128xf32, #tpu.memory_space<vmem_shared>>
      %dma_start3A_44 = arith.constant 0 : i32
      %dma_start3A_45 = tpu.memref_slice %arg13[%add3A_19, %dma_start3A_44] : memref<1152x128xf32, #tpu.memory_space<vmem_shared>> -> memref<64x128xf32, #tpu.memory_space<vmem_shared>>
      %dma_start3A_46 = arith.constant 0 : i32
      %dma_start3A_47 = arith.constant 0 : i32
      %dma_start3A_48 = tpu.memref_slice %arg10[%dma_start3A_46, %dma_start3A_47] : memref<64x128xf32, #tpu.memory_space<vmem>> -> memref<64x128xf32, #tpu.memory_space<vmem>>
      tpu.enqueue_dma source(%dma_start3A_48 : memref<64x128xf32, #tpu.memory_space<vmem>>) target(%dma_start3A_45 : memref<64x128xf32, #tpu.memory_space<vmem_shared>>) target_semaphore(%run_scoped3A : memref<!tpu.dma_semaphore, #tpu.memory_space<semaphore_mem>>)
      %dma_wait3A = arith.constant 0 : i32
      %dma_wait3A_49 = arith.constant 0 : i32
      %dma_wait3A_50 = tpu.memref_slice %arg10[%dma_wait3A, %dma_wait3A_49] : memref<64x128xf32, #tpu.memory_space<vmem>> -> memref<64x128xf32, #tpu.memory_space<vmem>>
      %dma_wait3A_51 = arith.constant 0 : i32
      %dma_wait3A_52 = tpu.memref_slice %arg13[%add3A_19, %dma_wait3A_51] : memref<1152x128xf32, #tpu.memory_space<vmem_shared>> -> memref<64x128xf32, #tpu.memory_space<vmem_shared>>
      %dma_wait3A_53 = arith.constant 0 : i32
      %dma_wait3A_54 = tpu.memref_slice %arg13[%add3A_19, %dma_wait3A_53] : memref<1152x128xf32, #tpu.memory_space<vmem_shared>> -> memref<64x128xf32, #tpu.memory_space<vmem_shared>>
      %dma_wait3A_55 = arith.constant 0 : i32
      %dma_wait3A_56 = arith.constant 0 : i32
      %dma_wait3A_57 = tpu.memref_slice %arg10[%dma_wait3A_55, %dma_wait3A_56] : memref<64x128xf32, #tpu.memory_space<vmem>> -> memref<64x128xf32, #tpu.memory_space<vmem>>
      tpu.wait_dma2 semaphore(%run_scoped3A : memref<!tpu.dma_semaphore, #tpu.memory_space<semaphore_mem>>) src(%dma_wait3A_57 : memref<64x128xf32, #tpu.memory_space<vmem>>) dst(%dma_wait3A_54 : memref<64x128xf32, #tpu.memory_space<vmem_shared>>)
      tpu.yield
    }) : () -> ()
    %add3A_20 = arith.constant 64 : i32
    %add3A_21 = arith.addi %mul3A_18, %add3A_20 : i32
    "tpu.region"() ({
      %run_scoped3A = tpu.sem_alloc : memref<!tpu.dma_semaphore, #tpu.memory_space<semaphore_mem>>
      %dma_start3A = arith.constant 0 : i32
      %dma_start3A_40 = arith.constant 0 : i32
      %dma_start3A_41 = tpu.memref_slice %arg10[%dma_start3A, %dma_start3A_40] : memref<64x128xf32, #tpu.memory_space<vmem>> -> memref<8x128xf32, #tpu.memory_space<vmem>>
      %dma_start3A_42 = arith.constant 0 : i32
      %dma_start3A_43 = tpu.memref_slice %arg13[%add3A_21, %dma_start3A_42] : memref<1152x128xf32, #tpu.memory_space<vmem_shared>> -> memref<8x128xf32, #tpu.memory_space<vmem_shared>>
      %dma_start3A_44 = arith.constant 0 : i32
      %dma_start3A_45 = tpu.memref_slice %arg13[%add3A_21, %dma_start3A_44] : memref<1152x128xf32, #tpu.memory_space<vmem_shared>> -> memref<8x128xf32, #tpu.memory_space<vmem_shared>>
      %dma_start3A_46 = arith.constant 0 : i32
      %dma_start3A_47 = arith.constant 0 : i32
      %dma_start3A_48 = tpu.memref_slice %arg10[%dma_start3A_46, %dma_start3A_47] : memref<64x128xf32, #tpu.memory_space<vmem>> -> memref<8x128xf32, #tpu.memory_space<vmem>>
      tpu.enqueue_dma source(%dma_start3A_48 : memref<8x128xf32, #tpu.memory_space<vmem>>) target(%dma_start3A_45 : memref<8x128xf32, #tpu.memory_space<vmem_shared>>) target_semaphore(%run_scoped3A : memref<!tpu.dma_semaphore, #tpu.memory_space<semaphore_mem>>)
      %dma_wait3A = arith.constant 0 : i32
      %dma_wait3A_49 = arith.constant 0 : i32
      %dma_wait3A_50 = tpu.memref_slice %arg10[%dma_wait3A, %dma_wait3A_49] : memref<64x128xf32, #tpu.memory_space<vmem>> -> memref<8x128xf32, #tpu.memory_space<vmem>>
      %dma_wait3A_51 = arith.constant 0 : i32
      %dma_wait3A_52 = tpu.memref_slice %arg13[%add3A_21, %dma_wait3A_51] : memref<1152x128xf32, #tpu.memory_space<vmem_shared>> -> memref<8x128xf32, #tpu.memory_space<vmem_shared>>
      %dma_wait3A_53 = arith.constant 0 : i32
      %dma_wait3A_54 = tpu.memref_slice %arg13[%add3A_21, %dma_wait3A_53] : memref<1152x128xf32, #tpu.memory_space<vmem_shared>> -> memref<8x128xf32, #tpu.memory_space<vmem_shared>>
      %dma_wait3A_55 = arith.constant 0 : i32
      %dma_wait3A_56 = arith.constant 0 : i32
      %dma_wait3A_57 = tpu.memref_slice %arg10[%dma_wait3A_55, %dma_wait3A_56] : memref<64x128xf32, #tpu.memory_space<vmem>> -> memref<8x128xf32, #tpu.memory_space<vmem>>
      tpu.wait_dma2 semaphore(%run_scoped3A : memref<!tpu.dma_semaphore, #tpu.memory_space<semaphore_mem>>) src(%dma_wait3A_57 : memref<8x128xf32, #tpu.memory_space<vmem>>) dst(%dma_wait3A_54 : memref<8x128xf32, #tpu.memory_space<vmem_shared>>)
      tpu.yield
    }) : () -> ()
    %barrier3A = arith.constant 0 : index
    tpu.barrier barrier_id(%barrier3A)
    %scan3A_22 = arith.constant 0 : i32
    %scan3A_23 = arith.constant 0 : i32
    %scan3A_24 = arith.constant 2 : i32
    %scan3A_25 = arith.addi %scan3A_23, %scan3A_24 : i32
    %scan3A_26 = arith.constant 1 : i32
    %scan3A_27 = scf.for %scan3A_40 = %scan3A_23 to %scan3A_25 step %scan3A_26 iter_args(%scan3A_41 = %scan3A_22) -> (i32)  : i32 {
      %mul3A_42 = arith.constant 20 : i32
      %mul3A_43 = arith.muli %arg1, %mul3A_42 : i32
      %mul3A_44 = arith.constant 64 : i32
      %mul3A_45 = arith.muli %mul3A_43, %mul3A_44 : i32
      %mul3A_46 = arith.constant 640 : i32
      %mul3A_47 = arith.muli %scan3A_40, %mul3A_46 : i32
      %add3A_48 = arith.addi %mul3A_45, %mul3A_47 : i32
      "tpu.region"() ({
        %run_scoped3A = tpu.sem_alloc : memref<!tpu.dma_semaphore, #tpu.memory_space<semaphore_mem>>
        %dma_start3A_295 = tpu.memref_slice %arg2[%add3A_48] : memref<20480xi32, #tpu.memory_space<hbm>> -> memref<640xi32, #tpu.memory_space<hbm>>
        %dma_start3A_296 = tpu.memref_slice %arg2[%add3A_48] : memref<20480xi32, #tpu.memory_space<hbm>> -> memref<640xi32, #tpu.memory_space<hbm>>
        tpu.enqueue_dma source(%dma_start3A_296 : memref<640xi32, #tpu.memory_space<hbm>>) target(%arg7 : memref<640xi32, #tpu.memory_space<vmem>>) target_semaphore(%run_scoped3A : memref<!tpu.dma_semaphore, #tpu.memory_space<semaphore_mem>>)
        %dma_wait3A_297 = tpu.memref_slice %arg2[%add3A_48] : memref<20480xi32, #tpu.memory_space<hbm>> -> memref<640xi32, #tpu.memory_space<hbm>>
        %dma_wait3A_298 = tpu.memref_slice %arg2[%add3A_48] : memref<20480xi32, #tpu.memory_space<hbm>> -> memref<640xi32, #tpu.memory_space<hbm>>
        tpu.wait_dma2 semaphore(%run_scoped3A : memref<!tpu.dma_semaphore, #tpu.memory_space<semaphore_mem>>) src(%dma_wait3A_298 : memref<640xi32, #tpu.memory_space<hbm>>) dst(%arg7 : memref<640xi32, #tpu.memory_space<vmem>>)
        tpu.yield
      }) : () -> ()
      "tpu.region"() ({
        %run_scoped3A = tpu.sem_alloc : memref<!tpu.dma_semaphore, #tpu.memory_space<semaphore_mem>>
        %dma_start3A_295 = tpu.memref_slice %arg3[%add3A_48] : memref<20480xi32, #tpu.memory_space<hbm>> -> memref<640xi32, #tpu.memory_space<hbm>>
        %dma_start3A_296 = tpu.memref_slice %arg3[%add3A_48] : memref<20480xi32, #tpu.memory_space<hbm>> -> memref<640xi32, #tpu.memory_space<hbm>>
        tpu.enqueue_dma source(%dma_start3A_296 : memref<640xi32, #tpu.memory_space<hbm>>) target(%arg8 : memref<640xi32, #tpu.memory_space<vmem>>) target_semaphore(%run_scoped3A : memref<!tpu.dma_semaphore, #tpu.memory_space<semaphore_mem>>)
        %dma_wait3A_297 = tpu.memref_slice %arg3[%add3A_48] : memref<20480xi32, #tpu.memory_space<hbm>> -> memref<640xi32, #tpu.memory_space<hbm>>
        %dma_wait3A_298 = tpu.memref_slice %arg3[%add3A_48] : memref<20480xi32, #tpu.memory_space<hbm>> -> memref<640xi32, #tpu.memory_space<hbm>>
        tpu.wait_dma2 semaphore(%run_scoped3A : memref<!tpu.dma_semaphore, #tpu.memory_space<semaphore_mem>>) src(%dma_wait3A_298 : memref<640xi32, #tpu.memory_space<hbm>>) dst(%arg8 : memref<640xi32, #tpu.memory_space<vmem>>)
        tpu.yield
      }) : () -> ()
      %scan3A_49 = arith.constant 0 : i32
      %scan3A_50 = arith.constant 0 : i32
      %scan3A_51 = arith.constant 40 : i32
      %scan3A_52 = arith.addi %scan3A_50, %scan3A_51 : i32
      %scan3A_53 = arith.constant 1 : i32
      %scan3A_54 = scf.for %scan3A_295 = %scan3A_50 to %scan3A_52 step %scan3A_53 iter_args(%scan3A_296 = %scan3A_49) -> (i32)  : i32 {
        %mul3A_297 = arith.constant 16 : i32
        %mul3A_298 = arith.muli %scan3A_295, %mul3A_297 : i32
        %get3A = arith.index_cast %mul3A_298 : i32 to index
        %get3A_299 = tpu.vector_load %arg8[%get3A] {strides = array<i32>} : memref<640xi32, #tpu.memory_space<vmem>>, vector<16xi32>,
        %sub3A = vector.broadcast %mul3A_0 : i32 to vector<16xi32>
        %sub3A_300 = arith.subi %get3A_299, %sub3A : vector<16xi32>
        %ge3A = arith.constant 0 : i32
        %ge3A_301 = vector.broadcast %ge3A : i32 to vector<16xi32>
        %ge3A_302 = arith.cmpi sge, %sub3A_300, %ge3A_301 : vector<16xi32>
        %lt3A = arith.constant 1024 : i32
        %lt3A_303 = vector.broadcast %lt3A : i32 to vector<16xi32>
        %lt3A_304 = arith.cmpi slt, %sub3A_300, %lt3A_303 : vector<16xi32>
        %and3A = arith.andi %ge3A_302, %lt3A_304 : vector<16xi1>
        %jit3A = arith.constant 1024 : i32
        %broadcast_in_dim3A_305 = vector.broadcast %jit3A : i32 to vector<16xi32>
        %select_n3A = arith.select %and3A, %sub3A_300, %broadcast_in_dim3A_305 : vector<16xi1>, vector<16xi32>
        %jit3A_306 = arith.constant 4 : i32
        %div3A = arith.divsi %scan3A_295, %jit3A_306 : i32
        %sign3A = arith.constant 0 : i32
        %sign3A_307 = arith.cmpi sgt, %scan3A_295, %sign3A : i32
        %sign3A_308 = arith.extui %sign3A_307 : i1 to i32
        %sign3A_309 = arith.constant 0 : i32
        %sign3A_310 = arith.cmpi slt, %scan3A_295, %sign3A_309 : i32
        %sign3A_311 = arith.extui %sign3A_310 : i1 to i32
        %sign3A_312 = arith.subi %sign3A_308, %sign3A_311 : i32
        %sign3A_313 = arith.constant 0 : i32
        %sign3A_314 = arith.cmpi sgt, %jit3A_306, %sign3A_313 : i32
        %sign3A_315 = arith.extui %sign3A_314 : i1 to i32
        %sign3A_316 = arith.constant 0 : i32
        %sign3A_317 = arith.cmpi slt, %jit3A_306, %sign3A_316 : i32
        %sign3A_318 = arith.extui %sign3A_317 : i1 to i32
        %sign3A_319 = arith.subi %sign3A_315, %sign3A_318 : i32
        %ne3A = arith.cmpi ne, %sign3A_312, %sign3A_319 : i32
        %rem3A = arith.remsi %scan3A_295, %jit3A_306 : i32
        %ne3A_320 = arith.constant 0 : i32
        %ne3A_321 = arith.cmpi ne, %rem3A, %ne3A_320 : i32
        %and3A_322 = arith.andi %ne3A, %ne3A_321 : i1
        %sub3A_323 = arith.constant 1 : i32
        %sub3A_324 = arith.subi %div3A, %sub3A_323 : i32
        %select_n3A_325 = arith.select %and3A_322, %sub3A_324, %div3A : i32
        %jit3A_326 = arith.constant 4 : i32
        %eq3A = arith.constant 0 : i32
        %eq3A_327 = arith.cmpi eq, %jit3A_326, %eq3A : i32
        %jit3A_328 = arith.constant 1 : i32
        %select_n3A_329 = arith.select %eq3A_327, %jit3A_328, %jit3A_326 : i32
        %rem3A_330 = arith.remsi %scan3A_295, %select_n3A_329 : i32
        %ne3A_331 = arith.constant 0 : i32
        %ne3A_332 = arith.cmpi ne, %rem3A_330, %ne3A_331 : i32
        %lt3A_333 = arith.constant 0 : i32
        %lt3A_334 = arith.cmpi slt, %rem3A_330, %lt3A_333 : i32
        %lt3A_335 = arith.constant 0 : i32
        %lt3A_336 = arith.cmpi slt, %select_n3A_329, %lt3A_335 : i32
        %ne3A_337 = arith.xori %lt3A_334, %lt3A_336 : i1
        %and3A_338 = arith.andi %ne3A_337, %ne3A_332 : i1
        %add3A_339 = arith.addi %rem3A_330, %select_n3A_329 : i32
        %select_n3A_340 = arith.select %and3A_338, %add3A_339, %rem3A_330 : i32
        %mul3A_341 = arith.constant 16 : i32
        %mul3A_342 = arith.muli %select_n3A_340, %mul3A_341 : i32
        %swap3A = arith.index_cast %select_n3A_325 : i32 to index
        %swap3A_343 = arith.index_cast %mul3A_342 : i32 to index
        %swap3A_344 = tpu.vector_load %arg9[%swap3A, %swap3A_343] {strides = array<i32>} : memref<10x64xi32, #tpu.memory_space<vmem>>, vector<16xi32>,
        tpu.vector_store %arg9[%swap3A, %swap3A_343], %select_n3A {strides = array<i32>} : memref<10x64xi32, #tpu.memory_space<vmem>>, vector<16xi32>,
        %jit3A_345 = arith.constant 0 : i32
        %broadcast_in_dim3A_346 = vector.broadcast %jit3A_345 : i32 to vector<16xi32>
        %select_n3A_347 = arith.select %and3A, %sub3A_300, %broadcast_in_dim3A_346 : vector<16xi1>, vector<16xi32>
        %jit3A_348 = arith.constant 0.000000e+00 : f32
        %broadcast_in_dim3A_349 = vector.broadcast %jit3A_348 : f32 to vector<16xf32>
        %select_n3A_350 = arith.select %and3A, %broadcast_in_dim3A_3, %broadcast_in_dim3A_349 : vector<16xi1>, vector<16xf32>
        tpu.vector_store_idx %arg12[%select_n3A_347], %select_n3A_350 {add = true} : memref<1024xf32, #tpu.memory_space<vmem>>[vector<16xi32>], vector<16xf32>,
        %scan3A_351 = arith.constant 0 : i32
        scf.yield %scan3A_351 : i32
      }
      %scan3A_55 = arith.constant 40 : i32
      %dma_start3A = arith.constant 0 : i32
      %dma_start3A_56 = tpu.memref_slice %arg7[%dma_start3A] : memref<640xi32, #tpu.memory_space<vmem>> -> memref<64xi32, #tpu.memory_space<vmem>>
      %dma_start3A_57 = arith.constant 0 : i32
      %dma_start3A_58 = arith.constant 0 : i32
      %dma_start3A_59 = tpu.memref_slice %arg4[%dma_start3A_57, %dma_start3A_58] : memref<20480x128xf32, #tpu.memory_space<hbm>> -> memref<20480x128xf32, #tpu.memory_space<hbm>>
      tpu.enqueue_indirect_dma source(%dma_start3A_59 : memref<20480x128xf32, #tpu.memory_space<hbm>>) target(%arg10 : memref<64x128xf32, #tpu.memory_space<vmem>>) offsets(%dma_start3A_56 : memref<64xi32, #tpu.memory_space<vmem>>) semaphore(%arg14 : memref<!tpu.dma_semaphore, #tpu.memory_space<semaphore_mem>>)
      %dma_start3A_60 = arith.constant 64 : i32
      %dma_start3A_61 = tpu.memref_slice %arg7[%dma_start3A_60] : memref<640xi32, #tpu.memory_space<vmem>> -> memref<64xi32, #tpu.memory_space<vmem>>
      %dma_start3A_62 = arith.constant 0 : i32
      %dma_start3A_63 = arith.constant 0 : i32
      %dma_start3A_64 = tpu.memref_slice %arg4[%dma_start3A_62, %dma_start3A_63] : memref<20480x128xf32, #tpu.memory_space<hbm>> -> memref<20480x128xf32, #tpu.memory_space<hbm>>
      tpu.enqueue_indirect_dma source(%dma_start3A_64 : memref<20480x128xf32, #tpu.memory_space<hbm>>) target(%arg11 : memref<64x128xf32, #tpu.memory_space<vmem>>) offsets(%dma_start3A_61 : memref<64xi32, #tpu.memory_space<vmem>>) semaphore(%arg15 : memref<!tpu.dma_semaphore, #tpu.memory_space<semaphore_mem>>)
      %dma_wait3A = arith.constant 0 : i32
      %dma_wait3A_65 = tpu.memref_slice %arg7[%dma_wait3A] : memref<640xi32, #tpu.memory_space<vmem>> -> memref<64xi32, #tpu.memory_space<vmem>>
      %dma_wait3A_66 = arith.constant 0 : i32
      %dma_wait3A_67 = arith.constant 0 : i32
      %dma_wait3A_68 = tpu.memref_slice %arg4[%dma_wait3A_66, %dma_wait3A_67] : memref<20480x128xf32, #tpu.memory_space<hbm>> -> memref<20480x128xf32, #tpu.memory_space<hbm>>
      tpu.wait_indirect_dma semaphore(%arg14 : memref<!tpu.dma_semaphore, #tpu.memory_space<semaphore_mem>>) src(%dma_wait3A_68 : memref<20480x128xf32, #tpu.memory_space<hbm>>) dst(%arg10 : memref<64x128xf32, #tpu.memory_space<vmem>>)
      %dma_start3A_69 = arith.constant 0 : i32
      %dma_start3A_70 = arith.constant 0 : i32
      %dma_start3A_71 = tpu.memref_slice %arg9[%dma_start3A_69, %dma_start3A_70] : memref<10x64xi32, #tpu.memory_space<vmem>> -> memref<1x64xi32, #tpu.memory_space<vmem>>
      %dma_start3A_72 = tpu.memref_squeeze %dma_start3A_71 : memref<1x64xi32, #tpu.memory_space<vmem>> -> memref<64xi32, #tpu.memory_space<vmem>>
      %dma_start3A_73 = arith.constant 0 : i32
      %dma_start3A_74 = arith.constant 0 : i32
      %dma_start3A_75 = tpu.memref_slice %arg13[%dma_start3A_73, %dma_start3A_74] : memref<1152x128xf32, #tpu.memory_space<vmem_shared>> -> memref<1152x128xf32, #tpu.memory_space<vmem_shared>>
      tpu.enqueue_indirect_dma source(%arg10 : memref<64x128xf32, #tpu.memory_space<vmem>>) target(%dma_start3A_75 : memref<1152x128xf32, #tpu.memory_space<vmem_shared>>) offsets(%dma_start3A_72 : memref<64xi32, #tpu.memory_space<vmem>>) semaphore(%arg16 : memref<!tpu.dma_semaphore, #tpu.memory_space<semaphore_mem>>) {add = true}
      %dma_wait3A_76 = arith.constant 0 : i32
      %dma_wait3A_77 = arith.constant 0 : i32
      %dma_wait3A_78 = tpu.memref_slice %arg9[%dma_wait3A_76, %dma_wait3A_77] : memref<10x64xi32, #tpu.memory_space<vmem>> -> memref<1x64xi32, #tpu.memory_space<vmem>>
      %dma_wait3A_79 = tpu.memref_squeeze %dma_wait3A_78 : memref<1x64xi32, #tpu.memory_space<vmem>> -> memref<64xi32, #tpu.memory_space<vmem>>
      %dma_wait3A_80 = arith.constant 0 : i32
      %dma_wait3A_81 = arith.constant 0 : i32
      %dma_wait3A_82 = tpu.memref_slice %arg13[%dma_wait3A_80, %dma_wait3A_81] : memref<1152x128xf32, #tpu.memory_space<vmem_shared>> -> memref<1152x128xf32, #tpu.memory_space<vmem_shared>>
      tpu.wait_indirect_dma semaphore(%arg16 : memref<!tpu.dma_semaphore, #tpu.memory_space<semaphore_mem>>) src(%arg10 : memref<64x128xf32, #tpu.memory_space<vmem>>) dst(%dma_wait3A_82 : memref<1152x128xf32, #tpu.memory_space<vmem_shared>>)
      %dma_start3A_83 = arith.constant 128 : i32
      %dma_start3A_84 = tpu.memref_slice %arg7[%dma_start3A_83] : memref<640xi32, #tpu.memory_space<vmem>> -> memref<64xi32, #tpu.memory_space<vmem>>
      %dma_start3A_85 = arith.constant 0 : i32
      %dma_start3A_86 = arith.constant 0 : i32
      %dma_start3A_87 = tpu.memref_slice %arg4[%dma_start3A_85, %dma_start3A_86] : memref<20480x128xf32, #tpu.memory_space<hbm>> -> memref<20480x128xf32, #tpu.memory_space<hbm>>
      tpu.enqueue_indirect_dma source(%dma_start3A_87 : memref<20480x128xf32, #tpu.memory_space<hbm>>) target(%arg10 : memref<64x128xf32, #tpu.memory_space<vmem>>) offsets(%dma_start3A_84 : memref<64xi32, #tpu.memory_space<vmem>>) semaphore(%arg14 : memref<!tpu.dma_semaphore, #tpu.memory_space<semaphore_mem>>)
      %dma_wait3A_88 = arith.constant 64 : i32
      %dma_wait3A_89 = tpu.memref_slice %arg7[%dma_wait3A_88] : memref<640xi32, #tpu.memory_space<vmem>> -> memref<64xi32, #tpu.memory_space<vmem>>
      %dma_wait3A_90 = arith.constant 0 : i32
      %dma_wait3A_91 = arith.constant 0 : i32
      %dma_wait3A_92 = tpu.memref_slice %arg4[%dma_wait3A_90, %dma_wait3A_91] : memref<20480x128xf32, #tpu.memory_space<hbm>> -> memref<20480x128xf32, #tpu.memory_space<hbm>>
      tpu.wait_indirect_dma semaphore(%arg15 : memref<!tpu.dma_semaphore, #tpu.memory_space<semaphore_mem>>) src(%dma_wait3A_92 : memref<20480x128xf32, #tpu.memory_space<hbm>>) dst(%arg11 : memref<64x128xf32, #tpu.memory_space<vmem>>)
      %dma_start3A_93 = arith.constant 1 : i32
      %dma_start3A_94 = arith.constant 0 : i32
      %dma_start3A_95 = tpu.memref_slice %arg9[%dma_start3A_93, %dma_start3A_94] : memref<10x64xi32, #tpu.memory_space<vmem>> -> memref<1x64xi32, #tpu.memory_space<vmem>>
      %dma_start3A_96 = tpu.memref_squeeze %dma_start3A_95 : memref<1x64xi32, #tpu.memory_space<vmem>> -> memref<64xi32, #tpu.memory_space<vmem>>
      %dma_start3A_97 = arith.constant 0 : i32
      %dma_start3A_98 = arith.constant 0 : i32
      %dma_start3A_99 = tpu.memref_slice %arg13[%dma_start3A_97, %dma_start3A_98] : memref<1152x128xf32, #tpu.memory_space<vmem_shared>> -> memref<1152x128xf32, #tpu.memory_space<vmem_shared>>
      tpu.enqueue_indirect_dma source(%arg11 : memref<64x128xf32, #tpu.memory_space<vmem>>) target(%dma_start3A_99 : memref<1152x128xf32, #tpu.memory_space<vmem_shared>>) offsets(%dma_start3A_96 : memref<64xi32, #tpu.memory_space<vmem>>) semaphore(%arg17 : memref<!tpu.dma_semaphore, #tpu.memory_space<semaphore_mem>>) {add = true}
      %dma_wait3A_100 = arith.constant 1 : i32
      %dma_wait3A_101 = arith.constant 0 : i32
      %dma_wait3A_102 = tpu.memref_slice %arg9[%dma_wait3A_100, %dma_wait3A_101] : memref<10x64xi32, #tpu.memory_space<vmem>> -> memref<1x64xi32, #tpu.memory_space<vmem>>
      %dma_wait3A_103 = tpu.memref_squeeze %dma_wait3A_102 : memref<1x64xi32, #tpu.memory_space<vmem>> -> memref<64xi32, #tpu.memory_space<vmem>>
      %dma_wait3A_104 = arith.constant 0 : i32
      %dma_wait3A_105 = arith.constant 0 : i32
      %dma_wait3A_106 = tpu.memref_slice %arg13[%dma_wait3A_104, %dma_wait3A_105] : memref<1152x128xf32, #tpu.memory_space<vmem_shared>> -> memref<1152x128xf32, #tpu.memory_space<vmem_shared>>
      tpu.wait_indirect_dma semaphore(%arg17 : memref<!tpu.dma_semaphore, #tpu.memory_space<semaphore_mem>>) src(%arg11 : memref<64x128xf32, #tpu.memory_space<vmem>>) dst(%dma_wait3A_106 : memref<1152x128xf32, #tpu.memory_space<vmem_shared>>)
      %dma_start3A_107 = arith.constant 192 : i32
      %dma_start3A_108 = tpu.memref_slice %arg7[%dma_start3A_107] : memref<640xi32, #tpu.memory_space<vmem>> -> memref<64xi32, #tpu.memory_space<vmem>>
      %dma_start3A_109 = arith.constant 0 : i32
      %dma_start3A_110 = arith.constant 0 : i32
      %dma_start3A_111 = tpu.memref_slice %arg4[%dma_start3A_109, %dma_start3A_110] : memref<20480x128xf32, #tpu.memory_space<hbm>> -> memref<20480x128xf32, #tpu.memory_space<hbm>>
      tpu.enqueue_indirect_dma source(%dma_start3A_111 : memref<20480x128xf32, #tpu.memory_space<hbm>>) target(%arg11 : memref<64x128xf32, #tpu.memory_space<vmem>>) offsets(%dma_start3A_108 : memref<64xi32, #tpu.memory_space<vmem>>) semaphore(%arg15 : memref<!tpu.dma_semaphore, #tpu.memory_space<semaphore_mem>>)
      %dma_wait3A_112 = arith.constant 128 : i32
      %dma_wait3A_113 = tpu.memref_slice %arg7[%dma_wait3A_112] : memref<640xi32, #tpu.memory_space<vmem>> -> memref<64xi32, #tpu.memory_space<vmem>>
      %dma_wait3A_114 = arith.constant 0 : i32
      %dma_wait3A_115 = arith.constant 0 : i32
      %dma_wait3A_116 = tpu.memref_slice %arg4[%dma_wait3A_114, %dma_wait3A_115] : memref<20480x128xf32, #tpu.memory_space<hbm>> -> memref<20480x128xf32, #tpu.memory_space<hbm>>
      tpu.wait_indirect_dma semaphore(%arg14 : memref<!tpu.dma_semaphore, #tpu.memory_space<semaphore_mem>>) src(%dma_wait3A_116 : memref<20480x128xf32, #tpu.memory_space<hbm>>) dst(%arg10 : memref<64x128xf32, #tpu.memory_space<vmem>>)
      %dma_start3A_117 = arith.constant 2 : i32
      %dma_start3A_118 = arith.constant 0 : i32
      %dma_start3A_119 = tpu.memref_slice %arg9[%dma_start3A_117, %dma_start3A_118] : memref<10x64xi32, #tpu.memory_space<vmem>> -> memref<1x64xi32, #tpu.memory_space<vmem>>
      %dma_start3A_120 = tpu.memref_squeeze %dma_start3A_119 : memref<1x64xi32, #tpu.memory_space<vmem>> -> memref<64xi32, #tpu.memory_space<vmem>>
      %dma_start3A_121 = arith.constant 0 : i32
      %dma_start3A_122 = arith.constant 0 : i32
      %dma_start3A_123 = tpu.memref_slice %arg13[%dma_start3A_121, %dma_start3A_122] : memref<1152x128xf32, #tpu.memory_space<vmem_shared>> -> memref<1152x128xf32, #tpu.memory_space<vmem_shared>>
      tpu.enqueue_indirect_dma source(%arg10 : memref<64x128xf32, #tpu.memory_space<vmem>>) target(%dma_start3A_123 : memref<1152x128xf32, #tpu.memory_space<vmem_shared>>) offsets(%dma_start3A_120 : memref<64xi32, #tpu.memory_space<vmem>>) semaphore(%arg16 : memref<!tpu.dma_semaphore, #tpu.memory_space<semaphore_mem>>) {add = true}
      %dma_wait3A_124 = arith.constant 2 : i32
      %dma_wait3A_125 = arith.constant 0 : i32
      %dma_wait3A_126 = tpu.memref_slice %arg9[%dma_wait3A_124, %dma_wait3A_125] : memref<10x64xi32, #tpu.memory_space<vmem>> -> memref<1x64xi32, #tpu.memory_space<vmem>>
      %dma_wait3A_127 = tpu.memref_squeeze %dma_wait3A_126 : memref<1x64xi32, #tpu.memory_space<vmem>> -> memref<64xi32, #tpu.memory_space<vmem>>
      %dma_wait3A_128 = arith.constant 0 : i32
      %dma_wait3A_129 = arith.constant 0 : i32
      %dma_wait3A_130 = tpu.memref_slice %arg13[%dma_wait3A_128, %dma_wait3A_129] : memref<1152x128xf32, #tpu.memory_space<vmem_shared>> -> memref<1152x128xf32, #tpu.memory_space<vmem_shared>>
      tpu.wait_indirect_dma semaphore(%arg16 : memref<!tpu.dma_semaphore, #tpu.memory_space<semaphore_mem>>) src(%arg10 : memref<64x128xf32, #tpu.memory_space<vmem>>) dst(%dma_wait3A_130 : memref<1152x128xf32, #tpu.memory_space<vmem_shared>>)
      %dma_start3A_131 = arith.constant 256 : i32
      %dma_start3A_132 = tpu.memref_slice %arg7[%dma_start3A_131] : memref<640xi32, #tpu.memory_space<vmem>> -> memref<64xi32, #tpu.memory_space<vmem>>
      %dma_start3A_133 = arith.constant 0 : i32
      %dma_start3A_134 = arith.constant 0 : i32
      %dma_start3A_135 = tpu.memref_slice %arg4[%dma_start3A_133, %dma_start3A_134] : memref<20480x128xf32, #tpu.memory_space<hbm>> -> memref<20480x128xf32, #tpu.memory_space<hbm>>
      tpu.enqueue_indirect_dma source(%dma_start3A_135 : memref<20480x128xf32, #tpu.memory_space<hbm>>) target(%arg10 : memref<64x128xf32, #tpu.memory_space<vmem>>) offsets(%dma_start3A_132 : memref<64xi32, #tpu.memory_space<vmem>>) semaphore(%arg14 : memref<!tpu.dma_semaphore, #tpu.memory_space<semaphore_mem>>)
      %dma_wait3A_136 = arith.constant 192 : i32
      %dma_wait3A_137 = tpu.memref_slice %arg7[%dma_wait3A_136] : memref<640xi32, #tpu.memory_space<vmem>> -> memref<64xi32, #tpu.memory_space<vmem>>
      %dma_wait3A_138 = arith.constant 0 : i32
      %dma_wait3A_139 = arith.constant 0 : i32
      %dma_wait3A_140 = tpu.memref_slice %arg4[%dma_wait3A_138, %dma_wait3A_139] : memref<20480x128xf32, #tpu.memory_space<hbm>> -> memref<20480x128xf32, #tpu.memory_space<hbm>>
      tpu.wait_indirect_dma semaphore(%arg15 : memref<!tpu.dma_semaphore, #tpu.memory_space<semaphore_mem>>) src(%dma_wait3A_140 : memref<20480x128xf32, #tpu.memory_space<hbm>>) dst(%arg11 : memref<64x128xf32, #tpu.memory_space<vmem>>)
      %dma_start3A_141 = arith.constant 3 : i32
      %dma_start3A_142 = arith.constant 0 : i32
      %dma_start3A_143 = tpu.memref_slice %arg9[%dma_start3A_141, %dma_start3A_142] : memref<10x64xi32, #tpu.memory_space<vmem>> -> memref<1x64xi32, #tpu.memory_space<vmem>>
      %dma_start3A_144 = tpu.memref_squeeze %dma_start3A_143 : memref<1x64xi32, #tpu.memory_space<vmem>> -> memref<64xi32, #tpu.memory_space<vmem>>
      %dma_start3A_145 = arith.constant 0 : i32
      %dma_start3A_146 = arith.constant 0 : i32
      %dma_start3A_147 = tpu.memref_slice %arg13[%dma_start3A_145, %dma_start3A_146] : memref<1152x128xf32, #tpu.memory_space<vmem_shared>> -> memref<1152x128xf32, #tpu.memory_space<vmem_shared>>
      tpu.enqueue_indirect_dma source(%arg11 : memref<64x128xf32, #tpu.memory_space<vmem>>) target(%dma_start3A_147 : memref<1152x128xf32, #tpu.memory_space<vmem_shared>>) offsets(%dma_start3A_144 : memref<64xi32, #tpu.memory_space<vmem>>) semaphore(%arg17 : memref<!tpu.dma_semaphore, #tpu.memory_space<semaphore_mem>>) {add = true}
      %dma_wait3A_148 = arith.constant 3 : i32
      %dma_wait3A_149 = arith.constant 0 : i32
      %dma_wait3A_150 = tpu.memref_slice %arg9[%dma_wait3A_148, %dma_wait3A_149] : memref<10x64xi32, #tpu.memory_space<vmem>> -> memref<1x64xi32, #tpu.memory_space<vmem>>
      %dma_wait3A_151 = tpu.memref_squeeze %dma_wait3A_150 : memref<1x64xi32, #tpu.memory_space<vmem>> -> memref<64xi32, #tpu.memory_space<vmem>>
      %dma_wait3A_152 = arith.constant 0 : i32
      %dma_wait3A_153 = arith.constant 0 : i32
      %dma_wait3A_154 = tpu.memref_slice %arg13[%dma_wait3A_152, %dma_wait3A_153] : memref<1152x128xf32, #tpu.memory_space<vmem_shared>> -> memref<1152x128xf32, #tpu.memory_space<vmem_shared>>
      tpu.wait_indirect_dma semaphore(%arg17 : memref<!tpu.dma_semaphore, #tpu.memory_space<semaphore_mem>>) src(%arg11 : memref<64x128xf32, #tpu.memory_space<vmem>>) dst(%dma_wait3A_154 : memref<1152x128xf32, #tpu.memory_space<vmem_shared>>)
      %dma_start3A_155 = arith.constant 320 : i32
      %dma_start3A_156 = tpu.memref_slice %arg7[%dma_start3A_155] : memref<640xi32, #tpu.memory_space<vmem>> -> memref<64xi32, #tpu.memory_space<vmem>>
      %dma_start3A_157 = arith.constant 0 : i32
      %dma_start3A_158 = arith.constant 0 : i32
      %dma_start3A_159 = tpu.memref_slice %arg4[%dma_start3A_157, %dma_start3A_158] : memref<20480x128xf32, #tpu.memory_space<hbm>> -> memref<20480x128xf32, #tpu.memory_space<hbm>>
      tpu.enqueue_indirect_dma source(%dma_start3A_159 : memref<20480x128xf32, #tpu.memory_space<hbm>>) target(%arg11 : memref<64x128xf32, #tpu.memory_space<vmem>>) offsets(%dma_start3A_156 : memref<64xi32, #tpu.memory_space<vmem>>) semaphore(%arg15 : memref<!tpu.dma_semaphore, #tpu.memory_space<semaphore_mem>>)
      %dma_wait3A_160 = arith.constant 256 : i32
      %dma_wait3A_161 = tpu.memref_slice %arg7[%dma_wait3A_160] : memref<640xi32, #tpu.memory_space<vmem>> -> memref<64xi32, #tpu.memory_space<vmem>>
      %dma_wait3A_162 = arith.constant 0 : i32
      %dma_wait3A_163 = arith.constant 0 : i32
      %dma_wait3A_164 = tpu.memref_slice %arg4[%dma_wait3A_162, %dma_wait3A_163] : memref<20480x128xf32, #tpu.memory_space<hbm>> -> memref<20480x128xf32, #tpu.memory_space<hbm>>
      tpu.wait_indirect_dma semaphore(%arg14 : memref<!tpu.dma_semaphore, #tpu.memory_space<semaphore_mem>>) src(%dma_wait3A_164 : memref<20480x128xf32, #tpu.memory_space<hbm>>) dst(%arg10 : memref<64x128xf32, #tpu.memory_space<vmem>>)
      %dma_start3A_165 = arith.constant 4 : i32
      %dma_start3A_166 = arith.constant 0 : i32
      %dma_start3A_167 = tpu.memref_slice %arg9[%dma_start3A_165, %dma_start3A_166] : memref<10x64xi32, #tpu.memory_space<vmem>> -> memref<1x64xi32, #tpu.memory_space<vmem>>
      %dma_start3A_168 = tpu.memref_squeeze %dma_start3A_167 : memref<1x64xi32, #tpu.memory_space<vmem>> -> memref<64xi32, #tpu.memory_space<vmem>>
      %dma_start3A_169 = arith.constant 0 : i32
      %dma_start3A_170 = arith.constant 0 : i32
      %dma_start3A_171 = tpu.memref_slice %arg13[%dma_start3A_169, %dma_start3A_170] : memref<1152x128xf32, #tpu.memory_space<vmem_shared>> -> memref<1152x128xf32, #tpu.memory_space<vmem_shared>>
      tpu.enqueue_indirect_dma source(%arg10 : memref<64x128xf32, #tpu.memory_space<vmem>>) target(%dma_start3A_171 : memref<1152x128xf32, #tpu.memory_space<vmem_shared>>) offsets(%dma_start3A_168 : memref<64xi32, #tpu.memory_space<vmem>>) semaphore(%arg16 : memref<!tpu.dma_semaphore, #tpu.memory_space<semaphore_mem>>) {add = true}
      %dma_wait3A_172 = arith.constant 4 : i32
      %dma_wait3A_173 = arith.constant 0 : i32
      %dma_wait3A_174 = tpu.memref_slice %arg9[%dma_wait3A_172, %dma_wait3A_173] : memref<10x64xi32, #tpu.memory_space<vmem>> -> memref<1x64xi32, #tpu.memory_space<vmem>>
      %dma_wait3A_175 = tpu.memref_squeeze %dma_wait3A_174 : memref<1x64xi32, #tpu.memory_space<vmem>> -> memref<64xi32, #tpu.memory_space<vmem>>
      %dma_wait3A_176 = arith.constant 0 : i32
      %dma_wait3A_177 = arith.constant 0 : i32
      %dma_wait3A_178 = tpu.memref_slice %arg13[%dma_wait3A_176, %dma_wait3A_177] : memref<1152x128xf32, #tpu.memory_space<vmem_shared>> -> memref<1152x128xf32, #tpu.memory_space<vmem_shared>>
      tpu.wait_indirect_dma semaphore(%arg16 : memref<!tpu.dma_semaphore, #tpu.memory_space<semaphore_mem>>) src(%arg10 : memref<64x128xf32, #tpu.memory_space<vmem>>) dst(%dma_wait3A_178 : memref<1152x128xf32, #tpu.memory_space<vmem_shared>>)
      %dma_start3A_179 = arith.constant 384 : i32
      %dma_start3A_180 = tpu.memref_slice %arg7[%dma_start3A_179] : memref<640xi32, #tpu.memory_space<vmem>> -> memref<64xi32, #tpu.memory_space<vmem>>
      %dma_start3A_181 = arith.constant 0 : i32
      %dma_start3A_182 = arith.constant 0 : i32
      %dma_start3A_183 = tpu.memref_slice %arg4[%dma_start3A_181, %dma_start3A_182] : memref<20480x128xf32, #tpu.memory_space<hbm>> -> memref<20480x128xf32, #tpu.memory_space<hbm>>
      tpu.enqueue_indirect_dma source(%dma_start3A_183 : memref<20480x128xf32, #tpu.memory_space<hbm>>) target(%arg10 : memref<64x128xf32, #tpu.memory_space<vmem>>) offsets(%dma_start3A_180 : memref<64xi32, #tpu.memory_space<vmem>>) semaphore(%arg14 : memref<!tpu.dma_semaphore, #tpu.memory_space<semaphore_mem>>)
      %dma_wait3A_184 = arith.constant 320 : i32
      %dma_wait3A_185 = tpu.memref_slice %arg7[%dma_wait3A_184] : memref<640xi32, #tpu.memory_space<vmem>> -> memref<64xi32, #tpu.memory_space<vmem>>
      %dma_wait3A_186 = arith.constant 0 : i32
      %dma_wait3A_187 = arith.constant 0 : i32
      %dma_wait3A_188 = tpu.memref_slice %arg4[%dma_wait3A_186, %dma_wait3A_187] : memref<20480x128xf32, #tpu.memory_space<hbm>> -> memref<20480x128xf32, #tpu.memory_space<hbm>>
      tpu.wait_indirect_dma semaphore(%arg15 : memref<!tpu.dma_semaphore, #tpu.memory_space<semaphore_mem>>) src(%dma_wait3A_188 : memref<20480x128xf32, #tpu.memory_space<hbm>>) dst(%arg11 : memref<64x128xf32, #tpu.memory_space<vmem>>)
      %dma_start3A_189 = arith.constant 5 : i32
      %dma_start3A_190 = arith.constant 0 : i32
      %dma_start3A_191 = tpu.memref_slice %arg9[%dma_start3A_189, %dma_start3A_190] : memref<10x64xi32, #tpu.memory_space<vmem>> -> memref<1x64xi32, #tpu.memory_space<vmem>>
      %dma_start3A_192 = tpu.memref_squeeze %dma_start3A_191 : memref<1x64xi32, #tpu.memory_space<vmem>> -> memref<64xi32, #tpu.memory_space<vmem>>
      %dma_start3A_193 = arith.constant 0 : i32
      %dma_start3A_194 = arith.constant 0 : i32
      %dma_start3A_195 = tpu.memref_slice %arg13[%dma_start3A_193, %dma_start3A_194] : memref<1152x128xf32, #tpu.memory_space<vmem_shared>> -> memref<1152x128xf32, #tpu.memory_space<vmem_shared>>
      tpu.enqueue_indirect_dma source(%arg11 : memref<64x128xf32, #tpu.memory_space<vmem>>) target(%dma_start3A_195 : memref<1152x128xf32, #tpu.memory_space<vmem_shared>>) offsets(%dma_start3A_192 : memref<64xi32, #tpu.memory_space<vmem>>) semaphore(%arg17 : memref<!tpu.dma_semaphore, #tpu.memory_space<semaphore_mem>>) {add = true}
      %dma_wait3A_196 = arith.constant 5 : i32
      %dma_wait3A_197 = arith.constant 0 : i32
      %dma_wait3A_198 = tpu.memref_slice %arg9[%dma_wait3A_196, %dma_wait3A_197] : memref<10x64xi32, #tpu.memory_space<vmem>> -> memref<1x64xi32, #tpu.memory_space<vmem>>
      %dma_wait3A_199 = tpu.memref_squeeze %dma_wait3A_198 : memref<1x64xi32, #tpu.memory_space<vmem>> -> memref<64xi32, #tpu.memory_space<vmem>>
      %dma_wait3A_200 = arith.constant 0 : i32
      %dma_wait3A_201 = arith.constant 0 : i32
      %dma_wait3A_202 = tpu.memref_slice %arg13[%dma_wait3A_200, %dma_wait3A_201] : memref<1152x128xf32, #tpu.memory_space<vmem_shared>> -> memref<1152x128xf32, #tpu.memory_space<vmem_shared>>
      tpu.wait_indirect_dma semaphore(%arg17 : memref<!tpu.dma_semaphore, #tpu.memory_space<semaphore_mem>>) src(%arg11 : memref<64x128xf32, #tpu.memory_space<vmem>>) dst(%dma_wait3A_202 : memref<1152x128xf32, #tpu.memory_space<vmem_shared>>)
      %dma_start3A_203 = arith.constant 448 : i32
      %dma_start3A_204 = tpu.memref_slice %arg7[%dma_start3A_203] : memref<640xi32, #tpu.memory_space<vmem>> -> memref<64xi32, #tpu.memory_space<vmem>>
      %dma_start3A_205 = arith.constant 0 : i32
      %dma_start3A_206 = arith.constant 0 : i32
      %dma_start3A_207 = tpu.memref_slice %arg4[%dma_start3A_205, %dma_start3A_206] : memref<20480x128xf32, #tpu.memory_space<hbm>> -> memref<20480x128xf32, #tpu.memory_space<hbm>>
      tpu.enqueue_indirect_dma source(%dma_start3A_207 : memref<20480x128xf32, #tpu.memory_space<hbm>>) target(%arg11 : memref<64x128xf32, #tpu.memory_space<vmem>>) offsets(%dma_start3A_204 : memref<64xi32, #tpu.memory_space<vmem>>) semaphore(%arg15 : memref<!tpu.dma_semaphore, #tpu.memory_space<semaphore_mem>>)
      %dma_wait3A_208 = arith.constant 384 : i32
      %dma_wait3A_209 = tpu.memref_slice %arg7[%dma_wait3A_208] : memref<640xi32, #tpu.memory_space<vmem>> -> memref<64xi32, #tpu.memory_space<vmem>>
      %dma_wait3A_210 = arith.constant 0 : i32
      %dma_wait3A_211 = arith.constant 0 : i32
      %dma_wait3A_212 = tpu.memref_slice %arg4[%dma_wait3A_210, %dma_wait3A_211] : memref<20480x128xf32, #tpu.memory_space<hbm>> -> memref<20480x128xf32, #tpu.memory_space<hbm>>
      tpu.wait_indirect_dma semaphore(%arg14 : memref<!tpu.dma_semaphore, #tpu.memory_space<semaphore_mem>>) src(%dma_wait3A_212 : memref<20480x128xf32, #tpu.memory_space<hbm>>) dst(%arg10 : memref<64x128xf32, #tpu.memory_space<vmem>>)
      %dma_start3A_213 = arith.constant 6 : i32
      %dma_start3A_214 = arith.constant 0 : i32
      %dma_start3A_215 = tpu.memref_slice %arg9[%dma_start3A_213, %dma_start3A_214] : memref<10x64xi32, #tpu.memory_space<vmem>> -> memref<1x64xi32, #tpu.memory_space<vmem>>
      %dma_start3A_216 = tpu.memref_squeeze %dma_start3A_215 : memref<1x64xi32, #tpu.memory_space<vmem>> -> memref<64xi32, #tpu.memory_space<vmem>>
      %dma_start3A_217 = arith.constant 0 : i32
      %dma_start3A_218 = arith.constant 0 : i32
      %dma_start3A_219 = tpu.memref_slice %arg13[%dma_start3A_217, %dma_start3A_218] : memref<1152x128xf32, #tpu.memory_space<vmem_shared>> -> memref<1152x128xf32, #tpu.memory_space<vmem_shared>>
      tpu.enqueue_indirect_dma source(%arg10 : memref<64x128xf32, #tpu.memory_space<vmem>>) target(%dma_start3A_219 : memref<1152x128xf32, #tpu.memory_space<vmem_shared>>) offsets(%dma_start3A_216 : memref<64xi32, #tpu.memory_space<vmem>>) semaphore(%arg16 : memref<!tpu.dma_semaphore, #tpu.memory_space<semaphore_mem>>) {add = true}
      %dma_wait3A_220 = arith.constant 6 : i32
      %dma_wait3A_221 = arith.constant 0 : i32
      %dma_wait3A_222 = tpu.memref_slice %arg9[%dma_wait3A_220, %dma_wait3A_221] : memref<10x64xi32, #tpu.memory_space<vmem>> -> memref<1x64xi32, #tpu.memory_space<vmem>>
      %dma_wait3A_223 = tpu.memref_squeeze %dma_wait3A_222 : memref<1x64xi32, #tpu.memory_space<vmem>> -> memref<64xi32, #tpu.memory_space<vmem>>
      %dma_wait3A_224 = arith.constant 0 : i32
      %dma_wait3A_225 = arith.constant 0 : i32
      %dma_wait3A_226 = tpu.memref_slice %arg13[%dma_wait3A_224, %dma_wait3A_225] : memref<1152x128xf32, #tpu.memory_space<vmem_shared>> -> memref<1152x128xf32, #tpu.memory_space<vmem_shared>>
      tpu.wait_indirect_dma semaphore(%arg16 : memref<!tpu.dma_semaphore, #tpu.memory_space<semaphore_mem>>) src(%arg10 : memref<64x128xf32, #tpu.memory_space<vmem>>) dst(%dma_wait3A_226 : memref<1152x128xf32, #tpu.memory_space<vmem_shared>>)
      %dma_start3A_227 = arith.constant 512 : i32
      %dma_start3A_228 = tpu.memref_slice %arg7[%dma_start3A_227] : memref<640xi32, #tpu.memory_space<vmem>> -> memref<64xi32, #tpu.memory_space<vmem>>
      %dma_start3A_229 = arith.constant 0 : i32
      %dma_start3A_230 = arith.constant 0 : i32
      %dma_start3A_231 = tpu.memref_slice %arg4[%dma_start3A_229, %dma_start3A_230] : memref<20480x128xf32, #tpu.memory_space<hbm>> -> memref<20480x128xf32, #tpu.memory_space<hbm>>
      tpu.enqueue_indirect_dma source(%dma_start3A_231 : memref<20480x128xf32, #tpu.memory_space<hbm>>) target(%arg10 : memref<64x128xf32, #tpu.memory_space<vmem>>) offsets(%dma_start3A_228 : memref<64xi32, #tpu.memory_space<vmem>>) semaphore(%arg14 : memref<!tpu.dma_semaphore, #tpu.memory_space<semaphore_mem>>)
      %dma_wait3A_232 = arith.constant 448 : i32
      %dma_wait3A_233 = tpu.memref_slice %arg7[%dma_wait3A_232] : memref<640xi32, #tpu.memory_space<vmem>> -> memref<64xi32, #tpu.memory_space<vmem>>
      %dma_wait3A_234 = arith.constant 0 : i32
      %dma_wait3A_235 = arith.constant 0 : i32
      %dma_wait3A_236 = tpu.memref_slice %arg4[%dma_wait3A_234, %dma_wait3A_235] : memref<20480x128xf32, #tpu.memory_space<hbm>> -> memref<20480x128xf32, #tpu.memory_space<hbm>>
      tpu.wait_indirect_dma semaphore(%arg15 : memref<!tpu.dma_semaphore, #tpu.memory_space<semaphore_mem>>) src(%dma_wait3A_236 : memref<20480x128xf32, #tpu.memory_space<hbm>>) dst(%arg11 : memref<64x128xf32, #tpu.memory_space<vmem>>)
      %dma_start3A_237 = arith.constant 7 : i32
      %dma_start3A_238 = arith.constant 0 : i32
      %dma_start3A_239 = tpu.memref_slice %arg9[%dma_start3A_237, %dma_start3A_238] : memref<10x64xi32, #tpu.memory_space<vmem>> -> memref<1x64xi32, #tpu.memory_space<vmem>>
      %dma_start3A_240 = tpu.memref_squeeze %dma_start3A_239 : memref<1x64xi32, #tpu.memory_space<vmem>> -> memref<64xi32, #tpu.memory_space<vmem>>
      %dma_start3A_241 = arith.constant 0 : i32
      %dma_start3A_242 = arith.constant 0 : i32
      %dma_start3A_243 = tpu.memref_slice %arg13[%dma_start3A_241, %dma_start3A_242] : memref<1152x128xf32, #tpu.memory_space<vmem_shared>> -> memref<1152x128xf32, #tpu.memory_space<vmem_shared>>
      tpu.enqueue_indirect_dma source(%arg11 : memref<64x128xf32, #tpu.memory_space<vmem>>) target(%dma_start3A_243 : memref<1152x128xf32, #tpu.memory_space<vmem_shared>>) offsets(%dma_start3A_240 : memref<64xi32, #tpu.memory_space<vmem>>) semaphore(%arg17 : memref<!tpu.dma_semaphore, #tpu.memory_space<semaphore_mem>>) {add = true}
      %dma_wait3A_244 = arith.constant 7 : i32
      %dma_wait3A_245 = arith.constant 0 : i32
      %dma_wait3A_246 = tpu.memref_slice %arg9[%dma_wait3A_244, %dma_wait3A_245] : memref<10x64xi32, #tpu.memory_space<vmem>> -> memref<1x64xi32, #tpu.memory_space<vmem>>
      %dma_wait3A_247 = tpu.memref_squeeze %dma_wait3A_246 : memref<1x64xi32, #tpu.memory_space<vmem>> -> memref<64xi32, #tpu.memory_space<vmem>>
      %dma_wait3A_248 = arith.constant 0 : i32
      %dma_wait3A_249 = arith.constant 0 : i32
      %dma_wait3A_250 = tpu.memref_slice %arg13[%dma_wait3A_248, %dma_wait3A_249] : memref<1152x128xf32, #tpu.memory_space<vmem_shared>> -> memref<1152x128xf32, #tpu.memory_space<vmem_shared>>
      tpu.wait_indirect_dma semaphore(%arg17 : memref<!tpu.dma_semaphore, #tpu.memory_space<semaphore_mem>>) src(%arg11 : memref<64x128xf32, #tpu.memory_space<vmem>>) dst(%dma_wait3A_250 : memref<1152x128xf32, #tpu.memory_space<vmem_shared>>)
      %dma_start3A_251 = arith.constant 576 : i32
      %dma_start3A_252 = tpu.memref_slice %arg7[%dma_start3A_251] : memref<640xi32, #tpu.memory_space<vmem>> -> memref<64xi32, #tpu.memory_space<vmem>>
      %dma_start3A_253 = arith.constant 0 : i32
      %dma_start3A_254 = arith.constant 0 : i32
      %dma_start3A_255 = tpu.memref_slice %arg4[%dma_start3A_253, %dma_start3A_254] : memref<20480x128xf32, #tpu.memory_space<hbm>> -> memref<20480x128xf32, #tpu.memory_space<hbm>>
      tpu.enqueue_indirect_dma source(%dma_start3A_255 : memref<20480x128xf32, #tpu.memory_space<hbm>>) target(%arg11 : memref<64x128xf32, #tpu.memory_space<vmem>>) offsets(%dma_start3A_252 : memref<64xi32, #tpu.memory_space<vmem>>) semaphore(%arg15 : memref<!tpu.dma_semaphore, #tpu.memory_space<semaphore_mem>>)
      %dma_wait3A_256 = arith.constant 512 : i32
      %dma_wait3A_257 = tpu.memref_slice %arg7[%dma_wait3A_256] : memref<640xi32, #tpu.memory_space<vmem>> -> memref<64xi32, #tpu.memory_space<vmem>>
      %dma_wait3A_258 = arith.constant 0 : i32
      %dma_wait3A_259 = arith.constant 0 : i32
      %dma_wait3A_260 = tpu.memref_slice %arg4[%dma_wait3A_258, %dma_wait3A_259] : memref<20480x128xf32, #tpu.memory_space<hbm>> -> memref<20480x128xf32, #tpu.memory_space<hbm>>
      tpu.wait_indirect_dma semaphore(%arg14 : memref<!tpu.dma_semaphore, #tpu.memory_space<semaphore_mem>>) src(%dma_wait3A_260 : memref<20480x128xf32, #tpu.memory_space<hbm>>) dst(%arg10 : memref<64x128xf32, #tpu.memory_space<vmem>>)
      %dma_start3A_261 = arith.constant 8 : i32
      %dma_start3A_262 = arith.constant 0 : i32
      %dma_start3A_263 = tpu.memref_slice %arg9[%dma_start3A_261, %dma_start3A_262] : memref<10x64xi32, #tpu.memory_space<vmem>> -> memref<1x64xi32, #tpu.memory_space<vmem>>
      %dma_start3A_264 = tpu.memref_squeeze %dma_start3A_263 : memref<1x64xi32, #tpu.memory_space<vmem>> -> memref<64xi32, #tpu.memory_space<vmem>>
      %dma_start3A_265 = arith.constant 0 : i32
      %dma_start3A_266 = arith.constant 0 : i32
      %dma_start3A_267 = tpu.memref_slice %arg13[%dma_start3A_265, %dma_start3A_266] : memref<1152x128xf32, #tpu.memory_space<vmem_shared>> -> memref<1152x128xf32, #tpu.memory_space<vmem_shared>>
      tpu.enqueue_indirect_dma source(%arg10 : memref<64x128xf32, #tpu.memory_space<vmem>>) target(%dma_start3A_267 : memref<1152x128xf32, #tpu.memory_space<vmem_shared>>) offsets(%dma_start3A_264 : memref<64xi32, #tpu.memory_space<vmem>>) semaphore(%arg16 : memref<!tpu.dma_semaphore, #tpu.memory_space<semaphore_mem>>) {add = true}
      %dma_wait3A_268 = arith.constant 8 : i32
      %dma_wait3A_269 = arith.constant 0 : i32
      %dma_wait3A_270 = tpu.memref_slice %arg9[%dma_wait3A_268, %dma_wait3A_269] : memref<10x64xi32, #tpu.memory_space<vmem>> -> memref<1x64xi32, #tpu.memory_space<vmem>>
      %dma_wait3A_271 = tpu.memref_squeeze %dma_wait3A_270 : memref<1x64xi32, #tpu.memory_space<vmem>> -> memref<64xi32, #tpu.memory_space<vmem>>
      %dma_wait3A_272 = arith.constant 0 : i32
      %dma_wait3A_273 = arith.constant 0 : i32
      %dma_wait3A_274 = tpu.memref_slice %arg13[%dma_wait3A_272, %dma_wait3A_273] : memref<1152x128xf32, #tpu.memory_space<vmem_shared>> -> memref<1152x128xf32, #tpu.memory_space<vmem_shared>>
      tpu.wait_indirect_dma semaphore(%arg16 : memref<!tpu.dma_semaphore, #tpu.memory_space<semaphore_mem>>) src(%arg10 : memref<64x128xf32, #tpu.memory_space<vmem>>) dst(%dma_wait3A_274 : memref<1152x128xf32, #tpu.memory_space<vmem_shared>>)
      %dma_wait3A_275 = arith.constant 576 : i32
      %dma_wait3A_276 = tpu.memref_slice %arg7[%dma_wait3A_275] : memref<640xi32, #tpu.memory_space<vmem>> -> memref<64xi32, #tpu.memory_space<vmem>>
      %dma_wait3A_277 = arith.constant 0 : i32
      %dma_wait3A_278 = arith.constant 0 : i32
      %dma_wait3A_279 = tpu.memref_slice %arg4[%dma_wait3A_277, %dma_wait3A_278] : memref<20480x128xf32, #tpu.memory_space<hbm>> -> memref<20480x128xf32, #tpu.memory_space<hbm>>
      tpu.wait_indirect_dma semaphore(%arg15 : memref<!tpu.dma_semaphore, #tpu.memory_space<semaphore_mem>>) src(%dma_wait3A_279 : memref<20480x128xf32, #tpu.memory_space<hbm>>) dst(%arg11 : memref<64x128xf32, #tpu.memory_space<vmem>>)
      %dma_start3A_280 = arith.constant 9 : i32
      %dma_start3A_281 = arith.constant 0 : i32
      %dma_start3A_282 = tpu.memref_slice %arg9[%dma_start3A_280, %dma_start3A_281] : memref<10x64xi32, #tpu.memory_space<vmem>> -> memref<1x64xi32, #tpu.memory_space<vmem>>
      %dma_start3A_283 = tpu.memref_squeeze %dma_start3A_282 : memref<1x64xi32, #tpu.memory_space<vmem>> -> memref<64xi32, #tpu.memory_space<vmem>>
      %dma_start3A_284 = arith.constant 0 : i32
      %dma_start3A_285 = arith.constant 0 : i32
      %dma_start3A_286 = tpu.memref_slice %arg13[%dma_start3A_284, %dma_start3A_285] : memref<1152x128xf32, #tpu.memory_space<vmem_shared>> -> memref<1152x128xf32, #tpu.memory_space<vmem_shared>>
      tpu.enqueue_indirect_dma source(%arg11 : memref<64x128xf32, #tpu.memory_space<vmem>>) target(%dma_start3A_286 : memref<1152x128xf32, #tpu.memory_space<vmem_shared>>) offsets(%dma_start3A_283 : memref<64xi32, #tpu.memory_space<vmem>>) semaphore(%arg17 : memref<!tpu.dma_semaphore, #tpu.memory_space<semaphore_mem>>) {add = true}
      %dma_wait3A_287 = arith.constant 9 : i32
      %dma_wait3A_288 = arith.constant 0 : i32
      %dma_wait3A_289 = tpu.memref_slice %arg9[%dma_wait3A_287, %dma_wait3A_288] : memref<10x64xi32, #tpu.memory_space<vmem>> -> memref<1x64xi32, #tpu.memory_space<vmem>>
      %dma_wait3A_290 = tpu.memref_squeeze %dma_wait3A_289 : memref<1x64xi32, #tpu.memory_space<vmem>> -> memref<64xi32, #tpu.memory_space<vmem>>
      %dma_wait3A_291 = arith.constant 0 : i32
      %dma_wait3A_292 = arith.constant 0 : i32
      %dma_wait3A_293 = tpu.memref_slice %arg13[%dma_wait3A_291, %dma_wait3A_292] : memref<1152x128xf32, #tpu.memory_space<vmem_shared>> -> memref<1152x128xf32, #tpu.memory_space<vmem_shared>>
      tpu.wait_indirect_dma semaphore(%arg17 : memref<!tpu.dma_semaphore, #tpu.memory_space<semaphore_mem>>) src(%arg11 : memref<64x128xf32, #tpu.memory_space<vmem>>) dst(%dma_wait3A_293 : memref<1152x128xf32, #tpu.memory_space<vmem_shared>>)
      %scan3A_294 = arith.constant 0 : i32
      scf.yield %scan3A_294 : i32
    }
    %scan3A_28 = arith.constant 2 : i32
    %barrier3A_29 = arith.constant 0 : index
    tpu.barrier barrier_id(%barrier3A_29)
    %mul3A_30 = arith.constant 64 : i32
    %mul3A_31 = arith.muli %arg1, %mul3A_30 : i32
    %add3A_32 = arith.constant 0 : i32
    %add3A_33 = arith.addi %mul3A_31, %add3A_32 : i32
    "tpu.region"() ({
      %run_scoped3A = tpu.sem_alloc : memref<!tpu.dma_semaphore, #tpu.memory_space<semaphore_mem>>
      %dma_start3A = arith.constant 0 : i32
      %dma_start3A_40 = arith.constant 0 : i32
      %dma_start3A_41 = tpu.memref_slice %arg10[%dma_start3A, %dma_start3A_40] : memref<64x128xf32, #tpu.memory_space<vmem>> -> memref<64x128xf32, #tpu.memory_space<vmem>>
      %dma_start3A_42 = arith.constant 0 : i32
      %dma_start3A_43 = tpu.memref_slice %arg13[%add3A_33, %dma_start3A_42] : memref<1152x128xf32, #tpu.memory_space<vmem_shared>> -> memref<64x128xf32, #tpu.memory_space<vmem_shared>>
      %dma_start3A_44 = arith.constant 0 : i32
      %dma_start3A_45 = arith.constant 0 : i32
      %dma_start3A_46 = tpu.memref_slice %arg10[%dma_start3A_44, %dma_start3A_45] : memref<64x128xf32, #tpu.memory_space<vmem>> -> memref<64x128xf32, #tpu.memory_space<vmem>>
      %dma_start3A_47 = arith.constant 0 : i32
      %dma_start3A_48 = tpu.memref_slice %arg13[%add3A_33, %dma_start3A_47] : memref<1152x128xf32, #tpu.memory_space<vmem_shared>> -> memref<64x128xf32, #tpu.memory_space<vmem_shared>>
      tpu.enqueue_dma source(%dma_start3A_48 : memref<64x128xf32, #tpu.memory_space<vmem_shared>>) target(%dma_start3A_46 : memref<64x128xf32, #tpu.memory_space<vmem>>) target_semaphore(%run_scoped3A : memref<!tpu.dma_semaphore, #tpu.memory_space<semaphore_mem>>)
      %dma_wait3A = arith.constant 0 : i32
      %dma_wait3A_49 = arith.constant 0 : i32
      %dma_wait3A_50 = tpu.memref_slice %arg10[%dma_wait3A, %dma_wait3A_49] : memref<64x128xf32, #tpu.memory_space<vmem>> -> memref<64x128xf32, #tpu.memory_space<vmem>>
      %dma_wait3A_51 = arith.constant 0 : i32
      %dma_wait3A_52 = tpu.memref_slice %arg13[%add3A_33, %dma_wait3A_51] : memref<1152x128xf32, #tpu.memory_space<vmem_shared>> -> memref<64x128xf32, #tpu.memory_space<vmem_shared>>
      %dma_wait3A_53 = arith.constant 0 : i32
      %dma_wait3A_54 = arith.constant 0 : i32
      %dma_wait3A_55 = tpu.memref_slice %arg10[%dma_wait3A_53, %dma_wait3A_54] : memref<64x128xf32, #tpu.memory_space<vmem>> -> memref<64x128xf32, #tpu.memory_space<vmem>>
      %dma_wait3A_56 = arith.constant 0 : i32
      %dma_wait3A_57 = tpu.memref_slice %arg13[%add3A_33, %dma_wait3A_56] : memref<1152x128xf32, #tpu.memory_space<vmem_shared>> -> memref<64x128xf32, #tpu.memory_space<vmem_shared>>
      tpu.wait_dma2 semaphore(%run_scoped3A : memref<!tpu.dma_semaphore, #tpu.memory_space<semaphore_mem>>) src(%dma_wait3A_57 : memref<64x128xf32, #tpu.memory_space<vmem_shared>>) dst(%dma_wait3A_55 : memref<64x128xf32, #tpu.memory_space<vmem>>)
      tpu.yield
    }) : () -> ()
    %add3A_34 = arith.addi %mul3A_0, %mul3A_31 : i32
    %add3A_35 = arith.constant 0 : i32
    %add3A_36 = arith.addi %add3A_34, %add3A_35 : i32
    "tpu.region"() ({
      %run_scoped3A = tpu.sem_alloc : memref<!tpu.dma_semaphore, #tpu.memory_space<semaphore_mem>>
      %dma_start3A = arith.constant 0 : i32
      %dma_start3A_40 = arith.constant 0 : i32
      %dma_start3A_41 = tpu.memref_slice %arg10[%dma_start3A, %dma_start3A_40] : memref<64x128xf32, #tpu.memory_space<vmem>> -> memref<64x128xf32, #tpu.memory_space<vmem>>
      %dma_start3A_42 = arith.constant 0 : i32
      %dma_start3A_43 = tpu.memref_slice %arg5[%add3A_36, %dma_start3A_42] : memref<2048x128xf32, #tpu.memory_space<hbm>> -> memref<64x128xf32, #tpu.memory_space<hbm>>
      %dma_start3A_44 = arith.constant 0 : i32
      %dma_start3A_45 = tpu.memref_slice %arg5[%add3A_36, %dma_start3A_44] : memref<2048x128xf32, #tpu.memory_space<hbm>> -> memref<64x128xf32, #tpu.memory_space<hbm>>
      %dma_start3A_46 = arith.constant 0 : i32
      %dma_start3A_47 = arith.constant 0 : i32
      %dma_start3A_48 = tpu.memref_slice %arg10[%dma_start3A_46, %dma_start3A_47] : memref<64x128xf32, #tpu.memory_space<vmem>> -> memref<64x128xf32, #tpu.memory_space<vmem>>
      tpu.enqueue_dma source(%dma_start3A_48 : memref<64x128xf32, #tpu.memory_space<vmem>>) target(%dma_start3A_45 : memref<64x128xf32, #tpu.memory_space<hbm>>) target_semaphore(%run_scoped3A : memref<!tpu.dma_semaphore, #tpu.memory_space<semaphore_mem>>)
      %dma_wait3A = arith.constant 0 : i32
      %dma_wait3A_49 = arith.constant 0 : i32
      %dma_wait3A_50 = tpu.memref_slice %arg10[%dma_wait3A, %dma_wait3A_49] : memref<64x128xf32, #tpu.memory_space<vmem>> -> memref<64x128xf32, #tpu.memory_space<vmem>>
      %dma_wait3A_51 = arith.constant 0 : i32
      %dma_wait3A_52 = tpu.memref_slice %arg5[%add3A_36, %dma_wait3A_51] : memref<2048x128xf32, #tpu.memory_space<hbm>> -> memref<64x128xf32, #tpu.memory_space<hbm>>
      %dma_wait3A_53 = arith.constant 0 : i32
      %dma_wait3A_54 = tpu.memref_slice %arg5[%add3A_36, %dma_wait3A_53] : memref<2048x128xf32, #tpu.memory_space<hbm>> -> memref<64x128xf32, #tpu.memory_space<hbm>>
      %dma_wait3A_55 = arith.constant 0 : i32
      %dma_wait3A_56 = arith.constant 0 : i32
      %dma_wait3A_57 = tpu.memref_slice %arg10[%dma_wait3A_55, %dma_wait3A_56] : memref<64x128xf32, #tpu.memory_space<vmem>> -> memref<64x128xf32, #tpu.memory_space<vmem>>
      tpu.wait_dma2 semaphore(%run_scoped3A : memref<!tpu.dma_semaphore, #tpu.memory_space<semaphore_mem>>) src(%dma_wait3A_57 : memref<64x128xf32, #tpu.memory_space<vmem>>) dst(%dma_wait3A_54 : memref<64x128xf32, #tpu.memory_space<hbm>>)
      tpu.yield
    }) : () -> ()
    %mul3A_37 = arith.constant 2048 : i32
    %mul3A_38 = arith.muli %arg1, %mul3A_37 : i32
    %add3A_39 = arith.addi %mul3A_38, %mul3A_0 : i32
    "tpu.region"() ({
      %run_scoped3A = tpu.sem_alloc : memref<!tpu.dma_semaphore, #tpu.memory_space<semaphore_mem>>
      %dma_start3A = tpu.memref_slice %arg6[%add3A_39] : memref<32768xf32, #tpu.memory_space<hbm>> -> memref<1024xf32, #tpu.memory_space<hbm>>
      %dma_start3A_40 = tpu.memref_slice %arg6[%add3A_39] : memref<32768xf32, #tpu.memory_space<hbm>> -> memref<1024xf32, #tpu.memory_space<hbm>>
      tpu.enqueue_dma source(%arg12 : memref<1024xf32, #tpu.memory_space<vmem>>) target(%dma_start3A_40 : memref<1024xf32, #tpu.memory_space<hbm>>) target_semaphore(%run_scoped3A : memref<!tpu.dma_semaphore, #tpu.memory_space<semaphore_mem>>)
      %dma_wait3A = tpu.memref_slice %arg6[%add3A_39] : memref<32768xf32, #tpu.memory_space<hbm>> -> memref<1024xf32, #tpu.memory_space<hbm>>
      %dma_wait3A_41 = tpu.memref_slice %arg6[%add3A_39] : memref<32768xf32, #tpu.memory_space<hbm>> -> memref<1024xf32, #tpu.memory_space<hbm>>
      tpu.wait_dma2 semaphore(%run_scoped3A : memref<!tpu.dma_semaphore, #tpu.memory_space<semaphore_mem>>) src(%arg12 : memref<1024xf32, #tpu.memory_space<vmem>>) dst(%dma_wait3A_41 : memref<1024xf32, #tpu.memory_space<hbm>>)
      tpu.yield
    }) : () -> ()
    return
  }
}

#map = affine_map<(d0, d1) -> (0)>
#map1 = affine_map<(d0, d1) -> (0, 0)>
module attributes {stable_mosaic.version = 14 : i64} {
  func.func @agg_kernel(%arg0: i32, %arg1: i32, %arg2: memref<512000xi32, #tpu.memory_space<hbm>>, %arg3: memref<512000xi32, #tpu.memory_space<hbm>>, %arg4: memref<250000x128xf32, #tpu.memory_space<hbm>>, %arg5: memref<20480x128xf32, #tpu.memory_space<hbm>>, %arg6: memref<327680xf32, #tpu.memory_space<hbm>>, %arg7: memref<640xi32, #tpu.memory_space<vmem>>, %arg8: memref<640xi32, #tpu.memory_space<vmem>>, %arg9: memref<10x64xi32, #tpu.memory_space<vmem>>, %arg10: memref<64x128xf32, #tpu.memory_space<vmem>>, %arg11: memref<64x128xf32, #tpu.memory_space<vmem>>, %arg12: memref<10240xf32, #tpu.memory_space<vmem>>, %arg13: memref<10368x128xf32, #tpu.memory_space<vmem_shared>>, %arg14: memref<!tpu.dma_semaphore, #tpu.memory_space<semaphore_mem>>, %arg15: memref<!tpu.dma_semaphore, #tpu.memory_space<semaphore_mem>>, %arg16: memref<!tpu.dma_semaphore, #tpu.memory_space<semaphore_mem>>, %arg17: memref<!tpu.dma_semaphore, #tpu.memory_space<semaphore_mem>>) attributes {dimension_semantics = [#tpu.dimension_semantics<core_parallel>, #tpu.dimension_semantics<subcore_parallel>], iteration_bounds = array<i64: 2, 16>, scalar_prefetch = 0 : i64, scratch_operands = 11 : i64, tpu.core_type = #tpu.core_type<sc_vector_subcore>, window_params = [{transform_indices = #map}, {transform_indices = #map}, {transform_indices = #map1}, {transform_indices = #map1}, {transform_indices = #map}]} {
    %mul3A = arith.constant 10240 : i32
    %mul3A_0 = arith.muli %arg0, %mul3A : i32
    %broadcast_in_dim3A = arith.constant 0.000000e+00 : f32
    %broadcast_in_dim3A_1 = vector.broadcast %broadcast_in_dim3A : f32 to vector<16xf32>
    %broadcast_in_dim3A_2 = arith.constant 1.000000e+00 : f32
    %broadcast_in_dim3A_3 = vector.broadcast %broadcast_in_dim3A_2 : f32 to vector<16xf32>
    %scan3A = arith.constant 0 : i32
    %scan3A_4 = arith.constant 0 : i32
    %scan3A_5 = arith.constant 64 : i32
    %scan3A_6 = arith.addi %scan3A_4, %scan3A_5 : i32
    %scan3A_7 = arith.constant 1 : i32
    %scan3A_8 = scf.for %scan3A_103 = %scan3A_4 to %scan3A_6 step %scan3A_7 iter_args(%scan3A_104 = %scan3A) -> (i32)  : i32 {
      %swap3A = arith.index_cast %scan3A_103 : i32 to index
      %swap3A_105 = arith.constant 0 : index
      %swap3A_106 = tpu.vector_load %arg10[%swap3A, %swap3A_105] {strides = array<i32>} : memref<64x128xf32, #tpu.memory_space<vmem>>, vector<16xf32>,
      tpu.vector_store %arg10[%swap3A, %swap3A_105], %broadcast_in_dim3A_1 {strides = array<i32>} : memref<64x128xf32, #tpu.memory_space<vmem>>, vector<16xf32>,
      %swap3A_107 = arith.index_cast %scan3A_103 : i32 to index
      %swap3A_108 = arith.constant 0 : index
      %swap3A_109 = tpu.vector_load %arg11[%swap3A_107, %swap3A_108] {strides = array<i32>} : memref<64x128xf32, #tpu.memory_space<vmem>>, vector<16xf32>,
      tpu.vector_store %arg11[%swap3A_107, %swap3A_108], %broadcast_in_dim3A_1 {strides = array<i32>} : memref<64x128xf32, #tpu.memory_space<vmem>>, vector<16xf32>,
      %swap3A_110 = arith.index_cast %scan3A_103 : i32 to index
      %swap3A_111 = arith.constant 16 : index
      %swap3A_112 = tpu.vector_load %arg10[%swap3A_110, %swap3A_111] {strides = array<i32>} : memref<64x128xf32, #tpu.memory_space<vmem>>, vector<16xf32>,
      tpu.vector_store %arg10[%swap3A_110, %swap3A_111], %broadcast_in_dim3A_1 {strides = array<i32>} : memref<64x128xf32, #tpu.memory_space<vmem>>, vector<16xf32>,
      %swap3A_113 = arith.index_cast %scan3A_103 : i32 to index
      %swap3A_114 = arith.constant 16 : index
      %swap3A_115 = tpu.vector_load %arg11[%swap3A_113, %swap3A_114] {strides = array<i32>} : memref<64x128xf32, #tpu.memory_space<vmem>>, vector<16xf32>,
      tpu.vector_store %arg11[%swap3A_113, %swap3A_114], %broadcast_in_dim3A_1 {strides = array<i32>} : memref<64x128xf32, #tpu.memory_space<vmem>>, vector<16xf32>,
      %swap3A_116 = arith.index_cast %scan3A_103 : i32 to index
      %swap3A_117 = arith.constant 32 : index
      %swap3A_118 = tpu.vector_load %arg10[%swap3A_116, %swap3A_117] {strides = array<i32>} : memref<64x128xf32, #tpu.memory_space<vmem>>, vector<16xf32>,
      tpu.vector_store %arg10[%swap3A_116, %swap3A_117], %broadcast_in_dim3A_1 {strides = array<i32>} : memref<64x128xf32, #tpu.memory_space<vmem>>, vector<16xf32>,
      %swap3A_119 = arith.index_cast %scan3A_103 : i32 to index
      %swap3A_120 = arith.constant 32 : index
      %swap3A_121 = tpu.vector_load %arg11[%swap3A_119, %swap3A_120] {strides = array<i32>} : memref<64x128xf32, #tpu.memory_space<vmem>>, vector<16xf32>,
      tpu.vector_store %arg11[%swap3A_119, %swap3A_120], %broadcast_in_dim3A_1 {strides = array<i32>} : memref<64x128xf32, #tpu.memory_space<vmem>>, vector<16xf32>,
      %swap3A_122 = arith.index_cast %scan3A_103 : i32 to index
      %swap3A_123 = arith.constant 48 : index
      %swap3A_124 = tpu.vector_load %arg10[%swap3A_122, %swap3A_123] {strides = array<i32>} : memref<64x128xf32, #tpu.memory_space<vmem>>, vector<16xf32>,
      tpu.vector_store %arg10[%swap3A_122, %swap3A_123], %broadcast_in_dim3A_1 {strides = array<i32>} : memref<64x128xf32, #tpu.memory_space<vmem>>, vector<16xf32>,
      %swap3A_125 = arith.index_cast %scan3A_103 : i32 to index
      %swap3A_126 = arith.constant 48 : index
      %swap3A_127 = tpu.vector_load %arg11[%swap3A_125, %swap3A_126] {strides = array<i32>} : memref<64x128xf32, #tpu.memory_space<vmem>>, vector<16xf32>,
      tpu.vector_store %arg11[%swap3A_125, %swap3A_126], %broadcast_in_dim3A_1 {strides = array<i32>} : memref<64x128xf32, #tpu.memory_space<vmem>>, vector<16xf32>,
      %swap3A_128 = arith.index_cast %scan3A_103 : i32 to index
      %swap3A_129 = arith.constant 64 : index
      %swap3A_130 = tpu.vector_load %arg10[%swap3A_128, %swap3A_129] {strides = array<i32>} : memref<64x128xf32, #tpu.memory_space<vmem>>, vector<16xf32>,
      tpu.vector_store %arg10[%swap3A_128, %swap3A_129], %broadcast_in_dim3A_1 {strides = array<i32>} : memref<64x128xf32, #tpu.memory_space<vmem>>, vector<16xf32>,
      %swap3A_131 = arith.index_cast %scan3A_103 : i32 to index
      %swap3A_132 = arith.constant 64 : index
      %swap3A_133 = tpu.vector_load %arg11[%swap3A_131, %swap3A_132] {strides = array<i32>} : memref<64x128xf32, #tpu.memory_space<vmem>>, vector<16xf32>,
      tpu.vector_store %arg11[%swap3A_131, %swap3A_132], %broadcast_in_dim3A_1 {strides = array<i32>} : memref<64x128xf32, #tpu.memory_space<vmem>>, vector<16xf32>,
      %swap3A_134 = arith.index_cast %scan3A_103 : i32 to index
      %swap3A_135 = arith.constant 80 : index
      %swap3A_136 = tpu.vector_load %arg10[%swap3A_134, %swap3A_135] {strides = array<i32>} : memref<64x128xf32, #tpu.memory_space<vmem>>, vector<16xf32>,
      tpu.vector_store %arg10[%swap3A_134, %swap3A_135], %broadcast_in_dim3A_1 {strides = array<i32>} : memref<64x128xf32, #tpu.memory_space<vmem>>, vector<16xf32>,
      %swap3A_137 = arith.index_cast %scan3A_103 : i32 to index
      %swap3A_138 = arith.constant 80 : index
      %swap3A_139 = tpu.vector_load %arg11[%swap3A_137, %swap3A_138] {strides = array<i32>} : memref<64x128xf32, #tpu.memory_space<vmem>>, vector<16xf32>,
      tpu.vector_store %arg11[%swap3A_137, %swap3A_138], %broadcast_in_dim3A_1 {strides = array<i32>} : memref<64x128xf32, #tpu.memory_space<vmem>>, vector<16xf32>,
      %swap3A_140 = arith.index_cast %scan3A_103 : i32 to index
      %swap3A_141 = arith.constant 96 : index
      %swap3A_142 = tpu.vector_load %arg10[%swap3A_140, %swap3A_141] {strides = array<i32>} : memref<64x128xf32, #tpu.memory_space<vmem>>, vector<16xf32>,
      tpu.vector_store %arg10[%swap3A_140, %swap3A_141], %broadcast_in_dim3A_1 {strides = array<i32>} : memref<64x128xf32, #tpu.memory_space<vmem>>, vector<16xf32>,
      %swap3A_143 = arith.index_cast %scan3A_103 : i32 to index
      %swap3A_144 = arith.constant 96 : index
      %swap3A_145 = tpu.vector_load %arg11[%swap3A_143, %swap3A_144] {strides = array<i32>} : memref<64x128xf32, #tpu.memory_space<vmem>>, vector<16xf32>,
      tpu.vector_store %arg11[%swap3A_143, %swap3A_144], %broadcast_in_dim3A_1 {strides = array<i32>} : memref<64x128xf32, #tpu.memory_space<vmem>>, vector<16xf32>,
      %swap3A_146 = arith.index_cast %scan3A_103 : i32 to index
      %swap3A_147 = arith.constant 112 : index
      %swap3A_148 = tpu.vector_load %arg10[%swap3A_146, %swap3A_147] {strides = array<i32>} : memref<64x128xf32, #tpu.memory_space<vmem>>, vector<16xf32>,
      tpu.vector_store %arg10[%swap3A_146, %swap3A_147], %broadcast_in_dim3A_1 {strides = array<i32>} : memref<64x128xf32, #tpu.memory_space<vmem>>, vector<16xf32>,
      %swap3A_149 = arith.index_cast %scan3A_103 : i32 to index
      %swap3A_150 = arith.constant 112 : index
      %swap3A_151 = tpu.vector_load %arg11[%swap3A_149, %swap3A_150] {strides = array<i32>} : memref<64x128xf32, #tpu.memory_space<vmem>>, vector<16xf32>,
      tpu.vector_store %arg11[%swap3A_149, %swap3A_150], %broadcast_in_dim3A_1 {strides = array<i32>} : memref<64x128xf32, #tpu.memory_space<vmem>>, vector<16xf32>,
      %scan3A_152 = arith.constant 0 : i32
      scf.yield %scan3A_152 : i32
    }
    %scan3A_9 = arith.constant 64 : i32
    %scan3A_10 = arith.constant 0 : i32
    %scan3A_11 = arith.constant 0 : i32
    %scan3A_12 = arith.constant 640 : i32
    %scan3A_13 = arith.addi %scan3A_11, %scan3A_12 : i32
    %scan3A_14 = arith.constant 1 : i32
    %scan3A_15 = scf.for %scan3A_103 = %scan3A_11 to %scan3A_13 step %scan3A_14 iter_args(%scan3A_104 = %scan3A_10) -> (i32)  : i32 {
      %mul3A_105 = arith.constant 16 : i32
      %mul3A_106 = arith.muli %scan3A_103, %mul3A_105 : i32
      %swap3A = arith.index_cast %mul3A_106 : i32 to index
      %swap3A_107 = tpu.vector_load %arg12[%swap3A] {strides = array<i32>} : memref<10240xf32, #tpu.memory_space<vmem>>, vector<16xf32>,
      tpu.vector_store %arg12[%swap3A], %broadcast_in_dim3A_1 {strides = array<i32>} : memref<10240xf32, #tpu.memory_space<vmem>>, vector<16xf32>,
      %scan3A_108 = arith.constant 0 : i32
      scf.yield %scan3A_108 : i32
    }
    %scan3A_16 = arith.constant 640 : i32
    %mul3A_17 = arith.constant 648 : i32
    %mul3A_18 = arith.muli %arg1, %mul3A_17 : i32
    %add3A = arith.constant 0 : i32
    %add3A_19 = arith.addi %mul3A_18, %add3A : i32
    "tpu.region"() ({
      %run_scoped3A = tpu.sem_alloc : memref<!tpu.dma_semaphore, #tpu.memory_space<semaphore_mem>>
      %dma_start3A = arith.constant 0 : i32
      %dma_start3A_103 = arith.constant 0 : i32
      %dma_start3A_104 = tpu.memref_slice %arg10[%dma_start3A, %dma_start3A_103] : memref<64x128xf32, #tpu.memory_space<vmem>> -> memref<64x128xf32, #tpu.memory_space<vmem>>
      %dma_start3A_105 = arith.constant 0 : i32
      %dma_start3A_106 = tpu.memref_slice %arg13[%add3A_19, %dma_start3A_105] : memref<10368x128xf32, #tpu.memory_space<vmem_shared>> -> memref<64x128xf32, #tpu.memory_space<vmem_shared>>
      %dma_start3A_107 = arith.constant 0 : i32
      %dma_start3A_108 = tpu.memref_slice %arg13[%add3A_19, %dma_start3A_107] : memref<10368x128xf32, #tpu.memory_space<vmem_shared>> -> memref<64x128xf32, #tpu.memory_space<vmem_shared>>
      %dma_start3A_109 = arith.constant 0 : i32
      %dma_start3A_110 = arith.constant 0 : i32
      %dma_start3A_111 = tpu.memref_slice %arg10[%dma_start3A_109, %dma_start3A_110] : memref<64x128xf32, #tpu.memory_space<vmem>> -> memref<64x128xf32, #tpu.memory_space<vmem>>
      tpu.enqueue_dma source(%dma_start3A_111 : memref<64x128xf32, #tpu.memory_space<vmem>>) target(%dma_start3A_108 : memref<64x128xf32, #tpu.memory_space<vmem_shared>>) target_semaphore(%run_scoped3A : memref<!tpu.dma_semaphore, #tpu.memory_space<semaphore_mem>>)
      %dma_wait3A = arith.constant 0 : i32
      %dma_wait3A_112 = arith.constant 0 : i32
      %dma_wait3A_113 = tpu.memref_slice %arg10[%dma_wait3A, %dma_wait3A_112] : memref<64x128xf32, #tpu.memory_space<vmem>> -> memref<64x128xf32, #tpu.memory_space<vmem>>
      %dma_wait3A_114 = arith.constant 0 : i32
      %dma_wait3A_115 = tpu.memref_slice %arg13[%add3A_19, %dma_wait3A_114] : memref<10368x128xf32, #tpu.memory_space<vmem_shared>> -> memref<64x128xf32, #tpu.memory_space<vmem_shared>>
      %dma_wait3A_116 = arith.constant 0 : i32
      %dma_wait3A_117 = tpu.memref_slice %arg13[%add3A_19, %dma_wait3A_116] : memref<10368x128xf32, #tpu.memory_space<vmem_shared>> -> memref<64x128xf32, #tpu.memory_space<vmem_shared>>
      %dma_wait3A_118 = arith.constant 0 : i32
      %dma_wait3A_119 = arith.constant 0 : i32
      %dma_wait3A_120 = tpu.memref_slice %arg10[%dma_wait3A_118, %dma_wait3A_119] : memref<64x128xf32, #tpu.memory_space<vmem>> -> memref<64x128xf32, #tpu.memory_space<vmem>>
      tpu.wait_dma2 semaphore(%run_scoped3A : memref<!tpu.dma_semaphore, #tpu.memory_space<semaphore_mem>>) src(%dma_wait3A_120 : memref<64x128xf32, #tpu.memory_space<vmem>>) dst(%dma_wait3A_117 : memref<64x128xf32, #tpu.memory_space<vmem_shared>>)
      tpu.yield
    }) : () -> ()
    %add3A_20 = arith.constant 64 : i32
    %add3A_21 = arith.addi %mul3A_18, %add3A_20 : i32
    "tpu.region"() ({
      %run_scoped3A = tpu.sem_alloc : memref<!tpu.dma_semaphore, #tpu.memory_space<semaphore_mem>>
      %dma_start3A = arith.constant 0 : i32
      %dma_start3A_103 = arith.constant 0 : i32
      %dma_start3A_104 = tpu.memref_slice %arg10[%dma_start3A, %dma_start3A_103] : memref<64x128xf32, #tpu.memory_space<vmem>> -> memref<64x128xf32, #tpu.memory_space<vmem>>
      %dma_start3A_105 = arith.constant 0 : i32
      %dma_start3A_106 = tpu.memref_slice %arg13[%add3A_21, %dma_start3A_105] : memref<10368x128xf32, #tpu.memory_space<vmem_shared>> -> memref<64x128xf32, #tpu.memory_space<vmem_shared>>
      %dma_start3A_107 = arith.constant 0 : i32
      %dma_start3A_108 = tpu.memref_slice %arg13[%add3A_21, %dma_start3A_107] : memref<10368x128xf32, #tpu.memory_space<vmem_shared>> -> memref<64x128xf32, #tpu.memory_space<vmem_shared>>
      %dma_start3A_109 = arith.constant 0 : i32
      %dma_start3A_110 = arith.constant 0 : i32
      %dma_start3A_111 = tpu.memref_slice %arg10[%dma_start3A_109, %dma_start3A_110] : memref<64x128xf32, #tpu.memory_space<vmem>> -> memref<64x128xf32, #tpu.memory_space<vmem>>
      tpu.enqueue_dma source(%dma_start3A_111 : memref<64x128xf32, #tpu.memory_space<vmem>>) target(%dma_start3A_108 : memref<64x128xf32, #tpu.memory_space<vmem_shared>>) target_semaphore(%run_scoped3A : memref<!tpu.dma_semaphore, #tpu.memory_space<semaphore_mem>>)
      %dma_wait3A = arith.constant 0 : i32
      %dma_wait3A_112 = arith.constant 0 : i32
      %dma_wait3A_113 = tpu.memref_slice %arg10[%dma_wait3A, %dma_wait3A_112] : memref<64x128xf32, #tpu.memory_space<vmem>> -> memref<64x128xf32, #tpu.memory_space<vmem>>
      %dma_wait3A_114 = arith.constant 0 : i32
      %dma_wait3A_115 = tpu.memref_slice %arg13[%add3A_21, %dma_wait3A_114] : memref<10368x128xf32, #tpu.memory_space<vmem_shared>> -> memref<64x128xf32, #tpu.memory_space<vmem_shared>>
      %dma_wait3A_116 = arith.constant 0 : i32
      %dma_wait3A_117 = tpu.memref_slice %arg13[%add3A_21, %dma_wait3A_116] : memref<10368x128xf32, #tpu.memory_space<vmem_shared>> -> memref<64x128xf32, #tpu.memory_space<vmem_shared>>
      %dma_wait3A_118 = arith.constant 0 : i32
      %dma_wait3A_119 = arith.constant 0 : i32
      %dma_wait3A_120 = tpu.memref_slice %arg10[%dma_wait3A_118, %dma_wait3A_119] : memref<64x128xf32, #tpu.memory_space<vmem>> -> memref<64x128xf32, #tpu.memory_space<vmem>>
      tpu.wait_dma2 semaphore(%run_scoped3A : memref<!tpu.dma_semaphore, #tpu.memory_space<semaphore_mem>>) src(%dma_wait3A_120 : memref<64x128xf32, #tpu.memory_space<vmem>>) dst(%dma_wait3A_117 : memref<64x128xf32, #tpu.memory_space<vmem_shared>>)
      tpu.yield
    }) : () -> ()
    %add3A_22 = arith.constant 128 : i32
    %add3A_23 = arith.addi %mul3A_18, %add3A_22 : i32
    "tpu.region"() ({
      %run_scoped3A = tpu.sem_alloc : memref<!tpu.dma_semaphore, #tpu.memory_space<semaphore_mem>>
      %dma_start3A = arith.constant 0 : i32
      %dma_start3A_103 = arith.constant 0 : i32
      %dma_start3A_104 = tpu.memref_slice %arg10[%dma_start3A, %dma_start3A_103] : memref<64x128xf32, #tpu.memory_space<vmem>> -> memref<64x128xf32, #tpu.memory_space<vmem>>
      %dma_start3A_105 = arith.constant 0 : i32
      %dma_start3A_106 = tpu.memref_slice %arg13[%add3A_23, %dma_start3A_105] : memref<10368x128xf32, #tpu.memory_space<vmem_shared>> -> memref<64x128xf32, #tpu.memory_space<vmem_shared>>
      %dma_start3A_107 = arith.constant 0 : i32
      %dma_start3A_108 = tpu.memref_slice %arg13[%add3A_23, %dma_start3A_107] : memref<10368x128xf32, #tpu.memory_space<vmem_shared>> -> memref<64x128xf32, #tpu.memory_space<vmem_shared>>
      %dma_start3A_109 = arith.constant 0 : i32
      %dma_start3A_110 = arith.constant 0 : i32
      %dma_start3A_111 = tpu.memref_slice %arg10[%dma_start3A_109, %dma_start3A_110] : memref<64x128xf32, #tpu.memory_space<vmem>> -> memref<64x128xf32, #tpu.memory_space<vmem>>
      tpu.enqueue_dma source(%dma_start3A_111 : memref<64x128xf32, #tpu.memory_space<vmem>>) target(%dma_start3A_108 : memref<64x128xf32, #tpu.memory_space<vmem_shared>>) target_semaphore(%run_scoped3A : memref<!tpu.dma_semaphore, #tpu.memory_space<semaphore_mem>>)
      %dma_wait3A = arith.constant 0 : i32
      %dma_wait3A_112 = arith.constant 0 : i32
      %dma_wait3A_113 = tpu.memref_slice %arg10[%dma_wait3A, %dma_wait3A_112] : memref<64x128xf32, #tpu.memory_space<vmem>> -> memref<64x128xf32, #tpu.memory_space<vmem>>
      %dma_wait3A_114 = arith.constant 0 : i32
      %dma_wait3A_115 = tpu.memref_slice %arg13[%add3A_23, %dma_wait3A_114] : memref<10368x128xf32, #tpu.memory_space<vmem_shared>> -> memref<64x128xf32, #tpu.memory_space<vmem_shared>>
      %dma_wait3A_116 = arith.constant 0 : i32
      %dma_wait3A_117 = tpu.memref_slice %arg13[%add3A_23, %dma_wait3A_116] : memref<10368x128xf32, #tpu.memory_space<vmem_shared>> -> memref<64x128xf32, #tpu.memory_space<vmem_shared>>
      %dma_wait3A_118 = arith.constant 0 : i32
      %dma_wait3A_119 = arith.constant 0 : i32
      %dma_wait3A_120 = tpu.memref_slice %arg10[%dma_wait3A_118, %dma_wait3A_119] : memref<64x128xf32, #tpu.memory_space<vmem>> -> memref<64x128xf32, #tpu.memory_space<vmem>>
      tpu.wait_dma2 semaphore(%run_scoped3A : memref<!tpu.dma_semaphore, #tpu.memory_space<semaphore_mem>>) src(%dma_wait3A_120 : memref<64x128xf32, #tpu.memory_space<vmem>>) dst(%dma_wait3A_117 : memref<64x128xf32, #tpu.memory_space<vmem_shared>>)
      tpu.yield
    }) : () -> ()
    %add3A_24 = arith.constant 192 : i32
    %add3A_25 = arith.addi %mul3A_18, %add3A_24 : i32
    "tpu.region"() ({
      %run_scoped3A = tpu.sem_alloc : memref<!tpu.dma_semaphore, #tpu.memory_space<semaphore_mem>>
      %dma_start3A = arith.constant 0 : i32
      %dma_start3A_103 = arith.constant 0 : i32
      %dma_start3A_104 = tpu.memref_slice %arg10[%dma_start3A, %dma_start3A_103] : memref<64x128xf32, #tpu.memory_space<vmem>> -> memref<64x128xf32, #tpu.memory_space<vmem>>
      %dma_start3A_105 = arith.constant 0 : i32
      %dma_start3A_106 = tpu.memref_slice %arg13[%add3A_25, %dma_start3A_105] : memref<10368x128xf32, #tpu.memory_space<vmem_shared>> -> memref<64x128xf32, #tpu.memory_space<vmem_shared>>
      %dma_start3A_107 = arith.constant 0 : i32
      %dma_start3A_108 = tpu.memref_slice %arg13[%add3A_25, %dma_start3A_107] : memref<10368x128xf32, #tpu.memory_space<vmem_shared>> -> memref<64x128xf32, #tpu.memory_space<vmem_shared>>
      %dma_start3A_109 = arith.constant 0 : i32
      %dma_start3A_110 = arith.constant 0 : i32
      %dma_start3A_111 = tpu.memref_slice %arg10[%dma_start3A_109, %dma_start3A_110] : memref<64x128xf32, #tpu.memory_space<vmem>> -> memref<64x128xf32, #tpu.memory_space<vmem>>
      tpu.enqueue_dma source(%dma_start3A_111 : memref<64x128xf32, #tpu.memory_space<vmem>>) target(%dma_start3A_108 : memref<64x128xf32, #tpu.memory_space<vmem_shared>>) target_semaphore(%run_scoped3A : memref<!tpu.dma_semaphore, #tpu.memory_space<semaphore_mem>>)
      %dma_wait3A = arith.constant 0 : i32
      %dma_wait3A_112 = arith.constant 0 : i32
      %dma_wait3A_113 = tpu.memref_slice %arg10[%dma_wait3A, %dma_wait3A_112] : memref<64x128xf32, #tpu.memory_space<vmem>> -> memref<64x128xf32, #tpu.memory_space<vmem>>
      %dma_wait3A_114 = arith.constant 0 : i32
      %dma_wait3A_115 = tpu.memref_slice %arg13[%add3A_25, %dma_wait3A_114] : memref<10368x128xf32, #tpu.memory_space<vmem_shared>> -> memref<64x128xf32, #tpu.memory_space<vmem_shared>>
      %dma_wait3A_116 = arith.constant 0 : i32
      %dma_wait3A_117 = tpu.memref_slice %arg13[%add3A_25, %dma_wait3A_116] : memref<10368x128xf32, #tpu.memory_space<vmem_shared>> -> memref<64x128xf32, #tpu.memory_space<vmem_shared>>
      %dma_wait3A_118 = arith.constant 0 : i32
      %dma_wait3A_119 = arith.constant 0 : i32
      %dma_wait3A_120 = tpu.memref_slice %arg10[%dma_wait3A_118, %dma_wait3A_119] : memref<64x128xf32, #tpu.memory_space<vmem>> -> memref<64x128xf32, #tpu.memory_space<vmem>>
      tpu.wait_dma2 semaphore(%run_scoped3A : memref<!tpu.dma_semaphore, #tpu.memory_space<semaphore_mem>>) src(%dma_wait3A_120 : memref<64x128xf32, #tpu.memory_space<vmem>>) dst(%dma_wait3A_117 : memref<64x128xf32, #tpu.memory_space<vmem_shared>>)
      tpu.yield
    }) : () -> ()
    %add3A_26 = arith.constant 256 : i32
    %add3A_27 = arith.addi %mul3A_18, %add3A_26 : i32
    "tpu.region"() ({
      %run_scoped3A = tpu.sem_alloc : memref<!tpu.dma_semaphore, #tpu.memory_space<semaphore_mem>>
      %dma_start3A = arith.constant 0 : i32
      %dma_start3A_103 = arith.constant 0 : i32
      %dma_start3A_104 = tpu.memref_slice %arg10[%dma_start3A, %dma_start3A_103] : memref<64x128xf32, #tpu.memory_space<vmem>> -> memref<64x128xf32, #tpu.memory_space<vmem>>
      %dma_start3A_105 = arith.constant 0 : i32
      %dma_start3A_106 = tpu.memref_slice %arg13[%add3A_27, %dma_start3A_105] : memref<10368x128xf32, #tpu.memory_space<vmem_shared>> -> memref<64x128xf32, #tpu.memory_space<vmem_shared>>
      %dma_start3A_107 = arith.constant 0 : i32
      %dma_start3A_108 = tpu.memref_slice %arg13[%add3A_27, %dma_start3A_107] : memref<10368x128xf32, #tpu.memory_space<vmem_shared>> -> memref<64x128xf32, #tpu.memory_space<vmem_shared>>
      %dma_start3A_109 = arith.constant 0 : i32
      %dma_start3A_110 = arith.constant 0 : i32
      %dma_start3A_111 = tpu.memref_slice %arg10[%dma_start3A_109, %dma_start3A_110] : memref<64x128xf32, #tpu.memory_space<vmem>> -> memref<64x128xf32, #tpu.memory_space<vmem>>
      tpu.enqueue_dma source(%dma_start3A_111 : memref<64x128xf32, #tpu.memory_space<vmem>>) target(%dma_start3A_108 : memref<64x128xf32, #tpu.memory_space<vmem_shared>>) target_semaphore(%run_scoped3A : memref<!tpu.dma_semaphore, #tpu.memory_space<semaphore_mem>>)
      %dma_wait3A = arith.constant 0 : i32
      %dma_wait3A_112 = arith.constant 0 : i32
      %dma_wait3A_113 = tpu.memref_slice %arg10[%dma_wait3A, %dma_wait3A_112] : memref<64x128xf32, #tpu.memory_space<vmem>> -> memref<64x128xf32, #tpu.memory_space<vmem>>
      %dma_wait3A_114 = arith.constant 0 : i32
      %dma_wait3A_115 = tpu.memref_slice %arg13[%add3A_27, %dma_wait3A_114] : memref<10368x128xf32, #tpu.memory_space<vmem_shared>> -> memref<64x128xf32, #tpu.memory_space<vmem_shared>>
      %dma_wait3A_116 = arith.constant 0 : i32
      %dma_wait3A_117 = tpu.memref_slice %arg13[%add3A_27, %dma_wait3A_116] : memref<10368x128xf32, #tpu.memory_space<vmem_shared>> -> memref<64x128xf32, #tpu.memory_space<vmem_shared>>
      %dma_wait3A_118 = arith.constant 0 : i32
      %dma_wait3A_119 = arith.constant 0 : i32
      %dma_wait3A_120 = tpu.memref_slice %arg10[%dma_wait3A_118, %dma_wait3A_119] : memref<64x128xf32, #tpu.memory_space<vmem>> -> memref<64x128xf32, #tpu.memory_space<vmem>>
      tpu.wait_dma2 semaphore(%run_scoped3A : memref<!tpu.dma_semaphore, #tpu.memory_space<semaphore_mem>>) src(%dma_wait3A_120 : memref<64x128xf32, #tpu.memory_space<vmem>>) dst(%dma_wait3A_117 : memref<64x128xf32, #tpu.memory_space<vmem_shared>>)
      tpu.yield
    }) : () -> ()
    %add3A_28 = arith.constant 320 : i32
    %add3A_29 = arith.addi %mul3A_18, %add3A_28 : i32
    "tpu.region"() ({
      %run_scoped3A = tpu.sem_alloc : memref<!tpu.dma_semaphore, #tpu.memory_space<semaphore_mem>>
      %dma_start3A = arith.constant 0 : i32
      %dma_start3A_103 = arith.constant 0 : i32
      %dma_start3A_104 = tpu.memref_slice %arg10[%dma_start3A, %dma_start3A_103] : memref<64x128xf32, #tpu.memory_space<vmem>> -> memref<64x128xf32, #tpu.memory_space<vmem>>
      %dma_start3A_105 = arith.constant 0 : i32
      %dma_start3A_106 = tpu.memref_slice %arg13[%add3A_29, %dma_start3A_105] : memref<10368x128xf32, #tpu.memory_space<vmem_shared>> -> memref<64x128xf32, #tpu.memory_space<vmem_shared>>
      %dma_start3A_107 = arith.constant 0 : i32
      %dma_start3A_108 = tpu.memref_slice %arg13[%add3A_29, %dma_start3A_107] : memref<10368x128xf32, #tpu.memory_space<vmem_shared>> -> memref<64x128xf32, #tpu.memory_space<vmem_shared>>
      %dma_start3A_109 = arith.constant 0 : i32
      %dma_start3A_110 = arith.constant 0 : i32
      %dma_start3A_111 = tpu.memref_slice %arg10[%dma_start3A_109, %dma_start3A_110] : memref<64x128xf32, #tpu.memory_space<vmem>> -> memref<64x128xf32, #tpu.memory_space<vmem>>
      tpu.enqueue_dma source(%dma_start3A_111 : memref<64x128xf32, #tpu.memory_space<vmem>>) target(%dma_start3A_108 : memref<64x128xf32, #tpu.memory_space<vmem_shared>>) target_semaphore(%run_scoped3A : memref<!tpu.dma_semaphore, #tpu.memory_space<semaphore_mem>>)
      %dma_wait3A = arith.constant 0 : i32
      %dma_wait3A_112 = arith.constant 0 : i32
      %dma_wait3A_113 = tpu.memref_slice %arg10[%dma_wait3A, %dma_wait3A_112] : memref<64x128xf32, #tpu.memory_space<vmem>> -> memref<64x128xf32, #tpu.memory_space<vmem>>
      %dma_wait3A_114 = arith.constant 0 : i32
      %dma_wait3A_115 = tpu.memref_slice %arg13[%add3A_29, %dma_wait3A_114] : memref<10368x128xf32, #tpu.memory_space<vmem_shared>> -> memref<64x128xf32, #tpu.memory_space<vmem_shared>>
      %dma_wait3A_116 = arith.constant 0 : i32
      %dma_wait3A_117 = tpu.memref_slice %arg13[%add3A_29, %dma_wait3A_116] : memref<10368x128xf32, #tpu.memory_space<vmem_shared>> -> memref<64x128xf32, #tpu.memory_space<vmem_shared>>
      %dma_wait3A_118 = arith.constant 0 : i32
      %dma_wait3A_119 = arith.constant 0 : i32
      %dma_wait3A_120 = tpu.memref_slice %arg10[%dma_wait3A_118, %dma_wait3A_119] : memref<64x128xf32, #tpu.memory_space<vmem>> -> memref<64x128xf32, #tpu.memory_space<vmem>>
      tpu.wait_dma2 semaphore(%run_scoped3A : memref<!tpu.dma_semaphore, #tpu.memory_space<semaphore_mem>>) src(%dma_wait3A_120 : memref<64x128xf32, #tpu.memory_space<vmem>>) dst(%dma_wait3A_117 : memref<64x128xf32, #tpu.memory_space<vmem_shared>>)
      tpu.yield
    }) : () -> ()
    %add3A_30 = arith.constant 384 : i32
    %add3A_31 = arith.addi %mul3A_18, %add3A_30 : i32
    "tpu.region"() ({
      %run_scoped3A = tpu.sem_alloc : memref<!tpu.dma_semaphore, #tpu.memory_space<semaphore_mem>>
      %dma_start3A = arith.constant 0 : i32
      %dma_start3A_103 = arith.constant 0 : i32
      %dma_start3A_104 = tpu.memref_slice %arg10[%dma_start3A, %dma_start3A_103] : memref<64x128xf32, #tpu.memory_space<vmem>> -> memref<64x128xf32, #tpu.memory_space<vmem>>
      %dma_start3A_105 = arith.constant 0 : i32
      %dma_start3A_106 = tpu.memref_slice %arg13[%add3A_31, %dma_start3A_105] : memref<10368x128xf32, #tpu.memory_space<vmem_shared>> -> memref<64x128xf32, #tpu.memory_space<vmem_shared>>
      %dma_start3A_107 = arith.constant 0 : i32
      %dma_start3A_108 = tpu.memref_slice %arg13[%add3A_31, %dma_start3A_107] : memref<10368x128xf32, #tpu.memory_space<vmem_shared>> -> memref<64x128xf32, #tpu.memory_space<vmem_shared>>
      %dma_start3A_109 = arith.constant 0 : i32
      %dma_start3A_110 = arith.constant 0 : i32
      %dma_start3A_111 = tpu.memref_slice %arg10[%dma_start3A_109, %dma_start3A_110] : memref<64x128xf32, #tpu.memory_space<vmem>> -> memref<64x128xf32, #tpu.memory_space<vmem>>
      tpu.enqueue_dma source(%dma_start3A_111 : memref<64x128xf32, #tpu.memory_space<vmem>>) target(%dma_start3A_108 : memref<64x128xf32, #tpu.memory_space<vmem_shared>>) target_semaphore(%run_scoped3A : memref<!tpu.dma_semaphore, #tpu.memory_space<semaphore_mem>>)
      %dma_wait3A = arith.constant 0 : i32
      %dma_wait3A_112 = arith.constant 0 : i32
      %dma_wait3A_113 = tpu.memref_slice %arg10[%dma_wait3A, %dma_wait3A_112] : memref<64x128xf32, #tpu.memory_space<vmem>> -> memref<64x128xf32, #tpu.memory_space<vmem>>
      %dma_wait3A_114 = arith.constant 0 : i32
      %dma_wait3A_115 = tpu.memref_slice %arg13[%add3A_31, %dma_wait3A_114] : memref<10368x128xf32, #tpu.memory_space<vmem_shared>> -> memref<64x128xf32, #tpu.memory_space<vmem_shared>>
      %dma_wait3A_116 = arith.constant 0 : i32
      %dma_wait3A_117 = tpu.memref_slice %arg13[%add3A_31, %dma_wait3A_116] : memref<10368x128xf32, #tpu.memory_space<vmem_shared>> -> memref<64x128xf32, #tpu.memory_space<vmem_shared>>
      %dma_wait3A_118 = arith.constant 0 : i32
      %dma_wait3A_119 = arith.constant 0 : i32
      %dma_wait3A_120 = tpu.memref_slice %arg10[%dma_wait3A_118, %dma_wait3A_119] : memref<64x128xf32, #tpu.memory_space<vmem>> -> memref<64x128xf32, #tpu.memory_space<vmem>>
      tpu.wait_dma2 semaphore(%run_scoped3A : memref<!tpu.dma_semaphore, #tpu.memory_space<semaphore_mem>>) src(%dma_wait3A_120 : memref<64x128xf32, #tpu.memory_space<vmem>>) dst(%dma_wait3A_117 : memref<64x128xf32, #tpu.memory_space<vmem_shared>>)
      tpu.yield
    }) : () -> ()
    %add3A_32 = arith.constant 448 : i32
    %add3A_33 = arith.addi %mul3A_18, %add3A_32 : i32
    "tpu.region"() ({
      %run_scoped3A = tpu.sem_alloc : memref<!tpu.dma_semaphore, #tpu.memory_space<semaphore_mem>>
      %dma_start3A = arith.constant 0 : i32
      %dma_start3A_103 = arith.constant 0 : i32
      %dma_start3A_104 = tpu.memref_slice %arg10[%dma_start3A, %dma_start3A_103] : memref<64x128xf32, #tpu.memory_space<vmem>> -> memref<64x128xf32, #tpu.memory_space<vmem>>
      %dma_start3A_105 = arith.constant 0 : i32
      %dma_start3A_106 = tpu.memref_slice %arg13[%add3A_33, %dma_start3A_105] : memref<10368x128xf32, #tpu.memory_space<vmem_shared>> -> memref<64x128xf32, #tpu.memory_space<vmem_shared>>
      %dma_start3A_107 = arith.constant 0 : i32
      %dma_start3A_108 = tpu.memref_slice %arg13[%add3A_33, %dma_start3A_107] : memref<10368x128xf32, #tpu.memory_space<vmem_shared>> -> memref<64x128xf32, #tpu.memory_space<vmem_shared>>
      %dma_start3A_109 = arith.constant 0 : i32
      %dma_start3A_110 = arith.constant 0 : i32
      %dma_start3A_111 = tpu.memref_slice %arg10[%dma_start3A_109, %dma_start3A_110] : memref<64x128xf32, #tpu.memory_space<vmem>> -> memref<64x128xf32, #tpu.memory_space<vmem>>
      tpu.enqueue_dma source(%dma_start3A_111 : memref<64x128xf32, #tpu.memory_space<vmem>>) target(%dma_start3A_108 : memref<64x128xf32, #tpu.memory_space<vmem_shared>>) target_semaphore(%run_scoped3A : memref<!tpu.dma_semaphore, #tpu.memory_space<semaphore_mem>>)
      %dma_wait3A = arith.constant 0 : i32
      %dma_wait3A_112 = arith.constant 0 : i32
      %dma_wait3A_113 = tpu.memref_slice %arg10[%dma_wait3A, %dma_wait3A_112] : memref<64x128xf32, #tpu.memory_space<vmem>> -> memref<64x128xf32, #tpu.memory_space<vmem>>
      %dma_wait3A_114 = arith.constant 0 : i32
      %dma_wait3A_115 = tpu.memref_slice %arg13[%add3A_33, %dma_wait3A_114] : memref<10368x128xf32, #tpu.memory_space<vmem_shared>> -> memref<64x128xf32, #tpu.memory_space<vmem_shared>>
      %dma_wait3A_116 = arith.constant 0 : i32
      %dma_wait3A_117 = tpu.memref_slice %arg13[%add3A_33, %dma_wait3A_116] : memref<10368x128xf32, #tpu.memory_space<vmem_shared>> -> memref<64x128xf32, #tpu.memory_space<vmem_shared>>
      %dma_wait3A_118 = arith.constant 0 : i32
      %dma_wait3A_119 = arith.constant 0 : i32
      %dma_wait3A_120 = tpu.memref_slice %arg10[%dma_wait3A_118, %dma_wait3A_119] : memref<64x128xf32, #tpu.memory_space<vmem>> -> memref<64x128xf32, #tpu.memory_space<vmem>>
      tpu.wait_dma2 semaphore(%run_scoped3A : memref<!tpu.dma_semaphore, #tpu.memory_space<semaphore_mem>>) src(%dma_wait3A_120 : memref<64x128xf32, #tpu.memory_space<vmem>>) dst(%dma_wait3A_117 : memref<64x128xf32, #tpu.memory_space<vmem_shared>>)
      tpu.yield
    }) : () -> ()
    %add3A_34 = arith.constant 512 : i32
    %add3A_35 = arith.addi %mul3A_18, %add3A_34 : i32
    "tpu.region"() ({
      %run_scoped3A = tpu.sem_alloc : memref<!tpu.dma_semaphore, #tpu.memory_space<semaphore_mem>>
      %dma_start3A = arith.constant 0 : i32
      %dma_start3A_103 = arith.constant 0 : i32
      %dma_start3A_104 = tpu.memref_slice %arg10[%dma_start3A, %dma_start3A_103] : memref<64x128xf32, #tpu.memory_space<vmem>> -> memref<64x128xf32, #tpu.memory_space<vmem>>
      %dma_start3A_105 = arith.constant 0 : i32
      %dma_start3A_106 = tpu.memref_slice %arg13[%add3A_35, %dma_start3A_105] : memref<10368x128xf32, #tpu.memory_space<vmem_shared>> -> memref<64x128xf32, #tpu.memory_space<vmem_shared>>
      %dma_start3A_107 = arith.constant 0 : i32
      %dma_start3A_108 = tpu.memref_slice %arg13[%add3A_35, %dma_start3A_107] : memref<10368x128xf32, #tpu.memory_space<vmem_shared>> -> memref<64x128xf32, #tpu.memory_space<vmem_shared>>
      %dma_start3A_109 = arith.constant 0 : i32
      %dma_start3A_110 = arith.constant 0 : i32
      %dma_start3A_111 = tpu.memref_slice %arg10[%dma_start3A_109, %dma_start3A_110] : memref<64x128xf32, #tpu.memory_space<vmem>> -> memref<64x128xf32, #tpu.memory_space<vmem>>
      tpu.enqueue_dma source(%dma_start3A_111 : memref<64x128xf32, #tpu.memory_space<vmem>>) target(%dma_start3A_108 : memref<64x128xf32, #tpu.memory_space<vmem_shared>>) target_semaphore(%run_scoped3A : memref<!tpu.dma_semaphore, #tpu.memory_space<semaphore_mem>>)
      %dma_wait3A = arith.constant 0 : i32
      %dma_wait3A_112 = arith.constant 0 : i32
      %dma_wait3A_113 = tpu.memref_slice %arg10[%dma_wait3A, %dma_wait3A_112] : memref<64x128xf32, #tpu.memory_space<vmem>> -> memref<64x128xf32, #tpu.memory_space<vmem>>
      %dma_wait3A_114 = arith.constant 0 : i32
      %dma_wait3A_115 = tpu.memref_slice %arg13[%add3A_35, %dma_wait3A_114] : memref<10368x128xf32, #tpu.memory_space<vmem_shared>> -> memref<64x128xf32, #tpu.memory_space<vmem_shared>>
      %dma_wait3A_116 = arith.constant 0 : i32
      %dma_wait3A_117 = tpu.memref_slice %arg13[%add3A_35, %dma_wait3A_116] : memref<10368x128xf32, #tpu.memory_space<vmem_shared>> -> memref<64x128xf32, #tpu.memory_space<vmem_shared>>
      %dma_wait3A_118 = arith.constant 0 : i32
      %dma_wait3A_119 = arith.constant 0 : i32
      %dma_wait3A_120 = tpu.memref_slice %arg10[%dma_wait3A_118, %dma_wait3A_119] : memref<64x128xf32, #tpu.memory_space<vmem>> -> memref<64x128xf32, #tpu.memory_space<vmem>>
      tpu.wait_dma2 semaphore(%run_scoped3A : memref<!tpu.dma_semaphore, #tpu.memory_space<semaphore_mem>>) src(%dma_wait3A_120 : memref<64x128xf32, #tpu.memory_space<vmem>>) dst(%dma_wait3A_117 : memref<64x128xf32, #tpu.memory_space<vmem_shared>>)
      tpu.yield
    }) : () -> ()
    %add3A_36 = arith.constant 576 : i32
    %add3A_37 = arith.addi %mul3A_18, %add3A_36 : i32
    "tpu.region"() ({
      %run_scoped3A = tpu.sem_alloc : memref<!tpu.dma_semaphore, #tpu.memory_space<semaphore_mem>>
      %dma_start3A = arith.constant 0 : i32
      %dma_start3A_103 = arith.constant 0 : i32
      %dma_start3A_104 = tpu.memref_slice %arg10[%dma_start3A, %dma_start3A_103] : memref<64x128xf32, #tpu.memory_space<vmem>> -> memref<64x128xf32, #tpu.memory_space<vmem>>
      %dma_start3A_105 = arith.constant 0 : i32
      %dma_start3A_106 = tpu.memref_slice %arg13[%add3A_37, %dma_start3A_105] : memref<10368x128xf32, #tpu.memory_space<vmem_shared>> -> memref<64x128xf32, #tpu.memory_space<vmem_shared>>
      %dma_start3A_107 = arith.constant 0 : i32
      %dma_start3A_108 = tpu.memref_slice %arg13[%add3A_37, %dma_start3A_107] : memref<10368x128xf32, #tpu.memory_space<vmem_shared>> -> memref<64x128xf32, #tpu.memory_space<vmem_shared>>
      %dma_start3A_109 = arith.constant 0 : i32
      %dma_start3A_110 = arith.constant 0 : i32
      %dma_start3A_111 = tpu.memref_slice %arg10[%dma_start3A_109, %dma_start3A_110] : memref<64x128xf32, #tpu.memory_space<vmem>> -> memref<64x128xf32, #tpu.memory_space<vmem>>
      tpu.enqueue_dma source(%dma_start3A_111 : memref<64x128xf32, #tpu.memory_space<vmem>>) target(%dma_start3A_108 : memref<64x128xf32, #tpu.memory_space<vmem_shared>>) target_semaphore(%run_scoped3A : memref<!tpu.dma_semaphore, #tpu.memory_space<semaphore_mem>>)
      %dma_wait3A = arith.constant 0 : i32
      %dma_wait3A_112 = arith.constant 0 : i32
      %dma_wait3A_113 = tpu.memref_slice %arg10[%dma_wait3A, %dma_wait3A_112] : memref<64x128xf32, #tpu.memory_space<vmem>> -> memref<64x128xf32, #tpu.memory_space<vmem>>
      %dma_wait3A_114 = arith.constant 0 : i32
      %dma_wait3A_115 = tpu.memref_slice %arg13[%add3A_37, %dma_wait3A_114] : memref<10368x128xf32, #tpu.memory_space<vmem_shared>> -> memref<64x128xf32, #tpu.memory_space<vmem_shared>>
      %dma_wait3A_116 = arith.constant 0 : i32
      %dma_wait3A_117 = tpu.memref_slice %arg13[%add3A_37, %dma_wait3A_116] : memref<10368x128xf32, #tpu.memory_space<vmem_shared>> -> memref<64x128xf32, #tpu.memory_space<vmem_shared>>
      %dma_wait3A_118 = arith.constant 0 : i32
      %dma_wait3A_119 = arith.constant 0 : i32
      %dma_wait3A_120 = tpu.memref_slice %arg10[%dma_wait3A_118, %dma_wait3A_119] : memref<64x128xf32, #tpu.memory_space<vmem>> -> memref<64x128xf32, #tpu.memory_space<vmem>>
      tpu.wait_dma2 semaphore(%run_scoped3A : memref<!tpu.dma_semaphore, #tpu.memory_space<semaphore_mem>>) src(%dma_wait3A_120 : memref<64x128xf32, #tpu.memory_space<vmem>>) dst(%dma_wait3A_117 : memref<64x128xf32, #tpu.memory_space<vmem_shared>>)
      tpu.yield
    }) : () -> ()
    %add3A_38 = arith.constant 640 : i32
    %add3A_39 = arith.addi %mul3A_18, %add3A_38 : i32
    "tpu.region"() ({
      %run_scoped3A = tpu.sem_alloc : memref<!tpu.dma_semaphore, #tpu.memory_space<semaphore_mem>>
      %dma_start3A = arith.constant 0 : i32
      %dma_start3A_103 = arith.constant 0 : i32
      %dma_start3A_104 = tpu.memref_slice %arg10[%dma_start3A, %dma_start3A_103] : memref<64x128xf32, #tpu.memory_space<vmem>> -> memref<8x128xf32, #tpu.memory_space<vmem>>
      %dma_start3A_105 = arith.constant 0 : i32
      %dma_start3A_106 = tpu.memref_slice %arg13[%add3A_39, %dma_start3A_105] : memref<10368x128xf32, #tpu.memory_space<vmem_shared>> -> memref<8x128xf32, #tpu.memory_space<vmem_shared>>
      %dma_start3A_107 = arith.constant 0 : i32
      %dma_start3A_108 = tpu.memref_slice %arg13[%add3A_39, %dma_start3A_107] : memref<10368x128xf32, #tpu.memory_space<vmem_shared>> -> memref<8x128xf32, #tpu.memory_space<vmem_shared>>
      %dma_start3A_109 = arith.constant 0 : i32
      %dma_start3A_110 = arith.constant 0 : i32
      %dma_start3A_111 = tpu.memref_slice %arg10[%dma_start3A_109, %dma_start3A_110] : memref<64x128xf32, #tpu.memory_space<vmem>> -> memref<8x128xf32, #tpu.memory_space<vmem>>
      tpu.enqueue_dma source(%dma_start3A_111 : memref<8x128xf32, #tpu.memory_space<vmem>>) target(%dma_start3A_108 : memref<8x128xf32, #tpu.memory_space<vmem_shared>>) target_semaphore(%run_scoped3A : memref<!tpu.dma_semaphore, #tpu.memory_space<semaphore_mem>>)
      %dma_wait3A = arith.constant 0 : i32
      %dma_wait3A_112 = arith.constant 0 : i32
      %dma_wait3A_113 = tpu.memref_slice %arg10[%dma_wait3A, %dma_wait3A_112] : memref<64x128xf32, #tpu.memory_space<vmem>> -> memref<8x128xf32, #tpu.memory_space<vmem>>
      %dma_wait3A_114 = arith.constant 0 : i32
      %dma_wait3A_115 = tpu.memref_slice %arg13[%add3A_39, %dma_wait3A_114] : memref<10368x128xf32, #tpu.memory_space<vmem_shared>> -> memref<8x128xf32, #tpu.memory_space<vmem_shared>>
      %dma_wait3A_116 = arith.constant 0 : i32
      %dma_wait3A_117 = tpu.memref_slice %arg13[%add3A_39, %dma_wait3A_116] : memref<10368x128xf32, #tpu.memory_space<vmem_shared>> -> memref<8x128xf32, #tpu.memory_space<vmem_shared>>
      %dma_wait3A_118 = arith.constant 0 : i32
      %dma_wait3A_119 = arith.constant 0 : i32
      %dma_wait3A_120 = tpu.memref_slice %arg10[%dma_wait3A_118, %dma_wait3A_119] : memref<64x128xf32, #tpu.memory_space<vmem>> -> memref<8x128xf32, #tpu.memory_space<vmem>>
      tpu.wait_dma2 semaphore(%run_scoped3A : memref<!tpu.dma_semaphore, #tpu.memory_space<semaphore_mem>>) src(%dma_wait3A_120 : memref<8x128xf32, #tpu.memory_space<vmem>>) dst(%dma_wait3A_117 : memref<8x128xf32, #tpu.memory_space<vmem_shared>>)
      tpu.yield
    }) : () -> ()
    %barrier3A = arith.constant 0 : index
    tpu.barrier barrier_id(%barrier3A)
    %scan3A_40 = arith.constant 0 : i32
    %scan3A_41 = arith.constant 0 : i32
    %scan3A_42 = arith.constant 50 : i32
    %scan3A_43 = arith.addi %scan3A_41, %scan3A_42 : i32
    %scan3A_44 = arith.constant 1 : i32
    %scan3A_45 = scf.for %scan3A_103 = %scan3A_41 to %scan3A_43 step %scan3A_44 iter_args(%scan3A_104 = %scan3A_40) -> (i32)  : i32 {
      %mul3A_105 = arith.constant 500 : i32
      %mul3A_106 = arith.muli %arg1, %mul3A_105 : i32
      %mul3A_107 = arith.constant 64 : i32
      %mul3A_108 = arith.muli %mul3A_106, %mul3A_107 : i32
      %mul3A_109 = arith.constant 640 : i32
      %mul3A_110 = arith.muli %scan3A_103, %mul3A_109 : i32
      %add3A_111 = arith.addi %mul3A_108, %mul3A_110 : i32
      "tpu.region"() ({
        %run_scoped3A = tpu.sem_alloc : memref<!tpu.dma_semaphore, #tpu.memory_space<semaphore_mem>>
        %dma_start3A_358 = tpu.memref_slice %arg2[%add3A_111] : memref<512000xi32, #tpu.memory_space<hbm>> -> memref<640xi32, #tpu.memory_space<hbm>>
        %dma_start3A_359 = tpu.memref_slice %arg2[%add3A_111] : memref<512000xi32, #tpu.memory_space<hbm>> -> memref<640xi32, #tpu.memory_space<hbm>>
        tpu.enqueue_dma source(%dma_start3A_359 : memref<640xi32, #tpu.memory_space<hbm>>) target(%arg7 : memref<640xi32, #tpu.memory_space<vmem>>) target_semaphore(%run_scoped3A : memref<!tpu.dma_semaphore, #tpu.memory_space<semaphore_mem>>)
        %dma_wait3A_360 = tpu.memref_slice %arg2[%add3A_111] : memref<512000xi32, #tpu.memory_space<hbm>> -> memref<640xi32, #tpu.memory_space<hbm>>
        %dma_wait3A_361 = tpu.memref_slice %arg2[%add3A_111] : memref<512000xi32, #tpu.memory_space<hbm>> -> memref<640xi32, #tpu.memory_space<hbm>>
        tpu.wait_dma2 semaphore(%run_scoped3A : memref<!tpu.dma_semaphore, #tpu.memory_space<semaphore_mem>>) src(%dma_wait3A_361 : memref<640xi32, #tpu.memory_space<hbm>>) dst(%arg7 : memref<640xi32, #tpu.memory_space<vmem>>)
        tpu.yield
      }) : () -> ()
      "tpu.region"() ({
        %run_scoped3A = tpu.sem_alloc : memref<!tpu.dma_semaphore, #tpu.memory_space<semaphore_mem>>
        %dma_start3A_358 = tpu.memref_slice %arg3[%add3A_111] : memref<512000xi32, #tpu.memory_space<hbm>> -> memref<640xi32, #tpu.memory_space<hbm>>
        %dma_start3A_359 = tpu.memref_slice %arg3[%add3A_111] : memref<512000xi32, #tpu.memory_space<hbm>> -> memref<640xi32, #tpu.memory_space<hbm>>
        tpu.enqueue_dma source(%dma_start3A_359 : memref<640xi32, #tpu.memory_space<hbm>>) target(%arg8 : memref<640xi32, #tpu.memory_space<vmem>>) target_semaphore(%run_scoped3A : memref<!tpu.dma_semaphore, #tpu.memory_space<semaphore_mem>>)
        %dma_wait3A_360 = tpu.memref_slice %arg3[%add3A_111] : memref<512000xi32, #tpu.memory_space<hbm>> -> memref<640xi32, #tpu.memory_space<hbm>>
        %dma_wait3A_361 = tpu.memref_slice %arg3[%add3A_111] : memref<512000xi32, #tpu.memory_space<hbm>> -> memref<640xi32, #tpu.memory_space<hbm>>
        tpu.wait_dma2 semaphore(%run_scoped3A : memref<!tpu.dma_semaphore, #tpu.memory_space<semaphore_mem>>) src(%dma_wait3A_361 : memref<640xi32, #tpu.memory_space<hbm>>) dst(%arg8 : memref<640xi32, #tpu.memory_space<vmem>>)
        tpu.yield
      }) : () -> ()
      %scan3A_112 = arith.constant 0 : i32
      %scan3A_113 = arith.constant 0 : i32
      %scan3A_114 = arith.constant 40 : i32
      %scan3A_115 = arith.addi %scan3A_113, %scan3A_114 : i32
      %scan3A_116 = arith.constant 1 : i32
      %scan3A_117 = scf.for %scan3A_358 = %scan3A_113 to %scan3A_115 step %scan3A_116 iter_args(%scan3A_359 = %scan3A_112) -> (i32)  : i32 {
        %mul3A_360 = arith.constant 16 : i32
        %mul3A_361 = arith.muli %scan3A_358, %mul3A_360 : i32
        %get3A = arith.index_cast %mul3A_361 : i32 to index
        %get3A_362 = tpu.vector_load %arg8[%get3A] {strides = array<i32>} : memref<640xi32, #tpu.memory_space<vmem>>, vector<16xi32>,
        %sub3A = vector.broadcast %mul3A_0 : i32 to vector<16xi32>
        %sub3A_363 = arith.subi %get3A_362, %sub3A : vector<16xi32>
        %ge3A = arith.constant 0 : i32
        %ge3A_364 = vector.broadcast %ge3A : i32 to vector<16xi32>
        %ge3A_365 = arith.cmpi sge, %sub3A_363, %ge3A_364 : vector<16xi32>
        %lt3A = arith.constant 10240 : i32
        %lt3A_366 = vector.broadcast %lt3A : i32 to vector<16xi32>
        %lt3A_367 = arith.cmpi slt, %sub3A_363, %lt3A_366 : vector<16xi32>
        %and3A = arith.andi %ge3A_365, %lt3A_367 : vector<16xi1>
        %jit3A = arith.constant 10240 : i32
        %broadcast_in_dim3A_368 = vector.broadcast %jit3A : i32 to vector<16xi32>
        %select_n3A = arith.select %and3A, %sub3A_363, %broadcast_in_dim3A_368 : vector<16xi1>, vector<16xi32>
        %jit3A_369 = arith.constant 4 : i32
        %div3A = arith.divsi %scan3A_358, %jit3A_369 : i32
        %sign3A = arith.constant 0 : i32
        %sign3A_370 = arith.cmpi sgt, %scan3A_358, %sign3A : i32
        %sign3A_371 = arith.extui %sign3A_370 : i1 to i32
        %sign3A_372 = arith.constant 0 : i32
        %sign3A_373 = arith.cmpi slt, %scan3A_358, %sign3A_372 : i32
        %sign3A_374 = arith.extui %sign3A_373 : i1 to i32
        %sign3A_375 = arith.subi %sign3A_371, %sign3A_374 : i32
        %sign3A_376 = arith.constant 0 : i32
        %sign3A_377 = arith.cmpi sgt, %jit3A_369, %sign3A_376 : i32
        %sign3A_378 = arith.extui %sign3A_377 : i1 to i32
        %sign3A_379 = arith.constant 0 : i32
        %sign3A_380 = arith.cmpi slt, %jit3A_369, %sign3A_379 : i32
        %sign3A_381 = arith.extui %sign3A_380 : i1 to i32
        %sign3A_382 = arith.subi %sign3A_378, %sign3A_381 : i32
        %ne3A = arith.cmpi ne, %sign3A_375, %sign3A_382 : i32
        %rem3A = arith.remsi %scan3A_358, %jit3A_369 : i32
        %ne3A_383 = arith.constant 0 : i32
        %ne3A_384 = arith.cmpi ne, %rem3A, %ne3A_383 : i32
        %and3A_385 = arith.andi %ne3A, %ne3A_384 : i1
        %sub3A_386 = arith.constant 1 : i32
        %sub3A_387 = arith.subi %div3A, %sub3A_386 : i32
        %select_n3A_388 = arith.select %and3A_385, %sub3A_387, %div3A : i32
        %jit3A_389 = arith.constant 4 : i32
        %eq3A = arith.constant 0 : i32
        %eq3A_390 = arith.cmpi eq, %jit3A_389, %eq3A : i32
        %jit3A_391 = arith.constant 1 : i32
        %select_n3A_392 = arith.select %eq3A_390, %jit3A_391, %jit3A_389 : i32
        %rem3A_393 = arith.remsi %scan3A_358, %select_n3A_392 : i32
        %ne3A_394 = arith.constant 0 : i32
        %ne3A_395 = arith.cmpi ne, %rem3A_393, %ne3A_394 : i32
        %lt3A_396 = arith.constant 0 : i32
        %lt3A_397 = arith.cmpi slt, %rem3A_393, %lt3A_396 : i32
        %lt3A_398 = arith.constant 0 : i32
        %lt3A_399 = arith.cmpi slt, %select_n3A_392, %lt3A_398 : i32
        %ne3A_400 = arith.xori %lt3A_397, %lt3A_399 : i1
        %and3A_401 = arith.andi %ne3A_400, %ne3A_395 : i1
        %add3A_402 = arith.addi %rem3A_393, %select_n3A_392 : i32
        %select_n3A_403 = arith.select %and3A_401, %add3A_402, %rem3A_393 : i32
        %mul3A_404 = arith.constant 16 : i32
        %mul3A_405 = arith.muli %select_n3A_403, %mul3A_404 : i32
        %swap3A = arith.index_cast %select_n3A_388 : i32 to index
        %swap3A_406 = arith.index_cast %mul3A_405 : i32 to index
        %swap3A_407 = tpu.vector_load %arg9[%swap3A, %swap3A_406] {strides = array<i32>} : memref<10x64xi32, #tpu.memory_space<vmem>>, vector<16xi32>,
        tpu.vector_store %arg9[%swap3A, %swap3A_406], %select_n3A {strides = array<i32>} : memref<10x64xi32, #tpu.memory_space<vmem>>, vector<16xi32>,
        %jit3A_408 = arith.constant 0 : i32
        %broadcast_in_dim3A_409 = vector.broadcast %jit3A_408 : i32 to vector<16xi32>
        %select_n3A_410 = arith.select %and3A, %sub3A_363, %broadcast_in_dim3A_409 : vector<16xi1>, vector<16xi32>
        %jit3A_411 = arith.constant 0.000000e+00 : f32
        %broadcast_in_dim3A_412 = vector.broadcast %jit3A_411 : f32 to vector<16xf32>
        %select_n3A_413 = arith.select %and3A, %broadcast_in_dim3A_3, %broadcast_in_dim3A_412 : vector<16xi1>, vector<16xf32>
        tpu.vector_store_idx %arg12[%select_n3A_410], %select_n3A_413 {add = true} : memref<10240xf32, #tpu.memory_space<vmem>>[vector<16xi32>], vector<16xf32>,
        %scan3A_414 = arith.constant 0 : i32
        scf.yield %scan3A_414 : i32
      }
      %scan3A_118 = arith.constant 40 : i32
      %dma_start3A = arith.constant 0 : i32
      %dma_start3A_119 = tpu.memref_slice %arg7[%dma_start3A] : memref<640xi32, #tpu.memory_space<vmem>> -> memref<64xi32, #tpu.memory_space<vmem>>
      %dma_start3A_120 = arith.constant 0 : i32
      %dma_start3A_121 = arith.constant 0 : i32
      %dma_start3A_122 = tpu.memref_slice %arg4[%dma_start3A_120, %dma_start3A_121] : memref<250000x128xf32, #tpu.memory_space<hbm>> -> memref<250000x128xf32, #tpu.memory_space<hbm>>
      tpu.enqueue_indirect_dma source(%dma_start3A_122 : memref<250000x128xf32, #tpu.memory_space<hbm>>) target(%arg10 : memref<64x128xf32, #tpu.memory_space<vmem>>) offsets(%dma_start3A_119 : memref<64xi32, #tpu.memory_space<vmem>>) semaphore(%arg14 : memref<!tpu.dma_semaphore, #tpu.memory_space<semaphore_mem>>)
      %dma_start3A_123 = arith.constant 64 : i32
      %dma_start3A_124 = tpu.memref_slice %arg7[%dma_start3A_123] : memref<640xi32, #tpu.memory_space<vmem>> -> memref<64xi32, #tpu.memory_space<vmem>>
      %dma_start3A_125 = arith.constant 0 : i32
      %dma_start3A_126 = arith.constant 0 : i32
      %dma_start3A_127 = tpu.memref_slice %arg4[%dma_start3A_125, %dma_start3A_126] : memref<250000x128xf32, #tpu.memory_space<hbm>> -> memref<250000x128xf32, #tpu.memory_space<hbm>>
      tpu.enqueue_indirect_dma source(%dma_start3A_127 : memref<250000x128xf32, #tpu.memory_space<hbm>>) target(%arg11 : memref<64x128xf32, #tpu.memory_space<vmem>>) offsets(%dma_start3A_124 : memref<64xi32, #tpu.memory_space<vmem>>) semaphore(%arg15 : memref<!tpu.dma_semaphore, #tpu.memory_space<semaphore_mem>>)
      %dma_wait3A = arith.constant 0 : i32
      %dma_wait3A_128 = tpu.memref_slice %arg7[%dma_wait3A] : memref<640xi32, #tpu.memory_space<vmem>> -> memref<64xi32, #tpu.memory_space<vmem>>
      %dma_wait3A_129 = arith.constant 0 : i32
      %dma_wait3A_130 = arith.constant 0 : i32
      %dma_wait3A_131 = tpu.memref_slice %arg4[%dma_wait3A_129, %dma_wait3A_130] : memref<250000x128xf32, #tpu.memory_space<hbm>> -> memref<250000x128xf32, #tpu.memory_space<hbm>>
      tpu.wait_indirect_dma semaphore(%arg14 : memref<!tpu.dma_semaphore, #tpu.memory_space<semaphore_mem>>) src(%dma_wait3A_131 : memref<250000x128xf32, #tpu.memory_space<hbm>>) dst(%arg10 : memref<64x128xf32, #tpu.memory_space<vmem>>)
      %dma_start3A_132 = arith.constant 0 : i32
      %dma_start3A_133 = arith.constant 0 : i32
      %dma_start3A_134 = tpu.memref_slice %arg9[%dma_start3A_132, %dma_start3A_133] : memref<10x64xi32, #tpu.memory_space<vmem>> -> memref<1x64xi32, #tpu.memory_space<vmem>>
      %dma_start3A_135 = tpu.memref_squeeze %dma_start3A_134 : memref<1x64xi32, #tpu.memory_space<vmem>> -> memref<64xi32, #tpu.memory_space<vmem>>
      %dma_start3A_136 = arith.constant 0 : i32
      %dma_start3A_137 = arith.constant 0 : i32
      %dma_start3A_138 = tpu.memref_slice %arg13[%dma_start3A_136, %dma_start3A_137] : memref<10368x128xf32, #tpu.memory_space<vmem_shared>> -> memref<10368x128xf32, #tpu.memory_space<vmem_shared>>
      tpu.enqueue_indirect_dma source(%arg10 : memref<64x128xf32, #tpu.memory_space<vmem>>) target(%dma_start3A_138 : memref<10368x128xf32, #tpu.memory_space<vmem_shared>>) offsets(%dma_start3A_135 : memref<64xi32, #tpu.memory_space<vmem>>) semaphore(%arg16 : memref<!tpu.dma_semaphore, #tpu.memory_space<semaphore_mem>>) {add = true}
      %dma_wait3A_139 = arith.constant 0 : i32
      %dma_wait3A_140 = arith.constant 0 : i32
      %dma_wait3A_141 = tpu.memref_slice %arg9[%dma_wait3A_139, %dma_wait3A_140] : memref<10x64xi32, #tpu.memory_space<vmem>> -> memref<1x64xi32, #tpu.memory_space<vmem>>
      %dma_wait3A_142 = tpu.memref_squeeze %dma_wait3A_141 : memref<1x64xi32, #tpu.memory_space<vmem>> -> memref<64xi32, #tpu.memory_space<vmem>>
      %dma_wait3A_143 = arith.constant 0 : i32
      %dma_wait3A_144 = arith.constant 0 : i32
      %dma_wait3A_145 = tpu.memref_slice %arg13[%dma_wait3A_143, %dma_wait3A_144] : memref<10368x128xf32, #tpu.memory_space<vmem_shared>> -> memref<10368x128xf32, #tpu.memory_space<vmem_shared>>
      tpu.wait_indirect_dma semaphore(%arg16 : memref<!tpu.dma_semaphore, #tpu.memory_space<semaphore_mem>>) src(%arg10 : memref<64x128xf32, #tpu.memory_space<vmem>>) dst(%dma_wait3A_145 : memref<10368x128xf32, #tpu.memory_space<vmem_shared>>)
      %dma_start3A_146 = arith.constant 128 : i32
      %dma_start3A_147 = tpu.memref_slice %arg7[%dma_start3A_146] : memref<640xi32, #tpu.memory_space<vmem>> -> memref<64xi32, #tpu.memory_space<vmem>>
      %dma_start3A_148 = arith.constant 0 : i32
      %dma_start3A_149 = arith.constant 0 : i32
      %dma_start3A_150 = tpu.memref_slice %arg4[%dma_start3A_148, %dma_start3A_149] : memref<250000x128xf32, #tpu.memory_space<hbm>> -> memref<250000x128xf32, #tpu.memory_space<hbm>>
      tpu.enqueue_indirect_dma source(%dma_start3A_150 : memref<250000x128xf32, #tpu.memory_space<hbm>>) target(%arg10 : memref<64x128xf32, #tpu.memory_space<vmem>>) offsets(%dma_start3A_147 : memref<64xi32, #tpu.memory_space<vmem>>) semaphore(%arg14 : memref<!tpu.dma_semaphore, #tpu.memory_space<semaphore_mem>>)
      %dma_wait3A_151 = arith.constant 64 : i32
      %dma_wait3A_152 = tpu.memref_slice %arg7[%dma_wait3A_151] : memref<640xi32, #tpu.memory_space<vmem>> -> memref<64xi32, #tpu.memory_space<vmem>>
      %dma_wait3A_153 = arith.constant 0 : i32
      %dma_wait3A_154 = arith.constant 0 : i32
      %dma_wait3A_155 = tpu.memref_slice %arg4[%dma_wait3A_153, %dma_wait3A_154] : memref<250000x128xf32, #tpu.memory_space<hbm>> -> memref<250000x128xf32, #tpu.memory_space<hbm>>
      tpu.wait_indirect_dma semaphore(%arg15 : memref<!tpu.dma_semaphore, #tpu.memory_space<semaphore_mem>>) src(%dma_wait3A_155 : memref<250000x128xf32, #tpu.memory_space<hbm>>) dst(%arg11 : memref<64x128xf32, #tpu.memory_space<vmem>>)
      %dma_start3A_156 = arith.constant 1 : i32
      %dma_start3A_157 = arith.constant 0 : i32
      %dma_start3A_158 = tpu.memref_slice %arg9[%dma_start3A_156, %dma_start3A_157] : memref<10x64xi32, #tpu.memory_space<vmem>> -> memref<1x64xi32, #tpu.memory_space<vmem>>
      %dma_start3A_159 = tpu.memref_squeeze %dma_start3A_158 : memref<1x64xi32, #tpu.memory_space<vmem>> -> memref<64xi32, #tpu.memory_space<vmem>>
      %dma_start3A_160 = arith.constant 0 : i32
      %dma_start3A_161 = arith.constant 0 : i32
      %dma_start3A_162 = tpu.memref_slice %arg13[%dma_start3A_160, %dma_start3A_161] : memref<10368x128xf32, #tpu.memory_space<vmem_shared>> -> memref<10368x128xf32, #tpu.memory_space<vmem_shared>>
      tpu.enqueue_indirect_dma source(%arg11 : memref<64x128xf32, #tpu.memory_space<vmem>>) target(%dma_start3A_162 : memref<10368x128xf32, #tpu.memory_space<vmem_shared>>) offsets(%dma_start3A_159 : memref<64xi32, #tpu.memory_space<vmem>>) semaphore(%arg17 : memref<!tpu.dma_semaphore, #tpu.memory_space<semaphore_mem>>) {add = true}
      %dma_wait3A_163 = arith.constant 1 : i32
      %dma_wait3A_164 = arith.constant 0 : i32
      %dma_wait3A_165 = tpu.memref_slice %arg9[%dma_wait3A_163, %dma_wait3A_164] : memref<10x64xi32, #tpu.memory_space<vmem>> -> memref<1x64xi32, #tpu.memory_space<vmem>>
      %dma_wait3A_166 = tpu.memref_squeeze %dma_wait3A_165 : memref<1x64xi32, #tpu.memory_space<vmem>> -> memref<64xi32, #tpu.memory_space<vmem>>
      %dma_wait3A_167 = arith.constant 0 : i32
      %dma_wait3A_168 = arith.constant 0 : i32
      %dma_wait3A_169 = tpu.memref_slice %arg13[%dma_wait3A_167, %dma_wait3A_168] : memref<10368x128xf32, #tpu.memory_space<vmem_shared>> -> memref<10368x128xf32, #tpu.memory_space<vmem_shared>>
      tpu.wait_indirect_dma semaphore(%arg17 : memref<!tpu.dma_semaphore, #tpu.memory_space<semaphore_mem>>) src(%arg11 : memref<64x128xf32, #tpu.memory_space<vmem>>) dst(%dma_wait3A_169 : memref<10368x128xf32, #tpu.memory_space<vmem_shared>>)
      %dma_start3A_170 = arith.constant 192 : i32
      %dma_start3A_171 = tpu.memref_slice %arg7[%dma_start3A_170] : memref<640xi32, #tpu.memory_space<vmem>> -> memref<64xi32, #tpu.memory_space<vmem>>
      %dma_start3A_172 = arith.constant 0 : i32
      %dma_start3A_173 = arith.constant 0 : i32
      %dma_start3A_174 = tpu.memref_slice %arg4[%dma_start3A_172, %dma_start3A_173] : memref<250000x128xf32, #tpu.memory_space<hbm>> -> memref<250000x128xf32, #tpu.memory_space<hbm>>
      tpu.enqueue_indirect_dma source(%dma_start3A_174 : memref<250000x128xf32, #tpu.memory_space<hbm>>) target(%arg11 : memref<64x128xf32, #tpu.memory_space<vmem>>) offsets(%dma_start3A_171 : memref<64xi32, #tpu.memory_space<vmem>>) semaphore(%arg15 : memref<!tpu.dma_semaphore, #tpu.memory_space<semaphore_mem>>)
      %dma_wait3A_175 = arith.constant 128 : i32
      %dma_wait3A_176 = tpu.memref_slice %arg7[%dma_wait3A_175] : memref<640xi32, #tpu.memory_space<vmem>> -> memref<64xi32, #tpu.memory_space<vmem>>
      %dma_wait3A_177 = arith.constant 0 : i32
      %dma_wait3A_178 = arith.constant 0 : i32
      %dma_wait3A_179 = tpu.memref_slice %arg4[%dma_wait3A_177, %dma_wait3A_178] : memref<250000x128xf32, #tpu.memory_space<hbm>> -> memref<250000x128xf32, #tpu.memory_space<hbm>>
      tpu.wait_indirect_dma semaphore(%arg14 : memref<!tpu.dma_semaphore, #tpu.memory_space<semaphore_mem>>) src(%dma_wait3A_179 : memref<250000x128xf32, #tpu.memory_space<hbm>>) dst(%arg10 : memref<64x128xf32, #tpu.memory_space<vmem>>)
      %dma_start3A_180 = arith.constant 2 : i32
      %dma_start3A_181 = arith.constant 0 : i32
      %dma_start3A_182 = tpu.memref_slice %arg9[%dma_start3A_180, %dma_start3A_181] : memref<10x64xi32, #tpu.memory_space<vmem>> -> memref<1x64xi32, #tpu.memory_space<vmem>>
      %dma_start3A_183 = tpu.memref_squeeze %dma_start3A_182 : memref<1x64xi32, #tpu.memory_space<vmem>> -> memref<64xi32, #tpu.memory_space<vmem>>
      %dma_start3A_184 = arith.constant 0 : i32
      %dma_start3A_185 = arith.constant 0 : i32
      %dma_start3A_186 = tpu.memref_slice %arg13[%dma_start3A_184, %dma_start3A_185] : memref<10368x128xf32, #tpu.memory_space<vmem_shared>> -> memref<10368x128xf32, #tpu.memory_space<vmem_shared>>
      tpu.enqueue_indirect_dma source(%arg10 : memref<64x128xf32, #tpu.memory_space<vmem>>) target(%dma_start3A_186 : memref<10368x128xf32, #tpu.memory_space<vmem_shared>>) offsets(%dma_start3A_183 : memref<64xi32, #tpu.memory_space<vmem>>) semaphore(%arg16 : memref<!tpu.dma_semaphore, #tpu.memory_space<semaphore_mem>>) {add = true}
      %dma_wait3A_187 = arith.constant 2 : i32
      %dma_wait3A_188 = arith.constant 0 : i32
      %dma_wait3A_189 = tpu.memref_slice %arg9[%dma_wait3A_187, %dma_wait3A_188] : memref<10x64xi32, #tpu.memory_space<vmem>> -> memref<1x64xi32, #tpu.memory_space<vmem>>
      %dma_wait3A_190 = tpu.memref_squeeze %dma_wait3A_189 : memref<1x64xi32, #tpu.memory_space<vmem>> -> memref<64xi32, #tpu.memory_space<vmem>>
      %dma_wait3A_191 = arith.constant 0 : i32
      %dma_wait3A_192 = arith.constant 0 : i32
      %dma_wait3A_193 = tpu.memref_slice %arg13[%dma_wait3A_191, %dma_wait3A_192] : memref<10368x128xf32, #tpu.memory_space<vmem_shared>> -> memref<10368x128xf32, #tpu.memory_space<vmem_shared>>
      tpu.wait_indirect_dma semaphore(%arg16 : memref<!tpu.dma_semaphore, #tpu.memory_space<semaphore_mem>>) src(%arg10 : memref<64x128xf32, #tpu.memory_space<vmem>>) dst(%dma_wait3A_193 : memref<10368x128xf32, #tpu.memory_space<vmem_shared>>)
      %dma_start3A_194 = arith.constant 256 : i32
      %dma_start3A_195 = tpu.memref_slice %arg7[%dma_start3A_194] : memref<640xi32, #tpu.memory_space<vmem>> -> memref<64xi32, #tpu.memory_space<vmem>>
      %dma_start3A_196 = arith.constant 0 : i32
      %dma_start3A_197 = arith.constant 0 : i32
      %dma_start3A_198 = tpu.memref_slice %arg4[%dma_start3A_196, %dma_start3A_197] : memref<250000x128xf32, #tpu.memory_space<hbm>> -> memref<250000x128xf32, #tpu.memory_space<hbm>>
      tpu.enqueue_indirect_dma source(%dma_start3A_198 : memref<250000x128xf32, #tpu.memory_space<hbm>>) target(%arg10 : memref<64x128xf32, #tpu.memory_space<vmem>>) offsets(%dma_start3A_195 : memref<64xi32, #tpu.memory_space<vmem>>) semaphore(%arg14 : memref<!tpu.dma_semaphore, #tpu.memory_space<semaphore_mem>>)
      %dma_wait3A_199 = arith.constant 192 : i32
      %dma_wait3A_200 = tpu.memref_slice %arg7[%dma_wait3A_199] : memref<640xi32, #tpu.memory_space<vmem>> -> memref<64xi32, #tpu.memory_space<vmem>>
      %dma_wait3A_201 = arith.constant 0 : i32
      %dma_wait3A_202 = arith.constant 0 : i32
      %dma_wait3A_203 = tpu.memref_slice %arg4[%dma_wait3A_201, %dma_wait3A_202] : memref<250000x128xf32, #tpu.memory_space<hbm>> -> memref<250000x128xf32, #tpu.memory_space<hbm>>
      tpu.wait_indirect_dma semaphore(%arg15 : memref<!tpu.dma_semaphore, #tpu.memory_space<semaphore_mem>>) src(%dma_wait3A_203 : memref<250000x128xf32, #tpu.memory_space<hbm>>) dst(%arg11 : memref<64x128xf32, #tpu.memory_space<vmem>>)
      %dma_start3A_204 = arith.constant 3 : i32
      %dma_start3A_205 = arith.constant 0 : i32
      %dma_start3A_206 = tpu.memref_slice %arg9[%dma_start3A_204, %dma_start3A_205] : memref<10x64xi32, #tpu.memory_space<vmem>> -> memref<1x64xi32, #tpu.memory_space<vmem>>
      %dma_start3A_207 = tpu.memref_squeeze %dma_start3A_206 : memref<1x64xi32, #tpu.memory_space<vmem>> -> memref<64xi32, #tpu.memory_space<vmem>>
      %dma_start3A_208 = arith.constant 0 : i32
      %dma_start3A_209 = arith.constant 0 : i32
      %dma_start3A_210 = tpu.memref_slice %arg13[%dma_start3A_208, %dma_start3A_209] : memref<10368x128xf32, #tpu.memory_space<vmem_shared>> -> memref<10368x128xf32, #tpu.memory_space<vmem_shared>>
      tpu.enqueue_indirect_dma source(%arg11 : memref<64x128xf32, #tpu.memory_space<vmem>>) target(%dma_start3A_210 : memref<10368x128xf32, #tpu.memory_space<vmem_shared>>) offsets(%dma_start3A_207 : memref<64xi32, #tpu.memory_space<vmem>>) semaphore(%arg17 : memref<!tpu.dma_semaphore, #tpu.memory_space<semaphore_mem>>) {add = true}
      %dma_wait3A_211 = arith.constant 3 : i32
      %dma_wait3A_212 = arith.constant 0 : i32
      %dma_wait3A_213 = tpu.memref_slice %arg9[%dma_wait3A_211, %dma_wait3A_212] : memref<10x64xi32, #tpu.memory_space<vmem>> -> memref<1x64xi32, #tpu.memory_space<vmem>>
      %dma_wait3A_214 = tpu.memref_squeeze %dma_wait3A_213 : memref<1x64xi32, #tpu.memory_space<vmem>> -> memref<64xi32, #tpu.memory_space<vmem>>
      %dma_wait3A_215 = arith.constant 0 : i32
      %dma_wait3A_216 = arith.constant 0 : i32
      %dma_wait3A_217 = tpu.memref_slice %arg13[%dma_wait3A_215, %dma_wait3A_216] : memref<10368x128xf32, #tpu.memory_space<vmem_shared>> -> memref<10368x128xf32, #tpu.memory_space<vmem_shared>>
      tpu.wait_indirect_dma semaphore(%arg17 : memref<!tpu.dma_semaphore, #tpu.memory_space<semaphore_mem>>) src(%arg11 : memref<64x128xf32, #tpu.memory_space<vmem>>) dst(%dma_wait3A_217 : memref<10368x128xf32, #tpu.memory_space<vmem_shared>>)
      %dma_start3A_218 = arith.constant 320 : i32
      %dma_start3A_219 = tpu.memref_slice %arg7[%dma_start3A_218] : memref<640xi32, #tpu.memory_space<vmem>> -> memref<64xi32, #tpu.memory_space<vmem>>
      %dma_start3A_220 = arith.constant 0 : i32
      %dma_start3A_221 = arith.constant 0 : i32
      %dma_start3A_222 = tpu.memref_slice %arg4[%dma_start3A_220, %dma_start3A_221] : memref<250000x128xf32, #tpu.memory_space<hbm>> -> memref<250000x128xf32, #tpu.memory_space<hbm>>
      tpu.enqueue_indirect_dma source(%dma_start3A_222 : memref<250000x128xf32, #tpu.memory_space<hbm>>) target(%arg11 : memref<64x128xf32, #tpu.memory_space<vmem>>) offsets(%dma_start3A_219 : memref<64xi32, #tpu.memory_space<vmem>>) semaphore(%arg15 : memref<!tpu.dma_semaphore, #tpu.memory_space<semaphore_mem>>)
      %dma_wait3A_223 = arith.constant 256 : i32
      %dma_wait3A_224 = tpu.memref_slice %arg7[%dma_wait3A_223] : memref<640xi32, #tpu.memory_space<vmem>> -> memref<64xi32, #tpu.memory_space<vmem>>
      %dma_wait3A_225 = arith.constant 0 : i32
      %dma_wait3A_226 = arith.constant 0 : i32
      %dma_wait3A_227 = tpu.memref_slice %arg4[%dma_wait3A_225, %dma_wait3A_226] : memref<250000x128xf32, #tpu.memory_space<hbm>> -> memref<250000x128xf32, #tpu.memory_space<hbm>>
      tpu.wait_indirect_dma semaphore(%arg14 : memref<!tpu.dma_semaphore, #tpu.memory_space<semaphore_mem>>) src(%dma_wait3A_227 : memref<250000x128xf32, #tpu.memory_space<hbm>>) dst(%arg10 : memref<64x128xf32, #tpu.memory_space<vmem>>)
      %dma_start3A_228 = arith.constant 4 : i32
      %dma_start3A_229 = arith.constant 0 : i32
      %dma_start3A_230 = tpu.memref_slice %arg9[%dma_start3A_228, %dma_start3A_229] : memref<10x64xi32, #tpu.memory_space<vmem>> -> memref<1x64xi32, #tpu.memory_space<vmem>>
      %dma_start3A_231 = tpu.memref_squeeze %dma_start3A_230 : memref<1x64xi32, #tpu.memory_space<vmem>> -> memref<64xi32, #tpu.memory_space<vmem>>
      %dma_start3A_232 = arith.constant 0 : i32
      %dma_start3A_233 = arith.constant 0 : i32
      %dma_start3A_234 = tpu.memref_slice %arg13[%dma_start3A_232, %dma_start3A_233] : memref<10368x128xf32, #tpu.memory_space<vmem_shared>> -> memref<10368x128xf32, #tpu.memory_space<vmem_shared>>
      tpu.enqueue_indirect_dma source(%arg10 : memref<64x128xf32, #tpu.memory_space<vmem>>) target(%dma_start3A_234 : memref<10368x128xf32, #tpu.memory_space<vmem_shared>>) offsets(%dma_start3A_231 : memref<64xi32, #tpu.memory_space<vmem>>) semaphore(%arg16 : memref<!tpu.dma_semaphore, #tpu.memory_space<semaphore_mem>>) {add = true}
      %dma_wait3A_235 = arith.constant 4 : i32
      %dma_wait3A_236 = arith.constant 0 : i32
      %dma_wait3A_237 = tpu.memref_slice %arg9[%dma_wait3A_235, %dma_wait3A_236] : memref<10x64xi32, #tpu.memory_space<vmem>> -> memref<1x64xi32, #tpu.memory_space<vmem>>
      %dma_wait3A_238 = tpu.memref_squeeze %dma_wait3A_237 : memref<1x64xi32, #tpu.memory_space<vmem>> -> memref<64xi32, #tpu.memory_space<vmem>>
      %dma_wait3A_239 = arith.constant 0 : i32
      %dma_wait3A_240 = arith.constant 0 : i32
      %dma_wait3A_241 = tpu.memref_slice %arg13[%dma_wait3A_239, %dma_wait3A_240] : memref<10368x128xf32, #tpu.memory_space<vmem_shared>> -> memref<10368x128xf32, #tpu.memory_space<vmem_shared>>
      tpu.wait_indirect_dma semaphore(%arg16 : memref<!tpu.dma_semaphore, #tpu.memory_space<semaphore_mem>>) src(%arg10 : memref<64x128xf32, #tpu.memory_space<vmem>>) dst(%dma_wait3A_241 : memref<10368x128xf32, #tpu.memory_space<vmem_shared>>)
      %dma_start3A_242 = arith.constant 384 : i32
      %dma_start3A_243 = tpu.memref_slice %arg7[%dma_start3A_242] : memref<640xi32, #tpu.memory_space<vmem>> -> memref<64xi32, #tpu.memory_space<vmem>>
      %dma_start3A_244 = arith.constant 0 : i32
      %dma_start3A_245 = arith.constant 0 : i32
      %dma_start3A_246 = tpu.memref_slice %arg4[%dma_start3A_244, %dma_start3A_245] : memref<250000x128xf32, #tpu.memory_space<hbm>> -> memref<250000x128xf32, #tpu.memory_space<hbm>>
      tpu.enqueue_indirect_dma source(%dma_start3A_246 : memref<250000x128xf32, #tpu.memory_space<hbm>>) target(%arg10 : memref<64x128xf32, #tpu.memory_space<vmem>>) offsets(%dma_start3A_243 : memref<64xi32, #tpu.memory_space<vmem>>) semaphore(%arg14 : memref<!tpu.dma_semaphore, #tpu.memory_space<semaphore_mem>>)
      %dma_wait3A_247 = arith.constant 320 : i32
      %dma_wait3A_248 = tpu.memref_slice %arg7[%dma_wait3A_247] : memref<640xi32, #tpu.memory_space<vmem>> -> memref<64xi32, #tpu.memory_space<vmem>>
      %dma_wait3A_249 = arith.constant 0 : i32
      %dma_wait3A_250 = arith.constant 0 : i32
      %dma_wait3A_251 = tpu.memref_slice %arg4[%dma_wait3A_249, %dma_wait3A_250] : memref<250000x128xf32, #tpu.memory_space<hbm>> -> memref<250000x128xf32, #tpu.memory_space<hbm>>
      tpu.wait_indirect_dma semaphore(%arg15 : memref<!tpu.dma_semaphore, #tpu.memory_space<semaphore_mem>>) src(%dma_wait3A_251 : memref<250000x128xf32, #tpu.memory_space<hbm>>) dst(%arg11 : memref<64x128xf32, #tpu.memory_space<vmem>>)
      %dma_start3A_252 = arith.constant 5 : i32
      %dma_start3A_253 = arith.constant 0 : i32
      %dma_start3A_254 = tpu.memref_slice %arg9[%dma_start3A_252, %dma_start3A_253] : memref<10x64xi32, #tpu.memory_space<vmem>> -> memref<1x64xi32, #tpu.memory_space<vmem>>
      %dma_start3A_255 = tpu.memref_squeeze %dma_start3A_254 : memref<1x64xi32, #tpu.memory_space<vmem>> -> memref<64xi32, #tpu.memory_space<vmem>>
      %dma_start3A_256 = arith.constant 0 : i32
      %dma_start3A_257 = arith.constant 0 : i32
      %dma_start3A_258 = tpu.memref_slice %arg13[%dma_start3A_256, %dma_start3A_257] : memref<10368x128xf32, #tpu.memory_space<vmem_shared>> -> memref<10368x128xf32, #tpu.memory_space<vmem_shared>>
      tpu.enqueue_indirect_dma source(%arg11 : memref<64x128xf32, #tpu.memory_space<vmem>>) target(%dma_start3A_258 : memref<10368x128xf32, #tpu.memory_space<vmem_shared>>) offsets(%dma_start3A_255 : memref<64xi32, #tpu.memory_space<vmem>>) semaphore(%arg17 : memref<!tpu.dma_semaphore, #tpu.memory_space<semaphore_mem>>) {add = true}
      %dma_wait3A_259 = arith.constant 5 : i32
      %dma_wait3A_260 = arith.constant 0 : i32
      %dma_wait3A_261 = tpu.memref_slice %arg9[%dma_wait3A_259, %dma_wait3A_260] : memref<10x64xi32, #tpu.memory_space<vmem>> -> memref<1x64xi32, #tpu.memory_space<vmem>>
      %dma_wait3A_262 = tpu.memref_squeeze %dma_wait3A_261 : memref<1x64xi32, #tpu.memory_space<vmem>> -> memref<64xi32, #tpu.memory_space<vmem>>
      %dma_wait3A_263 = arith.constant 0 : i32
      %dma_wait3A_264 = arith.constant 0 : i32
      %dma_wait3A_265 = tpu.memref_slice %arg13[%dma_wait3A_263, %dma_wait3A_264] : memref<10368x128xf32, #tpu.memory_space<vmem_shared>> -> memref<10368x128xf32, #tpu.memory_space<vmem_shared>>
      tpu.wait_indirect_dma semaphore(%arg17 : memref<!tpu.dma_semaphore, #tpu.memory_space<semaphore_mem>>) src(%arg11 : memref<64x128xf32, #tpu.memory_space<vmem>>) dst(%dma_wait3A_265 : memref<10368x128xf32, #tpu.memory_space<vmem_shared>>)
      %dma_start3A_266 = arith.constant 448 : i32
      %dma_start3A_267 = tpu.memref_slice %arg7[%dma_start3A_266] : memref<640xi32, #tpu.memory_space<vmem>> -> memref<64xi32, #tpu.memory_space<vmem>>
      %dma_start3A_268 = arith.constant 0 : i32
      %dma_start3A_269 = arith.constant 0 : i32
      %dma_start3A_270 = tpu.memref_slice %arg4[%dma_start3A_268, %dma_start3A_269] : memref<250000x128xf32, #tpu.memory_space<hbm>> -> memref<250000x128xf32, #tpu.memory_space<hbm>>
      tpu.enqueue_indirect_dma source(%dma_start3A_270 : memref<250000x128xf32, #tpu.memory_space<hbm>>) target(%arg11 : memref<64x128xf32, #tpu.memory_space<vmem>>) offsets(%dma_start3A_267 : memref<64xi32, #tpu.memory_space<vmem>>) semaphore(%arg15 : memref<!tpu.dma_semaphore, #tpu.memory_space<semaphore_mem>>)
      %dma_wait3A_271 = arith.constant 384 : i32
      %dma_wait3A_272 = tpu.memref_slice %arg7[%dma_wait3A_271] : memref<640xi32, #tpu.memory_space<vmem>> -> memref<64xi32, #tpu.memory_space<vmem>>
      %dma_wait3A_273 = arith.constant 0 : i32
      %dma_wait3A_274 = arith.constant 0 : i32
      %dma_wait3A_275 = tpu.memref_slice %arg4[%dma_wait3A_273, %dma_wait3A_274] : memref<250000x128xf32, #tpu.memory_space<hbm>> -> memref<250000x128xf32, #tpu.memory_space<hbm>>
      tpu.wait_indirect_dma semaphore(%arg14 : memref<!tpu.dma_semaphore, #tpu.memory_space<semaphore_mem>>) src(%dma_wait3A_275 : memref<250000x128xf32, #tpu.memory_space<hbm>>) dst(%arg10 : memref<64x128xf32, #tpu.memory_space<vmem>>)
      %dma_start3A_276 = arith.constant 6 : i32
      %dma_start3A_277 = arith.constant 0 : i32
      %dma_start3A_278 = tpu.memref_slice %arg9[%dma_start3A_276, %dma_start3A_277] : memref<10x64xi32, #tpu.memory_space<vmem>> -> memref<1x64xi32, #tpu.memory_space<vmem>>
      %dma_start3A_279 = tpu.memref_squeeze %dma_start3A_278 : memref<1x64xi32, #tpu.memory_space<vmem>> -> memref<64xi32, #tpu.memory_space<vmem>>
      %dma_start3A_280 = arith.constant 0 : i32
      %dma_start3A_281 = arith.constant 0 : i32
      %dma_start3A_282 = tpu.memref_slice %arg13[%dma_start3A_280, %dma_start3A_281] : memref<10368x128xf32, #tpu.memory_space<vmem_shared>> -> memref<10368x128xf32, #tpu.memory_space<vmem_shared>>
      tpu.enqueue_indirect_dma source(%arg10 : memref<64x128xf32, #tpu.memory_space<vmem>>) target(%dma_start3A_282 : memref<10368x128xf32, #tpu.memory_space<vmem_shared>>) offsets(%dma_start3A_279 : memref<64xi32, #tpu.memory_space<vmem>>) semaphore(%arg16 : memref<!tpu.dma_semaphore, #tpu.memory_space<semaphore_mem>>) {add = true}
      %dma_wait3A_283 = arith.constant 6 : i32
      %dma_wait3A_284 = arith.constant 0 : i32
      %dma_wait3A_285 = tpu.memref_slice %arg9[%dma_wait3A_283, %dma_wait3A_284] : memref<10x64xi32, #tpu.memory_space<vmem>> -> memref<1x64xi32, #tpu.memory_space<vmem>>
      %dma_wait3A_286 = tpu.memref_squeeze %dma_wait3A_285 : memref<1x64xi32, #tpu.memory_space<vmem>> -> memref<64xi32, #tpu.memory_space<vmem>>
      %dma_wait3A_287 = arith.constant 0 : i32
      %dma_wait3A_288 = arith.constant 0 : i32
      %dma_wait3A_289 = tpu.memref_slice %arg13[%dma_wait3A_287, %dma_wait3A_288] : memref<10368x128xf32, #tpu.memory_space<vmem_shared>> -> memref<10368x128xf32, #tpu.memory_space<vmem_shared>>
      tpu.wait_indirect_dma semaphore(%arg16 : memref<!tpu.dma_semaphore, #tpu.memory_space<semaphore_mem>>) src(%arg10 : memref<64x128xf32, #tpu.memory_space<vmem>>) dst(%dma_wait3A_289 : memref<10368x128xf32, #tpu.memory_space<vmem_shared>>)
      %dma_start3A_290 = arith.constant 512 : i32
      %dma_start3A_291 = tpu.memref_slice %arg7[%dma_start3A_290] : memref<640xi32, #tpu.memory_space<vmem>> -> memref<64xi32, #tpu.memory_space<vmem>>
      %dma_start3A_292 = arith.constant 0 : i32
      %dma_start3A_293 = arith.constant 0 : i32
      %dma_start3A_294 = tpu.memref_slice %arg4[%dma_start3A_292, %dma_start3A_293] : memref<250000x128xf32, #tpu.memory_space<hbm>> -> memref<250000x128xf32, #tpu.memory_space<hbm>>
      tpu.enqueue_indirect_dma source(%dma_start3A_294 : memref<250000x128xf32, #tpu.memory_space<hbm>>) target(%arg10 : memref<64x128xf32, #tpu.memory_space<vmem>>) offsets(%dma_start3A_291 : memref<64xi32, #tpu.memory_space<vmem>>) semaphore(%arg14 : memref<!tpu.dma_semaphore, #tpu.memory_space<semaphore_mem>>)
      %dma_wait3A_295 = arith.constant 448 : i32
      %dma_wait3A_296 = tpu.memref_slice %arg7[%dma_wait3A_295] : memref<640xi32, #tpu.memory_space<vmem>> -> memref<64xi32, #tpu.memory_space<vmem>>
      %dma_wait3A_297 = arith.constant 0 : i32
      %dma_wait3A_298 = arith.constant 0 : i32
      %dma_wait3A_299 = tpu.memref_slice %arg4[%dma_wait3A_297, %dma_wait3A_298] : memref<250000x128xf32, #tpu.memory_space<hbm>> -> memref<250000x128xf32, #tpu.memory_space<hbm>>
      tpu.wait_indirect_dma semaphore(%arg15 : memref<!tpu.dma_semaphore, #tpu.memory_space<semaphore_mem>>) src(%dma_wait3A_299 : memref<250000x128xf32, #tpu.memory_space<hbm>>) dst(%arg11 : memref<64x128xf32, #tpu.memory_space<vmem>>)
      %dma_start3A_300 = arith.constant 7 : i32
      %dma_start3A_301 = arith.constant 0 : i32
      %dma_start3A_302 = tpu.memref_slice %arg9[%dma_start3A_300, %dma_start3A_301] : memref<10x64xi32, #tpu.memory_space<vmem>> -> memref<1x64xi32, #tpu.memory_space<vmem>>
      %dma_start3A_303 = tpu.memref_squeeze %dma_start3A_302 : memref<1x64xi32, #tpu.memory_space<vmem>> -> memref<64xi32, #tpu.memory_space<vmem>>
      %dma_start3A_304 = arith.constant 0 : i32
      %dma_start3A_305 = arith.constant 0 : i32
      %dma_start3A_306 = tpu.memref_slice %arg13[%dma_start3A_304, %dma_start3A_305] : memref<10368x128xf32, #tpu.memory_space<vmem_shared>> -> memref<10368x128xf32, #tpu.memory_space<vmem_shared>>
      tpu.enqueue_indirect_dma source(%arg11 : memref<64x128xf32, #tpu.memory_space<vmem>>) target(%dma_start3A_306 : memref<10368x128xf32, #tpu.memory_space<vmem_shared>>) offsets(%dma_start3A_303 : memref<64xi32, #tpu.memory_space<vmem>>) semaphore(%arg17 : memref<!tpu.dma_semaphore, #tpu.memory_space<semaphore_mem>>) {add = true}
      %dma_wait3A_307 = arith.constant 7 : i32
      %dma_wait3A_308 = arith.constant 0 : i32
      %dma_wait3A_309 = tpu.memref_slice %arg9[%dma_wait3A_307, %dma_wait3A_308] : memref<10x64xi32, #tpu.memory_space<vmem>> -> memref<1x64xi32, #tpu.memory_space<vmem>>
      %dma_wait3A_310 = tpu.memref_squeeze %dma_wait3A_309 : memref<1x64xi32, #tpu.memory_space<vmem>> -> memref<64xi32, #tpu.memory_space<vmem>>
      %dma_wait3A_311 = arith.constant 0 : i32
      %dma_wait3A_312 = arith.constant 0 : i32
      %dma_wait3A_313 = tpu.memref_slice %arg13[%dma_wait3A_311, %dma_wait3A_312] : memref<10368x128xf32, #tpu.memory_space<vmem_shared>> -> memref<10368x128xf32, #tpu.memory_space<vmem_shared>>
      tpu.wait_indirect_dma semaphore(%arg17 : memref<!tpu.dma_semaphore, #tpu.memory_space<semaphore_mem>>) src(%arg11 : memref<64x128xf32, #tpu.memory_space<vmem>>) dst(%dma_wait3A_313 : memref<10368x128xf32, #tpu.memory_space<vmem_shared>>)
      %dma_start3A_314 = arith.constant 576 : i32
      %dma_start3A_315 = tpu.memref_slice %arg7[%dma_start3A_314] : memref<640xi32, #tpu.memory_space<vmem>> -> memref<64xi32, #tpu.memory_space<vmem>>
      %dma_start3A_316 = arith.constant 0 : i32
      %dma_start3A_317 = arith.constant 0 : i32
      %dma_start3A_318 = tpu.memref_slice %arg4[%dma_start3A_316, %dma_start3A_317] : memref<250000x128xf32, #tpu.memory_space<hbm>> -> memref<250000x128xf32, #tpu.memory_space<hbm>>
      tpu.enqueue_indirect_dma source(%dma_start3A_318 : memref<250000x128xf32, #tpu.memory_space<hbm>>) target(%arg11 : memref<64x128xf32, #tpu.memory_space<vmem>>) offsets(%dma_start3A_315 : memref<64xi32, #tpu.memory_space<vmem>>) semaphore(%arg15 : memref<!tpu.dma_semaphore, #tpu.memory_space<semaphore_mem>>)
      %dma_wait3A_319 = arith.constant 512 : i32
      %dma_wait3A_320 = tpu.memref_slice %arg7[%dma_wait3A_319] : memref<640xi32, #tpu.memory_space<vmem>> -> memref<64xi32, #tpu.memory_space<vmem>>
      %dma_wait3A_321 = arith.constant 0 : i32
      %dma_wait3A_322 = arith.constant 0 : i32
      %dma_wait3A_323 = tpu.memref_slice %arg4[%dma_wait3A_321, %dma_wait3A_322] : memref<250000x128xf32, #tpu.memory_space<hbm>> -> memref<250000x128xf32, #tpu.memory_space<hbm>>
      tpu.wait_indirect_dma semaphore(%arg14 : memref<!tpu.dma_semaphore, #tpu.memory_space<semaphore_mem>>) src(%dma_wait3A_323 : memref<250000x128xf32, #tpu.memory_space<hbm>>) dst(%arg10 : memref<64x128xf32, #tpu.memory_space<vmem>>)
      %dma_start3A_324 = arith.constant 8 : i32
      %dma_start3A_325 = arith.constant 0 : i32
      %dma_start3A_326 = tpu.memref_slice %arg9[%dma_start3A_324, %dma_start3A_325] : memref<10x64xi32, #tpu.memory_space<vmem>> -> memref<1x64xi32, #tpu.memory_space<vmem>>
      %dma_start3A_327 = tpu.memref_squeeze %dma_start3A_326 : memref<1x64xi32, #tpu.memory_space<vmem>> -> memref<64xi32, #tpu.memory_space<vmem>>
      %dma_start3A_328 = arith.constant 0 : i32
      %dma_start3A_329 = arith.constant 0 : i32
      %dma_start3A_330 = tpu.memref_slice %arg13[%dma_start3A_328, %dma_start3A_329] : memref<10368x128xf32, #tpu.memory_space<vmem_shared>> -> memref<10368x128xf32, #tpu.memory_space<vmem_shared>>
      tpu.enqueue_indirect_dma source(%arg10 : memref<64x128xf32, #tpu.memory_space<vmem>>) target(%dma_start3A_330 : memref<10368x128xf32, #tpu.memory_space<vmem_shared>>) offsets(%dma_start3A_327 : memref<64xi32, #tpu.memory_space<vmem>>) semaphore(%arg16 : memref<!tpu.dma_semaphore, #tpu.memory_space<semaphore_mem>>) {add = true}
      %dma_wait3A_331 = arith.constant 8 : i32
      %dma_wait3A_332 = arith.constant 0 : i32
      %dma_wait3A_333 = tpu.memref_slice %arg9[%dma_wait3A_331, %dma_wait3A_332] : memref<10x64xi32, #tpu.memory_space<vmem>> -> memref<1x64xi32, #tpu.memory_space<vmem>>
      %dma_wait3A_334 = tpu.memref_squeeze %dma_wait3A_333 : memref<1x64xi32, #tpu.memory_space<vmem>> -> memref<64xi32, #tpu.memory_space<vmem>>
      %dma_wait3A_335 = arith.constant 0 : i32
      %dma_wait3A_336 = arith.constant 0 : i32
      %dma_wait3A_337 = tpu.memref_slice %arg13[%dma_wait3A_335, %dma_wait3A_336] : memref<10368x128xf32, #tpu.memory_space<vmem_shared>> -> memref<10368x128xf32, #tpu.memory_space<vmem_shared>>
      tpu.wait_indirect_dma semaphore(%arg16 : memref<!tpu.dma_semaphore, #tpu.memory_space<semaphore_mem>>) src(%arg10 : memref<64x128xf32, #tpu.memory_space<vmem>>) dst(%dma_wait3A_337 : memref<10368x128xf32, #tpu.memory_space<vmem_shared>>)
      %dma_wait3A_338 = arith.constant 576 : i32
      %dma_wait3A_339 = tpu.memref_slice %arg7[%dma_wait3A_338] : memref<640xi32, #tpu.memory_space<vmem>> -> memref<64xi32, #tpu.memory_space<vmem>>
      %dma_wait3A_340 = arith.constant 0 : i32
      %dma_wait3A_341 = arith.constant 0 : i32
      %dma_wait3A_342 = tpu.memref_slice %arg4[%dma_wait3A_340, %dma_wait3A_341] : memref<250000x128xf32, #tpu.memory_space<hbm>> -> memref<250000x128xf32, #tpu.memory_space<hbm>>
      tpu.wait_indirect_dma semaphore(%arg15 : memref<!tpu.dma_semaphore, #tpu.memory_space<semaphore_mem>>) src(%dma_wait3A_342 : memref<250000x128xf32, #tpu.memory_space<hbm>>) dst(%arg11 : memref<64x128xf32, #tpu.memory_space<vmem>>)
      %dma_start3A_343 = arith.constant 9 : i32
      %dma_start3A_344 = arith.constant 0 : i32
      %dma_start3A_345 = tpu.memref_slice %arg9[%dma_start3A_343, %dma_start3A_344] : memref<10x64xi32, #tpu.memory_space<vmem>> -> memref<1x64xi32, #tpu.memory_space<vmem>>
      %dma_start3A_346 = tpu.memref_squeeze %dma_start3A_345 : memref<1x64xi32, #tpu.memory_space<vmem>> -> memref<64xi32, #tpu.memory_space<vmem>>
      %dma_start3A_347 = arith.constant 0 : i32
      %dma_start3A_348 = arith.constant 0 : i32
      %dma_start3A_349 = tpu.memref_slice %arg13[%dma_start3A_347, %dma_start3A_348] : memref<10368x128xf32, #tpu.memory_space<vmem_shared>> -> memref<10368x128xf32, #tpu.memory_space<vmem_shared>>
      tpu.enqueue_indirect_dma source(%arg11 : memref<64x128xf32, #tpu.memory_space<vmem>>) target(%dma_start3A_349 : memref<10368x128xf32, #tpu.memory_space<vmem_shared>>) offsets(%dma_start3A_346 : memref<64xi32, #tpu.memory_space<vmem>>) semaphore(%arg17 : memref<!tpu.dma_semaphore, #tpu.memory_space<semaphore_mem>>) {add = true}
      %dma_wait3A_350 = arith.constant 9 : i32
      %dma_wait3A_351 = arith.constant 0 : i32
      %dma_wait3A_352 = tpu.memref_slice %arg9[%dma_wait3A_350, %dma_wait3A_351] : memref<10x64xi32, #tpu.memory_space<vmem>> -> memref<1x64xi32, #tpu.memory_space<vmem>>
      %dma_wait3A_353 = tpu.memref_squeeze %dma_wait3A_352 : memref<1x64xi32, #tpu.memory_space<vmem>> -> memref<64xi32, #tpu.memory_space<vmem>>
      %dma_wait3A_354 = arith.constant 0 : i32
      %dma_wait3A_355 = arith.constant 0 : i32
      %dma_wait3A_356 = tpu.memref_slice %arg13[%dma_wait3A_354, %dma_wait3A_355] : memref<10368x128xf32, #tpu.memory_space<vmem_shared>> -> memref<10368x128xf32, #tpu.memory_space<vmem_shared>>
      tpu.wait_indirect_dma semaphore(%arg17 : memref<!tpu.dma_semaphore, #tpu.memory_space<semaphore_mem>>) src(%arg11 : memref<64x128xf32, #tpu.memory_space<vmem>>) dst(%dma_wait3A_356 : memref<10368x128xf32, #tpu.memory_space<vmem_shared>>)
      %scan3A_357 = arith.constant 0 : i32
      scf.yield %scan3A_357 : i32
    }
    %scan3A_46 = arith.constant 50 : i32
    %barrier3A_47 = arith.constant 0 : index
    tpu.barrier barrier_id(%barrier3A_47)
    %mul3A_48 = arith.constant 640 : i32
    %mul3A_49 = arith.muli %arg1, %mul3A_48 : i32
    %add3A_50 = arith.constant 0 : i32
    %add3A_51 = arith.addi %mul3A_49, %add3A_50 : i32
    "tpu.region"() ({
      %run_scoped3A = tpu.sem_alloc : memref<!tpu.dma_semaphore, #tpu.memory_space<semaphore_mem>>
      %dma_start3A = arith.constant 0 : i32
      %dma_start3A_103 = arith.constant 0 : i32
      %dma_start3A_104 = tpu.memref_slice %arg10[%dma_start3A, %dma_start3A_103] : memref<64x128xf32, #tpu.memory_space<vmem>> -> memref<64x128xf32, #tpu.memory_space<vmem>>
      %dma_start3A_105 = arith.constant 0 : i32
      %dma_start3A_106 = tpu.memref_slice %arg13[%add3A_51, %dma_start3A_105] : memref<10368x128xf32, #tpu.memory_space<vmem_shared>> -> memref<64x128xf32, #tpu.memory_space<vmem_shared>>
      %dma_start3A_107 = arith.constant 0 : i32
      %dma_start3A_108 = arith.constant 0 : i32
      %dma_start3A_109 = tpu.memref_slice %arg10[%dma_start3A_107, %dma_start3A_108] : memref<64x128xf32, #tpu.memory_space<vmem>> -> memref<64x128xf32, #tpu.memory_space<vmem>>
      %dma_start3A_110 = arith.constant 0 : i32
      %dma_start3A_111 = tpu.memref_slice %arg13[%add3A_51, %dma_start3A_110] : memref<10368x128xf32, #tpu.memory_space<vmem_shared>> -> memref<64x128xf32, #tpu.memory_space<vmem_shared>>
      tpu.enqueue_dma source(%dma_start3A_111 : memref<64x128xf32, #tpu.memory_space<vmem_shared>>) target(%dma_start3A_109 : memref<64x128xf32, #tpu.memory_space<vmem>>) target_semaphore(%run_scoped3A : memref<!tpu.dma_semaphore, #tpu.memory_space<semaphore_mem>>)
      %dma_wait3A = arith.constant 0 : i32
      %dma_wait3A_112 = arith.constant 0 : i32
      %dma_wait3A_113 = tpu.memref_slice %arg10[%dma_wait3A, %dma_wait3A_112] : memref<64x128xf32, #tpu.memory_space<vmem>> -> memref<64x128xf32, #tpu.memory_space<vmem>>
      %dma_wait3A_114 = arith.constant 0 : i32
      %dma_wait3A_115 = tpu.memref_slice %arg13[%add3A_51, %dma_wait3A_114] : memref<10368x128xf32, #tpu.memory_space<vmem_shared>> -> memref<64x128xf32, #tpu.memory_space<vmem_shared>>
      %dma_wait3A_116 = arith.constant 0 : i32
      %dma_wait3A_117 = arith.constant 0 : i32
      %dma_wait3A_118 = tpu.memref_slice %arg10[%dma_wait3A_116, %dma_wait3A_117] : memref<64x128xf32, #tpu.memory_space<vmem>> -> memref<64x128xf32, #tpu.memory_space<vmem>>
      %dma_wait3A_119 = arith.constant 0 : i32
      %dma_wait3A_120 = tpu.memref_slice %arg13[%add3A_51, %dma_wait3A_119] : memref<10368x128xf32, #tpu.memory_space<vmem_shared>> -> memref<64x128xf32, #tpu.memory_space<vmem_shared>>
      tpu.wait_dma2 semaphore(%run_scoped3A : memref<!tpu.dma_semaphore, #tpu.memory_space<semaphore_mem>>) src(%dma_wait3A_120 : memref<64x128xf32, #tpu.memory_space<vmem_shared>>) dst(%dma_wait3A_118 : memref<64x128xf32, #tpu.memory_space<vmem>>)
      tpu.yield
    }) : () -> ()
    %add3A_52 = arith.addi %mul3A_0, %mul3A_49 : i32
    %add3A_53 = arith.constant 0 : i32
    %add3A_54 = arith.addi %add3A_52, %add3A_53 : i32
    "tpu.region"() ({
      %run_scoped3A = tpu.sem_alloc : memref<!tpu.dma_semaphore, #tpu.memory_space<semaphore_mem>>
      %dma_start3A = arith.constant 0 : i32
      %dma_start3A_103 = arith.constant 0 : i32
      %dma_start3A_104 = tpu.memref_slice %arg10[%dma_start3A, %dma_start3A_103] : memref<64x128xf32, #tpu.memory_space<vmem>> -> memref<64x128xf32, #tpu.memory_space<vmem>>
      %dma_start3A_105 = arith.constant 0 : i32
      %dma_start3A_106 = tpu.memref_slice %arg5[%add3A_54, %dma_start3A_105] : memref<20480x128xf32, #tpu.memory_space<hbm>> -> memref<64x128xf32, #tpu.memory_space<hbm>>
      %dma_start3A_107 = arith.constant 0 : i32
      %dma_start3A_108 = tpu.memref_slice %arg5[%add3A_54, %dma_start3A_107] : memref<20480x128xf32, #tpu.memory_space<hbm>> -> memref<64x128xf32, #tpu.memory_space<hbm>>
      %dma_start3A_109 = arith.constant 0 : i32
      %dma_start3A_110 = arith.constant 0 : i32
      %dma_start3A_111 = tpu.memref_slice %arg10[%dma_start3A_109, %dma_start3A_110] : memref<64x128xf32, #tpu.memory_space<vmem>> -> memref<64x128xf32, #tpu.memory_space<vmem>>
      tpu.enqueue_dma source(%dma_start3A_111 : memref<64x128xf32, #tpu.memory_space<vmem>>) target(%dma_start3A_108 : memref<64x128xf32, #tpu.memory_space<hbm>>) target_semaphore(%run_scoped3A : memref<!tpu.dma_semaphore, #tpu.memory_space<semaphore_mem>>)
      %dma_wait3A = arith.constant 0 : i32
      %dma_wait3A_112 = arith.constant 0 : i32
      %dma_wait3A_113 = tpu.memref_slice %arg10[%dma_wait3A, %dma_wait3A_112] : memref<64x128xf32, #tpu.memory_space<vmem>> -> memref<64x128xf32, #tpu.memory_space<vmem>>
      %dma_wait3A_114 = arith.constant 0 : i32
      %dma_wait3A_115 = tpu.memref_slice %arg5[%add3A_54, %dma_wait3A_114] : memref<20480x128xf32, #tpu.memory_space<hbm>> -> memref<64x128xf32, #tpu.memory_space<hbm>>
      %dma_wait3A_116 = arith.constant 0 : i32
      %dma_wait3A_117 = tpu.memref_slice %arg5[%add3A_54, %dma_wait3A_116] : memref<20480x128xf32, #tpu.memory_space<hbm>> -> memref<64x128xf32, #tpu.memory_space<hbm>>
      %dma_wait3A_118 = arith.constant 0 : i32
      %dma_wait3A_119 = arith.constant 0 : i32
      %dma_wait3A_120 = tpu.memref_slice %arg10[%dma_wait3A_118, %dma_wait3A_119] : memref<64x128xf32, #tpu.memory_space<vmem>> -> memref<64x128xf32, #tpu.memory_space<vmem>>
      tpu.wait_dma2 semaphore(%run_scoped3A : memref<!tpu.dma_semaphore, #tpu.memory_space<semaphore_mem>>) src(%dma_wait3A_120 : memref<64x128xf32, #tpu.memory_space<vmem>>) dst(%dma_wait3A_117 : memref<64x128xf32, #tpu.memory_space<hbm>>)
      tpu.yield
    }) : () -> ()
    %add3A_55 = arith.constant 64 : i32
    %add3A_56 = arith.addi %mul3A_49, %add3A_55 : i32
    "tpu.region"() ({
      %run_scoped3A = tpu.sem_alloc : memref<!tpu.dma_semaphore, #tpu.memory_space<semaphore_mem>>
      %dma_start3A = arith.constant 0 : i32
      %dma_start3A_103 = arith.constant 0 : i32
      %dma_start3A_104 = tpu.memref_slice %arg10[%dma_start3A, %dma_start3A_103] : memref<64x128xf32, #tpu.memory_space<vmem>> -> memref<64x128xf32, #tpu.memory_space<vmem>>
      %dma_start3A_105 = arith.constant 0 : i32
      %dma_start3A_106 = tpu.memref_slice %arg13[%add3A_56, %dma_start3A_105] : memref<10368x128xf32, #tpu.memory_space<vmem_shared>> -> memref<64x128xf32, #tpu.memory_space<vmem_shared>>
      %dma_start3A_107 = arith.constant 0 : i32
      %dma_start3A_108 = arith.constant 0 : i32
      %dma_start3A_109 = tpu.memref_slice %arg10[%dma_start3A_107, %dma_start3A_108] : memref<64x128xf32, #tpu.memory_space<vmem>> -> memref<64x128xf32, #tpu.memory_space<vmem>>
      %dma_start3A_110 = arith.constant 0 : i32
      %dma_start3A_111 = tpu.memref_slice %arg13[%add3A_56, %dma_start3A_110] : memref<10368x128xf32, #tpu.memory_space<vmem_shared>> -> memref<64x128xf32, #tpu.memory_space<vmem_shared>>
      tpu.enqueue_dma source(%dma_start3A_111 : memref<64x128xf32, #tpu.memory_space<vmem_shared>>) target(%dma_start3A_109 : memref<64x128xf32, #tpu.memory_space<vmem>>) target_semaphore(%run_scoped3A : memref<!tpu.dma_semaphore, #tpu.memory_space<semaphore_mem>>)
      %dma_wait3A = arith.constant 0 : i32
      %dma_wait3A_112 = arith.constant 0 : i32
      %dma_wait3A_113 = tpu.memref_slice %arg10[%dma_wait3A, %dma_wait3A_112] : memref<64x128xf32, #tpu.memory_space<vmem>> -> memref<64x128xf32, #tpu.memory_space<vmem>>
      %dma_wait3A_114 = arith.constant 0 : i32
      %dma_wait3A_115 = tpu.memref_slice %arg13[%add3A_56, %dma_wait3A_114] : memref<10368x128xf32, #tpu.memory_space<vmem_shared>> -> memref<64x128xf32, #tpu.memory_space<vmem_shared>>
      %dma_wait3A_116 = arith.constant 0 : i32
      %dma_wait3A_117 = arith.constant 0 : i32
      %dma_wait3A_118 = tpu.memref_slice %arg10[%dma_wait3A_116, %dma_wait3A_117] : memref<64x128xf32, #tpu.memory_space<vmem>> -> memref<64x128xf32, #tpu.memory_space<vmem>>
      %dma_wait3A_119 = arith.constant 0 : i32
      %dma_wait3A_120 = tpu.memref_slice %arg13[%add3A_56, %dma_wait3A_119] : memref<10368x128xf32, #tpu.memory_space<vmem_shared>> -> memref<64x128xf32, #tpu.memory_space<vmem_shared>>
      tpu.wait_dma2 semaphore(%run_scoped3A : memref<!tpu.dma_semaphore, #tpu.memory_space<semaphore_mem>>) src(%dma_wait3A_120 : memref<64x128xf32, #tpu.memory_space<vmem_shared>>) dst(%dma_wait3A_118 : memref<64x128xf32, #tpu.memory_space<vmem>>)
      tpu.yield
    }) : () -> ()
    %add3A_57 = arith.addi %mul3A_0, %mul3A_49 : i32
    %add3A_58 = arith.constant 64 : i32
    %add3A_59 = arith.addi %add3A_57, %add3A_58 : i32
    "tpu.region"() ({
      %run_scoped3A = tpu.sem_alloc : memref<!tpu.dma_semaphore, #tpu.memory_space<semaphore_mem>>
      %dma_start3A = arith.constant 0 : i32
      %dma_start3A_103 = arith.constant 0 : i32
      %dma_start3A_104 = tpu.memref_slice %arg10[%dma_start3A, %dma_start3A_103] : memref<64x128xf32, #tpu.memory_space<vmem>> -> memref<64x128xf32, #tpu.memory_space<vmem>>
      %dma_start3A_105 = arith.constant 0 : i32
      %dma_start3A_106 = tpu.memref_slice %arg5[%add3A_59, %dma_start3A_105] : memref<20480x128xf32, #tpu.memory_space<hbm>> -> memref<64x128xf32, #tpu.memory_space<hbm>>
      %dma_start3A_107 = arith.constant 0 : i32
      %dma_start3A_108 = tpu.memref_slice %arg5[%add3A_59, %dma_start3A_107] : memref<20480x128xf32, #tpu.memory_space<hbm>> -> memref<64x128xf32, #tpu.memory_space<hbm>>
      %dma_start3A_109 = arith.constant 0 : i32
      %dma_start3A_110 = arith.constant 0 : i32
      %dma_start3A_111 = tpu.memref_slice %arg10[%dma_start3A_109, %dma_start3A_110] : memref<64x128xf32, #tpu.memory_space<vmem>> -> memref<64x128xf32, #tpu.memory_space<vmem>>
      tpu.enqueue_dma source(%dma_start3A_111 : memref<64x128xf32, #tpu.memory_space<vmem>>) target(%dma_start3A_108 : memref<64x128xf32, #tpu.memory_space<hbm>>) target_semaphore(%run_scoped3A : memref<!tpu.dma_semaphore, #tpu.memory_space<semaphore_mem>>)
      %dma_wait3A = arith.constant 0 : i32
      %dma_wait3A_112 = arith.constant 0 : i32
      %dma_wait3A_113 = tpu.memref_slice %arg10[%dma_wait3A, %dma_wait3A_112] : memref<64x128xf32, #tpu.memory_space<vmem>> -> memref<64x128xf32, #tpu.memory_space<vmem>>
      %dma_wait3A_114 = arith.constant 0 : i32
      %dma_wait3A_115 = tpu.memref_slice %arg5[%add3A_59, %dma_wait3A_114] : memref<20480x128xf32, #tpu.memory_space<hbm>> -> memref<64x128xf32, #tpu.memory_space<hbm>>
      %dma_wait3A_116 = arith.constant 0 : i32
      %dma_wait3A_117 = tpu.memref_slice %arg5[%add3A_59, %dma_wait3A_116] : memref<20480x128xf32, #tpu.memory_space<hbm>> -> memref<64x128xf32, #tpu.memory_space<hbm>>
      %dma_wait3A_118 = arith.constant 0 : i32
      %dma_wait3A_119 = arith.constant 0 : i32
      %dma_wait3A_120 = tpu.memref_slice %arg10[%dma_wait3A_118, %dma_wait3A_119] : memref<64x128xf32, #tpu.memory_space<vmem>> -> memref<64x128xf32, #tpu.memory_space<vmem>>
      tpu.wait_dma2 semaphore(%run_scoped3A : memref<!tpu.dma_semaphore, #tpu.memory_space<semaphore_mem>>) src(%dma_wait3A_120 : memref<64x128xf32, #tpu.memory_space<vmem>>) dst(%dma_wait3A_117 : memref<64x128xf32, #tpu.memory_space<hbm>>)
      tpu.yield
    }) : () -> ()
    %add3A_60 = arith.constant 128 : i32
    %add3A_61 = arith.addi %mul3A_49, %add3A_60 : i32
    "tpu.region"() ({
      %run_scoped3A = tpu.sem_alloc : memref<!tpu.dma_semaphore, #tpu.memory_space<semaphore_mem>>
      %dma_start3A = arith.constant 0 : i32
      %dma_start3A_103 = arith.constant 0 : i32
      %dma_start3A_104 = tpu.memref_slice %arg10[%dma_start3A, %dma_start3A_103] : memref<64x128xf32, #tpu.memory_space<vmem>> -> memref<64x128xf32, #tpu.memory_space<vmem>>
      %dma_start3A_105 = arith.constant 0 : i32
      %dma_start3A_106 = tpu.memref_slice %arg13[%add3A_61, %dma_start3A_105] : memref<10368x128xf32, #tpu.memory_space<vmem_shared>> -> memref<64x128xf32, #tpu.memory_space<vmem_shared>>
      %dma_start3A_107 = arith.constant 0 : i32
      %dma_start3A_108 = arith.constant 0 : i32
      %dma_start3A_109 = tpu.memref_slice %arg10[%dma_start3A_107, %dma_start3A_108] : memref<64x128xf32, #tpu.memory_space<vmem>> -> memref<64x128xf32, #tpu.memory_space<vmem>>
      %dma_start3A_110 = arith.constant 0 : i32
      %dma_start3A_111 = tpu.memref_slice %arg13[%add3A_61, %dma_start3A_110] : memref<10368x128xf32, #tpu.memory_space<vmem_shared>> -> memref<64x128xf32, #tpu.memory_space<vmem_shared>>
      tpu.enqueue_dma source(%dma_start3A_111 : memref<64x128xf32, #tpu.memory_space<vmem_shared>>) target(%dma_start3A_109 : memref<64x128xf32, #tpu.memory_space<vmem>>) target_semaphore(%run_scoped3A : memref<!tpu.dma_semaphore, #tpu.memory_space<semaphore_mem>>)
      %dma_wait3A = arith.constant 0 : i32
      %dma_wait3A_112 = arith.constant 0 : i32
      %dma_wait3A_113 = tpu.memref_slice %arg10[%dma_wait3A, %dma_wait3A_112] : memref<64x128xf32, #tpu.memory_space<vmem>> -> memref<64x128xf32, #tpu.memory_space<vmem>>
      %dma_wait3A_114 = arith.constant 0 : i32
      %dma_wait3A_115 = tpu.memref_slice %arg13[%add3A_61, %dma_wait3A_114] : memref<10368x128xf32, #tpu.memory_space<vmem_shared>> -> memref<64x128xf32, #tpu.memory_space<vmem_shared>>
      %dma_wait3A_116 = arith.constant 0 : i32
      %dma_wait3A_117 = arith.constant 0 : i32
      %dma_wait3A_118 = tpu.memref_slice %arg10[%dma_wait3A_116, %dma_wait3A_117] : memref<64x128xf32, #tpu.memory_space<vmem>> -> memref<64x128xf32, #tpu.memory_space<vmem>>
      %dma_wait3A_119 = arith.constant 0 : i32
      %dma_wait3A_120 = tpu.memref_slice %arg13[%add3A_61, %dma_wait3A_119] : memref<10368x128xf32, #tpu.memory_space<vmem_shared>> -> memref<64x128xf32, #tpu.memory_space<vmem_shared>>
      tpu.wait_dma2 semaphore(%run_scoped3A : memref<!tpu.dma_semaphore, #tpu.memory_space<semaphore_mem>>) src(%dma_wait3A_120 : memref<64x128xf32, #tpu.memory_space<vmem_shared>>) dst(%dma_wait3A_118 : memref<64x128xf32, #tpu.memory_space<vmem>>)
      tpu.yield
    }) : () -> ()
    %add3A_62 = arith.addi %mul3A_0, %mul3A_49 : i32
    %add3A_63 = arith.constant 128 : i32
    %add3A_64 = arith.addi %add3A_62, %add3A_63 : i32
    "tpu.region"() ({
      %run_scoped3A = tpu.sem_alloc : memref<!tpu.dma_semaphore, #tpu.memory_space<semaphore_mem>>
      %dma_start3A = arith.constant 0 : i32
      %dma_start3A_103 = arith.constant 0 : i32
      %dma_start3A_104 = tpu.memref_slice %arg10[%dma_start3A, %dma_start3A_103] : memref<64x128xf32, #tpu.memory_space<vmem>> -> memref<64x128xf32, #tpu.memory_space<vmem>>
      %dma_start3A_105 = arith.constant 0 : i32
      %dma_start3A_106 = tpu.memref_slice %arg5[%add3A_64, %dma_start3A_105] : memref<20480x128xf32, #tpu.memory_space<hbm>> -> memref<64x128xf32, #tpu.memory_space<hbm>>
      %dma_start3A_107 = arith.constant 0 : i32
      %dma_start3A_108 = tpu.memref_slice %arg5[%add3A_64, %dma_start3A_107] : memref<20480x128xf32, #tpu.memory_space<hbm>> -> memref<64x128xf32, #tpu.memory_space<hbm>>
      %dma_start3A_109 = arith.constant 0 : i32
      %dma_start3A_110 = arith.constant 0 : i32
      %dma_start3A_111 = tpu.memref_slice %arg10[%dma_start3A_109, %dma_start3A_110] : memref<64x128xf32, #tpu.memory_space<vmem>> -> memref<64x128xf32, #tpu.memory_space<vmem>>
      tpu.enqueue_dma source(%dma_start3A_111 : memref<64x128xf32, #tpu.memory_space<vmem>>) target(%dma_start3A_108 : memref<64x128xf32, #tpu.memory_space<hbm>>) target_semaphore(%run_scoped3A : memref<!tpu.dma_semaphore, #tpu.memory_space<semaphore_mem>>)
      %dma_wait3A = arith.constant 0 : i32
      %dma_wait3A_112 = arith.constant 0 : i32
      %dma_wait3A_113 = tpu.memref_slice %arg10[%dma_wait3A, %dma_wait3A_112] : memref<64x128xf32, #tpu.memory_space<vmem>> -> memref<64x128xf32, #tpu.memory_space<vmem>>
      %dma_wait3A_114 = arith.constant 0 : i32
      %dma_wait3A_115 = tpu.memref_slice %arg5[%add3A_64, %dma_wait3A_114] : memref<20480x128xf32, #tpu.memory_space<hbm>> -> memref<64x128xf32, #tpu.memory_space<hbm>>
      %dma_wait3A_116 = arith.constant 0 : i32
      %dma_wait3A_117 = tpu.memref_slice %arg5[%add3A_64, %dma_wait3A_116] : memref<20480x128xf32, #tpu.memory_space<hbm>> -> memref<64x128xf32, #tpu.memory_space<hbm>>
      %dma_wait3A_118 = arith.constant 0 : i32
      %dma_wait3A_119 = arith.constant 0 : i32
      %dma_wait3A_120 = tpu.memref_slice %arg10[%dma_wait3A_118, %dma_wait3A_119] : memref<64x128xf32, #tpu.memory_space<vmem>> -> memref<64x128xf32, #tpu.memory_space<vmem>>
      tpu.wait_dma2 semaphore(%run_scoped3A : memref<!tpu.dma_semaphore, #tpu.memory_space<semaphore_mem>>) src(%dma_wait3A_120 : memref<64x128xf32, #tpu.memory_space<vmem>>) dst(%dma_wait3A_117 : memref<64x128xf32, #tpu.memory_space<hbm>>)
      tpu.yield
    }) : () -> ()
    %add3A_65 = arith.constant 192 : i32
    %add3A_66 = arith.addi %mul3A_49, %add3A_65 : i32
    "tpu.region"() ({
      %run_scoped3A = tpu.sem_alloc : memref<!tpu.dma_semaphore, #tpu.memory_space<semaphore_mem>>
      %dma_start3A = arith.constant 0 : i32
      %dma_start3A_103 = arith.constant 0 : i32
      %dma_start3A_104 = tpu.memref_slice %arg10[%dma_start3A, %dma_start3A_103] : memref<64x128xf32, #tpu.memory_space<vmem>> -> memref<64x128xf32, #tpu.memory_space<vmem>>
      %dma_start3A_105 = arith.constant 0 : i32
      %dma_start3A_106 = tpu.memref_slice %arg13[%add3A_66, %dma_start3A_105] : memref<10368x128xf32, #tpu.memory_space<vmem_shared>> -> memref<64x128xf32, #tpu.memory_space<vmem_shared>>
      %dma_start3A_107 = arith.constant 0 : i32
      %dma_start3A_108 = arith.constant 0 : i32
      %dma_start3A_109 = tpu.memref_slice %arg10[%dma_start3A_107, %dma_start3A_108] : memref<64x128xf32, #tpu.memory_space<vmem>> -> memref<64x128xf32, #tpu.memory_space<vmem>>
      %dma_start3A_110 = arith.constant 0 : i32
      %dma_start3A_111 = tpu.memref_slice %arg13[%add3A_66, %dma_start3A_110] : memref<10368x128xf32, #tpu.memory_space<vmem_shared>> -> memref<64x128xf32, #tpu.memory_space<vmem_shared>>
      tpu.enqueue_dma source(%dma_start3A_111 : memref<64x128xf32, #tpu.memory_space<vmem_shared>>) target(%dma_start3A_109 : memref<64x128xf32, #tpu.memory_space<vmem>>) target_semaphore(%run_scoped3A : memref<!tpu.dma_semaphore, #tpu.memory_space<semaphore_mem>>)
      %dma_wait3A = arith.constant 0 : i32
      %dma_wait3A_112 = arith.constant 0 : i32
      %dma_wait3A_113 = tpu.memref_slice %arg10[%dma_wait3A, %dma_wait3A_112] : memref<64x128xf32, #tpu.memory_space<vmem>> -> memref<64x128xf32, #tpu.memory_space<vmem>>
      %dma_wait3A_114 = arith.constant 0 : i32
      %dma_wait3A_115 = tpu.memref_slice %arg13[%add3A_66, %dma_wait3A_114] : memref<10368x128xf32, #tpu.memory_space<vmem_shared>> -> memref<64x128xf32, #tpu.memory_space<vmem_shared>>
      %dma_wait3A_116 = arith.constant 0 : i32
      %dma_wait3A_117 = arith.constant 0 : i32
      %dma_wait3A_118 = tpu.memref_slice %arg10[%dma_wait3A_116, %dma_wait3A_117] : memref<64x128xf32, #tpu.memory_space<vmem>> -> memref<64x128xf32, #tpu.memory_space<vmem>>
      %dma_wait3A_119 = arith.constant 0 : i32
      %dma_wait3A_120 = tpu.memref_slice %arg13[%add3A_66, %dma_wait3A_119] : memref<10368x128xf32, #tpu.memory_space<vmem_shared>> -> memref<64x128xf32, #tpu.memory_space<vmem_shared>>
      tpu.wait_dma2 semaphore(%run_scoped3A : memref<!tpu.dma_semaphore, #tpu.memory_space<semaphore_mem>>) src(%dma_wait3A_120 : memref<64x128xf32, #tpu.memory_space<vmem_shared>>) dst(%dma_wait3A_118 : memref<64x128xf32, #tpu.memory_space<vmem>>)
      tpu.yield
    }) : () -> ()
    %add3A_67 = arith.addi %mul3A_0, %mul3A_49 : i32
    %add3A_68 = arith.constant 192 : i32
    %add3A_69 = arith.addi %add3A_67, %add3A_68 : i32
    "tpu.region"() ({
      %run_scoped3A = tpu.sem_alloc : memref<!tpu.dma_semaphore, #tpu.memory_space<semaphore_mem>>
      %dma_start3A = arith.constant 0 : i32
      %dma_start3A_103 = arith.constant 0 : i32
      %dma_start3A_104 = tpu.memref_slice %arg10[%dma_start3A, %dma_start3A_103] : memref<64x128xf32, #tpu.memory_space<vmem>> -> memref<64x128xf32, #tpu.memory_space<vmem>>
      %dma_start3A_105 = arith.constant 0 : i32
      %dma_start3A_106 = tpu.memref_slice %arg5[%add3A_69, %dma_start3A_105] : memref<20480x128xf32, #tpu.memory_space<hbm>> -> memref<64x128xf32, #tpu.memory_space<hbm>>
      %dma_start3A_107 = arith.constant 0 : i32
      %dma_start3A_108 = tpu.memref_slice %arg5[%add3A_69, %dma_start3A_107] : memref<20480x128xf32, #tpu.memory_space<hbm>> -> memref<64x128xf32, #tpu.memory_space<hbm>>
      %dma_start3A_109 = arith.constant 0 : i32
      %dma_start3A_110 = arith.constant 0 : i32
      %dma_start3A_111 = tpu.memref_slice %arg10[%dma_start3A_109, %dma_start3A_110] : memref<64x128xf32, #tpu.memory_space<vmem>> -> memref<64x128xf32, #tpu.memory_space<vmem>>
      tpu.enqueue_dma source(%dma_start3A_111 : memref<64x128xf32, #tpu.memory_space<vmem>>) target(%dma_start3A_108 : memref<64x128xf32, #tpu.memory_space<hbm>>) target_semaphore(%run_scoped3A : memref<!tpu.dma_semaphore, #tpu.memory_space<semaphore_mem>>)
      %dma_wait3A = arith.constant 0 : i32
      %dma_wait3A_112 = arith.constant 0 : i32
      %dma_wait3A_113 = tpu.memref_slice %arg10[%dma_wait3A, %dma_wait3A_112] : memref<64x128xf32, #tpu.memory_space<vmem>> -> memref<64x128xf32, #tpu.memory_space<vmem>>
      %dma_wait3A_114 = arith.constant 0 : i32
      %dma_wait3A_115 = tpu.memref_slice %arg5[%add3A_69, %dma_wait3A_114] : memref<20480x128xf32, #tpu.memory_space<hbm>> -> memref<64x128xf32, #tpu.memory_space<hbm>>
      %dma_wait3A_116 = arith.constant 0 : i32
      %dma_wait3A_117 = tpu.memref_slice %arg5[%add3A_69, %dma_wait3A_116] : memref<20480x128xf32, #tpu.memory_space<hbm>> -> memref<64x128xf32, #tpu.memory_space<hbm>>
      %dma_wait3A_118 = arith.constant 0 : i32
      %dma_wait3A_119 = arith.constant 0 : i32
      %dma_wait3A_120 = tpu.memref_slice %arg10[%dma_wait3A_118, %dma_wait3A_119] : memref<64x128xf32, #tpu.memory_space<vmem>> -> memref<64x128xf32, #tpu.memory_space<vmem>>
      tpu.wait_dma2 semaphore(%run_scoped3A : memref<!tpu.dma_semaphore, #tpu.memory_space<semaphore_mem>>) src(%dma_wait3A_120 : memref<64x128xf32, #tpu.memory_space<vmem>>) dst(%dma_wait3A_117 : memref<64x128xf32, #tpu.memory_space<hbm>>)
      tpu.yield
    }) : () -> ()
    %add3A_70 = arith.constant 256 : i32
    %add3A_71 = arith.addi %mul3A_49, %add3A_70 : i32
    "tpu.region"() ({
      %run_scoped3A = tpu.sem_alloc : memref<!tpu.dma_semaphore, #tpu.memory_space<semaphore_mem>>
      %dma_start3A = arith.constant 0 : i32
      %dma_start3A_103 = arith.constant 0 : i32
      %dma_start3A_104 = tpu.memref_slice %arg10[%dma_start3A, %dma_start3A_103] : memref<64x128xf32, #tpu.memory_space<vmem>> -> memref<64x128xf32, #tpu.memory_space<vmem>>
      %dma_start3A_105 = arith.constant 0 : i32
      %dma_start3A_106 = tpu.memref_slice %arg13[%add3A_71, %dma_start3A_105] : memref<10368x128xf32, #tpu.memory_space<vmem_shared>> -> memref<64x128xf32, #tpu.memory_space<vmem_shared>>
      %dma_start3A_107 = arith.constant 0 : i32
      %dma_start3A_108 = arith.constant 0 : i32
      %dma_start3A_109 = tpu.memref_slice %arg10[%dma_start3A_107, %dma_start3A_108] : memref<64x128xf32, #tpu.memory_space<vmem>> -> memref<64x128xf32, #tpu.memory_space<vmem>>
      %dma_start3A_110 = arith.constant 0 : i32
      %dma_start3A_111 = tpu.memref_slice %arg13[%add3A_71, %dma_start3A_110] : memref<10368x128xf32, #tpu.memory_space<vmem_shared>> -> memref<64x128xf32, #tpu.memory_space<vmem_shared>>
      tpu.enqueue_dma source(%dma_start3A_111 : memref<64x128xf32, #tpu.memory_space<vmem_shared>>) target(%dma_start3A_109 : memref<64x128xf32, #tpu.memory_space<vmem>>) target_semaphore(%run_scoped3A : memref<!tpu.dma_semaphore, #tpu.memory_space<semaphore_mem>>)
      %dma_wait3A = arith.constant 0 : i32
      %dma_wait3A_112 = arith.constant 0 : i32
      %dma_wait3A_113 = tpu.memref_slice %arg10[%dma_wait3A, %dma_wait3A_112] : memref<64x128xf32, #tpu.memory_space<vmem>> -> memref<64x128xf32, #tpu.memory_space<vmem>>
      %dma_wait3A_114 = arith.constant 0 : i32
      %dma_wait3A_115 = tpu.memref_slice %arg13[%add3A_71, %dma_wait3A_114] : memref<10368x128xf32, #tpu.memory_space<vmem_shared>> -> memref<64x128xf32, #tpu.memory_space<vmem_shared>>
      %dma_wait3A_116 = arith.constant 0 : i32
      %dma_wait3A_117 = arith.constant 0 : i32
      %dma_wait3A_118 = tpu.memref_slice %arg10[%dma_wait3A_116, %dma_wait3A_117] : memref<64x128xf32, #tpu.memory_space<vmem>> -> memref<64x128xf32, #tpu.memory_space<vmem>>
      %dma_wait3A_119 = arith.constant 0 : i32
      %dma_wait3A_120 = tpu.memref_slice %arg13[%add3A_71, %dma_wait3A_119] : memref<10368x128xf32, #tpu.memory_space<vmem_shared>> -> memref<64x128xf32, #tpu.memory_space<vmem_shared>>
      tpu.wait_dma2 semaphore(%run_scoped3A : memref<!tpu.dma_semaphore, #tpu.memory_space<semaphore_mem>>) src(%dma_wait3A_120 : memref<64x128xf32, #tpu.memory_space<vmem_shared>>) dst(%dma_wait3A_118 : memref<64x128xf32, #tpu.memory_space<vmem>>)
      tpu.yield
    }) : () -> ()
    %add3A_72 = arith.addi %mul3A_0, %mul3A_49 : i32
    %add3A_73 = arith.constant 256 : i32
    %add3A_74 = arith.addi %add3A_72, %add3A_73 : i32
    "tpu.region"() ({
      %run_scoped3A = tpu.sem_alloc : memref<!tpu.dma_semaphore, #tpu.memory_space<semaphore_mem>>
      %dma_start3A = arith.constant 0 : i32
      %dma_start3A_103 = arith.constant 0 : i32
      %dma_start3A_104 = tpu.memref_slice %arg10[%dma_start3A, %dma_start3A_103] : memref<64x128xf32, #tpu.memory_space<vmem>> -> memref<64x128xf32, #tpu.memory_space<vmem>>
      %dma_start3A_105 = arith.constant 0 : i32
      %dma_start3A_106 = tpu.memref_slice %arg5[%add3A_74, %dma_start3A_105] : memref<20480x128xf32, #tpu.memory_space<hbm>> -> memref<64x128xf32, #tpu.memory_space<hbm>>
      %dma_start3A_107 = arith.constant 0 : i32
      %dma_start3A_108 = tpu.memref_slice %arg5[%add3A_74, %dma_start3A_107] : memref<20480x128xf32, #tpu.memory_space<hbm>> -> memref<64x128xf32, #tpu.memory_space<hbm>>
      %dma_start3A_109 = arith.constant 0 : i32
      %dma_start3A_110 = arith.constant 0 : i32
      %dma_start3A_111 = tpu.memref_slice %arg10[%dma_start3A_109, %dma_start3A_110] : memref<64x128xf32, #tpu.memory_space<vmem>> -> memref<64x128xf32, #tpu.memory_space<vmem>>
      tpu.enqueue_dma source(%dma_start3A_111 : memref<64x128xf32, #tpu.memory_space<vmem>>) target(%dma_start3A_108 : memref<64x128xf32, #tpu.memory_space<hbm>>) target_semaphore(%run_scoped3A : memref<!tpu.dma_semaphore, #tpu.memory_space<semaphore_mem>>)
      %dma_wait3A = arith.constant 0 : i32
      %dma_wait3A_112 = arith.constant 0 : i32
      %dma_wait3A_113 = tpu.memref_slice %arg10[%dma_wait3A, %dma_wait3A_112] : memref<64x128xf32, #tpu.memory_space<vmem>> -> memref<64x128xf32, #tpu.memory_space<vmem>>
      %dma_wait3A_114 = arith.constant 0 : i32
      %dma_wait3A_115 = tpu.memref_slice %arg5[%add3A_74, %dma_wait3A_114] : memref<20480x128xf32, #tpu.memory_space<hbm>> -> memref<64x128xf32, #tpu.memory_space<hbm>>
      %dma_wait3A_116 = arith.constant 0 : i32
      %dma_wait3A_117 = tpu.memref_slice %arg5[%add3A_74, %dma_wait3A_116] : memref<20480x128xf32, #tpu.memory_space<hbm>> -> memref<64x128xf32, #tpu.memory_space<hbm>>
      %dma_wait3A_118 = arith.constant 0 : i32
      %dma_wait3A_119 = arith.constant 0 : i32
      %dma_wait3A_120 = tpu.memref_slice %arg10[%dma_wait3A_118, %dma_wait3A_119] : memref<64x128xf32, #tpu.memory_space<vmem>> -> memref<64x128xf32, #tpu.memory_space<vmem>>
      tpu.wait_dma2 semaphore(%run_scoped3A : memref<!tpu.dma_semaphore, #tpu.memory_space<semaphore_mem>>) src(%dma_wait3A_120 : memref<64x128xf32, #tpu.memory_space<vmem>>) dst(%dma_wait3A_117 : memref<64x128xf32, #tpu.memory_space<hbm>>)
      tpu.yield
    }) : () -> ()
    %add3A_75 = arith.constant 320 : i32
    %add3A_76 = arith.addi %mul3A_49, %add3A_75 : i32
    "tpu.region"() ({
      %run_scoped3A = tpu.sem_alloc : memref<!tpu.dma_semaphore, #tpu.memory_space<semaphore_mem>>
      %dma_start3A = arith.constant 0 : i32
      %dma_start3A_103 = arith.constant 0 : i32
      %dma_start3A_104 = tpu.memref_slice %arg10[%dma_start3A, %dma_start3A_103] : memref<64x128xf32, #tpu.memory_space<vmem>> -> memref<64x128xf32, #tpu.memory_space<vmem>>
      %dma_start3A_105 = arith.constant 0 : i32
      %dma_start3A_106 = tpu.memref_slice %arg13[%add3A_76, %dma_start3A_105] : memref<10368x128xf32, #tpu.memory_space<vmem_shared>> -> memref<64x128xf32, #tpu.memory_space<vmem_shared>>
      %dma_start3A_107 = arith.constant 0 : i32
      %dma_start3A_108 = arith.constant 0 : i32
      %dma_start3A_109 = tpu.memref_slice %arg10[%dma_start3A_107, %dma_start3A_108] : memref<64x128xf32, #tpu.memory_space<vmem>> -> memref<64x128xf32, #tpu.memory_space<vmem>>
      %dma_start3A_110 = arith.constant 0 : i32
      %dma_start3A_111 = tpu.memref_slice %arg13[%add3A_76, %dma_start3A_110] : memref<10368x128xf32, #tpu.memory_space<vmem_shared>> -> memref<64x128xf32, #tpu.memory_space<vmem_shared>>
      tpu.enqueue_dma source(%dma_start3A_111 : memref<64x128xf32, #tpu.memory_space<vmem_shared>>) target(%dma_start3A_109 : memref<64x128xf32, #tpu.memory_space<vmem>>) target_semaphore(%run_scoped3A : memref<!tpu.dma_semaphore, #tpu.memory_space<semaphore_mem>>)
      %dma_wait3A = arith.constant 0 : i32
      %dma_wait3A_112 = arith.constant 0 : i32
      %dma_wait3A_113 = tpu.memref_slice %arg10[%dma_wait3A, %dma_wait3A_112] : memref<64x128xf32, #tpu.memory_space<vmem>> -> memref<64x128xf32, #tpu.memory_space<vmem>>
      %dma_wait3A_114 = arith.constant 0 : i32
      %dma_wait3A_115 = tpu.memref_slice %arg13[%add3A_76, %dma_wait3A_114] : memref<10368x128xf32, #tpu.memory_space<vmem_shared>> -> memref<64x128xf32, #tpu.memory_space<vmem_shared>>
      %dma_wait3A_116 = arith.constant 0 : i32
      %dma_wait3A_117 = arith.constant 0 : i32
      %dma_wait3A_118 = tpu.memref_slice %arg10[%dma_wait3A_116, %dma_wait3A_117] : memref<64x128xf32, #tpu.memory_space<vmem>> -> memref<64x128xf32, #tpu.memory_space<vmem>>
      %dma_wait3A_119 = arith.constant 0 : i32
      %dma_wait3A_120 = tpu.memref_slice %arg13[%add3A_76, %dma_wait3A_119] : memref<10368x128xf32, #tpu.memory_space<vmem_shared>> -> memref<64x128xf32, #tpu.memory_space<vmem_shared>>
      tpu.wait_dma2 semaphore(%run_scoped3A : memref<!tpu.dma_semaphore, #tpu.memory_space<semaphore_mem>>) src(%dma_wait3A_120 : memref<64x128xf32, #tpu.memory_space<vmem_shared>>) dst(%dma_wait3A_118 : memref<64x128xf32, #tpu.memory_space<vmem>>)
      tpu.yield
    }) : () -> ()
    %add3A_77 = arith.addi %mul3A_0, %mul3A_49 : i32
    %add3A_78 = arith.constant 320 : i32
    %add3A_79 = arith.addi %add3A_77, %add3A_78 : i32
    "tpu.region"() ({
      %run_scoped3A = tpu.sem_alloc : memref<!tpu.dma_semaphore, #tpu.memory_space<semaphore_mem>>
      %dma_start3A = arith.constant 0 : i32
      %dma_start3A_103 = arith.constant 0 : i32
      %dma_start3A_104 = tpu.memref_slice %arg10[%dma_start3A, %dma_start3A_103] : memref<64x128xf32, #tpu.memory_space<vmem>> -> memref<64x128xf32, #tpu.memory_space<vmem>>
      %dma_start3A_105 = arith.constant 0 : i32
      %dma_start3A_106 = tpu.memref_slice %arg5[%add3A_79, %dma_start3A_105] : memref<20480x128xf32, #tpu.memory_space<hbm>> -> memref<64x128xf32, #tpu.memory_space<hbm>>
      %dma_start3A_107 = arith.constant 0 : i32
      %dma_start3A_108 = tpu.memref_slice %arg5[%add3A_79, %dma_start3A_107] : memref<20480x128xf32, #tpu.memory_space<hbm>> -> memref<64x128xf32, #tpu.memory_space<hbm>>
      %dma_start3A_109 = arith.constant 0 : i32
      %dma_start3A_110 = arith.constant 0 : i32
      %dma_start3A_111 = tpu.memref_slice %arg10[%dma_start3A_109, %dma_start3A_110] : memref<64x128xf32, #tpu.memory_space<vmem>> -> memref<64x128xf32, #tpu.memory_space<vmem>>
      tpu.enqueue_dma source(%dma_start3A_111 : memref<64x128xf32, #tpu.memory_space<vmem>>) target(%dma_start3A_108 : memref<64x128xf32, #tpu.memory_space<hbm>>) target_semaphore(%run_scoped3A : memref<!tpu.dma_semaphore, #tpu.memory_space<semaphore_mem>>)
      %dma_wait3A = arith.constant 0 : i32
      %dma_wait3A_112 = arith.constant 0 : i32
      %dma_wait3A_113 = tpu.memref_slice %arg10[%dma_wait3A, %dma_wait3A_112] : memref<64x128xf32, #tpu.memory_space<vmem>> -> memref<64x128xf32, #tpu.memory_space<vmem>>
      %dma_wait3A_114 = arith.constant 0 : i32
      %dma_wait3A_115 = tpu.memref_slice %arg5[%add3A_79, %dma_wait3A_114] : memref<20480x128xf32, #tpu.memory_space<hbm>> -> memref<64x128xf32, #tpu.memory_space<hbm>>
      %dma_wait3A_116 = arith.constant 0 : i32
      %dma_wait3A_117 = tpu.memref_slice %arg5[%add3A_79, %dma_wait3A_116] : memref<20480x128xf32, #tpu.memory_space<hbm>> -> memref<64x128xf32, #tpu.memory_space<hbm>>
      %dma_wait3A_118 = arith.constant 0 : i32
      %dma_wait3A_119 = arith.constant 0 : i32
      %dma_wait3A_120 = tpu.memref_slice %arg10[%dma_wait3A_118, %dma_wait3A_119] : memref<64x128xf32, #tpu.memory_space<vmem>> -> memref<64x128xf32, #tpu.memory_space<vmem>>
      tpu.wait_dma2 semaphore(%run_scoped3A : memref<!tpu.dma_semaphore, #tpu.memory_space<semaphore_mem>>) src(%dma_wait3A_120 : memref<64x128xf32, #tpu.memory_space<vmem>>) dst(%dma_wait3A_117 : memref<64x128xf32, #tpu.memory_space<hbm>>)
      tpu.yield
    }) : () -> ()
    %add3A_80 = arith.constant 384 : i32
    %add3A_81 = arith.addi %mul3A_49, %add3A_80 : i32
    "tpu.region"() ({
      %run_scoped3A = tpu.sem_alloc : memref<!tpu.dma_semaphore, #tpu.memory_space<semaphore_mem>>
      %dma_start3A = arith.constant 0 : i32
      %dma_start3A_103 = arith.constant 0 : i32
      %dma_start3A_104 = tpu.memref_slice %arg10[%dma_start3A, %dma_start3A_103] : memref<64x128xf32, #tpu.memory_space<vmem>> -> memref<64x128xf32, #tpu.memory_space<vmem>>
      %dma_start3A_105 = arith.constant 0 : i32
      %dma_start3A_106 = tpu.memref_slice %arg13[%add3A_81, %dma_start3A_105] : memref<10368x128xf32, #tpu.memory_space<vmem_shared>> -> memref<64x128xf32, #tpu.memory_space<vmem_shared>>
      %dma_start3A_107 = arith.constant 0 : i32
      %dma_start3A_108 = arith.constant 0 : i32
      %dma_start3A_109 = tpu.memref_slice %arg10[%dma_start3A_107, %dma_start3A_108] : memref<64x128xf32, #tpu.memory_space<vmem>> -> memref<64x128xf32, #tpu.memory_space<vmem>>
      %dma_start3A_110 = arith.constant 0 : i32
      %dma_start3A_111 = tpu.memref_slice %arg13[%add3A_81, %dma_start3A_110] : memref<10368x128xf32, #tpu.memory_space<vmem_shared>> -> memref<64x128xf32, #tpu.memory_space<vmem_shared>>
      tpu.enqueue_dma source(%dma_start3A_111 : memref<64x128xf32, #tpu.memory_space<vmem_shared>>) target(%dma_start3A_109 : memref<64x128xf32, #tpu.memory_space<vmem>>) target_semaphore(%run_scoped3A : memref<!tpu.dma_semaphore, #tpu.memory_space<semaphore_mem>>)
      %dma_wait3A = arith.constant 0 : i32
      %dma_wait3A_112 = arith.constant 0 : i32
      %dma_wait3A_113 = tpu.memref_slice %arg10[%dma_wait3A, %dma_wait3A_112] : memref<64x128xf32, #tpu.memory_space<vmem>> -> memref<64x128xf32, #tpu.memory_space<vmem>>
      %dma_wait3A_114 = arith.constant 0 : i32
      %dma_wait3A_115 = tpu.memref_slice %arg13[%add3A_81, %dma_wait3A_114] : memref<10368x128xf32, #tpu.memory_space<vmem_shared>> -> memref<64x128xf32, #tpu.memory_space<vmem_shared>>
      %dma_wait3A_116 = arith.constant 0 : i32
      %dma_wait3A_117 = arith.constant 0 : i32
      %dma_wait3A_118 = tpu.memref_slice %arg10[%dma_wait3A_116, %dma_wait3A_117] : memref<64x128xf32, #tpu.memory_space<vmem>> -> memref<64x128xf32, #tpu.memory_space<vmem>>
      %dma_wait3A_119 = arith.constant 0 : i32
      %dma_wait3A_120 = tpu.memref_slice %arg13[%add3A_81, %dma_wait3A_119] : memref<10368x128xf32, #tpu.memory_space<vmem_shared>> -> memref<64x128xf32, #tpu.memory_space<vmem_shared>>
      tpu.wait_dma2 semaphore(%run_scoped3A : memref<!tpu.dma_semaphore, #tpu.memory_space<semaphore_mem>>) src(%dma_wait3A_120 : memref<64x128xf32, #tpu.memory_space<vmem_shared>>) dst(%dma_wait3A_118 : memref<64x128xf32, #tpu.memory_space<vmem>>)
      tpu.yield
    }) : () -> ()
    %add3A_82 = arith.addi %mul3A_0, %mul3A_49 : i32
    %add3A_83 = arith.constant 384 : i32
    %add3A_84 = arith.addi %add3A_82, %add3A_83 : i32
    "tpu.region"() ({
      %run_scoped3A = tpu.sem_alloc : memref<!tpu.dma_semaphore, #tpu.memory_space<semaphore_mem>>
      %dma_start3A = arith.constant 0 : i32
      %dma_start3A_103 = arith.constant 0 : i32
      %dma_start3A_104 = tpu.memref_slice %arg10[%dma_start3A, %dma_start3A_103] : memref<64x128xf32, #tpu.memory_space<vmem>> -> memref<64x128xf32, #tpu.memory_space<vmem>>
      %dma_start3A_105 = arith.constant 0 : i32
      %dma_start3A_106 = tpu.memref_slice %arg5[%add3A_84, %dma_start3A_105] : memref<20480x128xf32, #tpu.memory_space<hbm>> -> memref<64x128xf32, #tpu.memory_space<hbm>>
      %dma_start3A_107 = arith.constant 0 : i32
      %dma_start3A_108 = tpu.memref_slice %arg5[%add3A_84, %dma_start3A_107] : memref<20480x128xf32, #tpu.memory_space<hbm>> -> memref<64x128xf32, #tpu.memory_space<hbm>>
      %dma_start3A_109 = arith.constant 0 : i32
      %dma_start3A_110 = arith.constant 0 : i32
      %dma_start3A_111 = tpu.memref_slice %arg10[%dma_start3A_109, %dma_start3A_110] : memref<64x128xf32, #tpu.memory_space<vmem>> -> memref<64x128xf32, #tpu.memory_space<vmem>>
      tpu.enqueue_dma source(%dma_start3A_111 : memref<64x128xf32, #tpu.memory_space<vmem>>) target(%dma_start3A_108 : memref<64x128xf32, #tpu.memory_space<hbm>>) target_semaphore(%run_scoped3A : memref<!tpu.dma_semaphore, #tpu.memory_space<semaphore_mem>>)
      %dma_wait3A = arith.constant 0 : i32
      %dma_wait3A_112 = arith.constant 0 : i32
      %dma_wait3A_113 = tpu.memref_slice %arg10[%dma_wait3A, %dma_wait3A_112] : memref<64x128xf32, #tpu.memory_space<vmem>> -> memref<64x128xf32, #tpu.memory_space<vmem>>
      %dma_wait3A_114 = arith.constant 0 : i32
      %dma_wait3A_115 = tpu.memref_slice %arg5[%add3A_84, %dma_wait3A_114] : memref<20480x128xf32, #tpu.memory_space<hbm>> -> memref<64x128xf32, #tpu.memory_space<hbm>>
      %dma_wait3A_116 = arith.constant 0 : i32
      %dma_wait3A_117 = tpu.memref_slice %arg5[%add3A_84, %dma_wait3A_116] : memref<20480x128xf32, #tpu.memory_space<hbm>> -> memref<64x128xf32, #tpu.memory_space<hbm>>
      %dma_wait3A_118 = arith.constant 0 : i32
      %dma_wait3A_119 = arith.constant 0 : i32
      %dma_wait3A_120 = tpu.memref_slice %arg10[%dma_wait3A_118, %dma_wait3A_119] : memref<64x128xf32, #tpu.memory_space<vmem>> -> memref<64x128xf32, #tpu.memory_space<vmem>>
      tpu.wait_dma2 semaphore(%run_scoped3A : memref<!tpu.dma_semaphore, #tpu.memory_space<semaphore_mem>>) src(%dma_wait3A_120 : memref<64x128xf32, #tpu.memory_space<vmem>>) dst(%dma_wait3A_117 : memref<64x128xf32, #tpu.memory_space<hbm>>)
      tpu.yield
    }) : () -> ()
    %add3A_85 = arith.constant 448 : i32
    %add3A_86 = arith.addi %mul3A_49, %add3A_85 : i32
    "tpu.region"() ({
      %run_scoped3A = tpu.sem_alloc : memref<!tpu.dma_semaphore, #tpu.memory_space<semaphore_mem>>
      %dma_start3A = arith.constant 0 : i32
      %dma_start3A_103 = arith.constant 0 : i32
      %dma_start3A_104 = tpu.memref_slice %arg10[%dma_start3A, %dma_start3A_103] : memref<64x128xf32, #tpu.memory_space<vmem>> -> memref<64x128xf32, #tpu.memory_space<vmem>>
      %dma_start3A_105 = arith.constant 0 : i32
      %dma_start3A_106 = tpu.memref_slice %arg13[%add3A_86, %dma_start3A_105] : memref<10368x128xf32, #tpu.memory_space<vmem_shared>> -> memref<64x128xf32, #tpu.memory_space<vmem_shared>>
      %dma_start3A_107 = arith.constant 0 : i32
      %dma_start3A_108 = arith.constant 0 : i32
      %dma_start3A_109 = tpu.memref_slice %arg10[%dma_start3A_107, %dma_start3A_108] : memref<64x128xf32, #tpu.memory_space<vmem>> -> memref<64x128xf32, #tpu.memory_space<vmem>>
      %dma_start3A_110 = arith.constant 0 : i32
      %dma_start3A_111 = tpu.memref_slice %arg13[%add3A_86, %dma_start3A_110] : memref<10368x128xf32, #tpu.memory_space<vmem_shared>> -> memref<64x128xf32, #tpu.memory_space<vmem_shared>>
      tpu.enqueue_dma source(%dma_start3A_111 : memref<64x128xf32, #tpu.memory_space<vmem_shared>>) target(%dma_start3A_109 : memref<64x128xf32, #tpu.memory_space<vmem>>) target_semaphore(%run_scoped3A : memref<!tpu.dma_semaphore, #tpu.memory_space<semaphore_mem>>)
      %dma_wait3A = arith.constant 0 : i32
      %dma_wait3A_112 = arith.constant 0 : i32
      %dma_wait3A_113 = tpu.memref_slice %arg10[%dma_wait3A, %dma_wait3A_112] : memref<64x128xf32, #tpu.memory_space<vmem>> -> memref<64x128xf32, #tpu.memory_space<vmem>>
      %dma_wait3A_114 = arith.constant 0 : i32
      %dma_wait3A_115 = tpu.memref_slice %arg13[%add3A_86, %dma_wait3A_114] : memref<10368x128xf32, #tpu.memory_space<vmem_shared>> -> memref<64x128xf32, #tpu.memory_space<vmem_shared>>
      %dma_wait3A_116 = arith.constant 0 : i32
      %dma_wait3A_117 = arith.constant 0 : i32
      %dma_wait3A_118 = tpu.memref_slice %arg10[%dma_wait3A_116, %dma_wait3A_117] : memref<64x128xf32, #tpu.memory_space<vmem>> -> memref<64x128xf32, #tpu.memory_space<vmem>>
      %dma_wait3A_119 = arith.constant 0 : i32
      %dma_wait3A_120 = tpu.memref_slice %arg13[%add3A_86, %dma_wait3A_119] : memref<10368x128xf32, #tpu.memory_space<vmem_shared>> -> memref<64x128xf32, #tpu.memory_space<vmem_shared>>
      tpu.wait_dma2 semaphore(%run_scoped3A : memref<!tpu.dma_semaphore, #tpu.memory_space<semaphore_mem>>) src(%dma_wait3A_120 : memref<64x128xf32, #tpu.memory_space<vmem_shared>>) dst(%dma_wait3A_118 : memref<64x128xf32, #tpu.memory_space<vmem>>)
      tpu.yield
    }) : () -> ()
    %add3A_87 = arith.addi %mul3A_0, %mul3A_49 : i32
    %add3A_88 = arith.constant 448 : i32
    %add3A_89 = arith.addi %add3A_87, %add3A_88 : i32
    "tpu.region"() ({
      %run_scoped3A = tpu.sem_alloc : memref<!tpu.dma_semaphore, #tpu.memory_space<semaphore_mem>>
      %dma_start3A = arith.constant 0 : i32
      %dma_start3A_103 = arith.constant 0 : i32
      %dma_start3A_104 = tpu.memref_slice %arg10[%dma_start3A, %dma_start3A_103] : memref<64x128xf32, #tpu.memory_space<vmem>> -> memref<64x128xf32, #tpu.memory_space<vmem>>
      %dma_start3A_105 = arith.constant 0 : i32
      %dma_start3A_106 = tpu.memref_slice %arg5[%add3A_89, %dma_start3A_105] : memref<20480x128xf32, #tpu.memory_space<hbm>> -> memref<64x128xf32, #tpu.memory_space<hbm>>
      %dma_start3A_107 = arith.constant 0 : i32
      %dma_start3A_108 = tpu.memref_slice %arg5[%add3A_89, %dma_start3A_107] : memref<20480x128xf32, #tpu.memory_space<hbm>> -> memref<64x128xf32, #tpu.memory_space<hbm>>
      %dma_start3A_109 = arith.constant 0 : i32
      %dma_start3A_110 = arith.constant 0 : i32
      %dma_start3A_111 = tpu.memref_slice %arg10[%dma_start3A_109, %dma_start3A_110] : memref<64x128xf32, #tpu.memory_space<vmem>> -> memref<64x128xf32, #tpu.memory_space<vmem>>
      tpu.enqueue_dma source(%dma_start3A_111 : memref<64x128xf32, #tpu.memory_space<vmem>>) target(%dma_start3A_108 : memref<64x128xf32, #tpu.memory_space<hbm>>) target_semaphore(%run_scoped3A : memref<!tpu.dma_semaphore, #tpu.memory_space<semaphore_mem>>)
      %dma_wait3A = arith.constant 0 : i32
      %dma_wait3A_112 = arith.constant 0 : i32
      %dma_wait3A_113 = tpu.memref_slice %arg10[%dma_wait3A, %dma_wait3A_112] : memref<64x128xf32, #tpu.memory_space<vmem>> -> memref<64x128xf32, #tpu.memory_space<vmem>>
      %dma_wait3A_114 = arith.constant 0 : i32
      %dma_wait3A_115 = tpu.memref_slice %arg5[%add3A_89, %dma_wait3A_114] : memref<20480x128xf32, #tpu.memory_space<hbm>> -> memref<64x128xf32, #tpu.memory_space<hbm>>
      %dma_wait3A_116 = arith.constant 0 : i32
      %dma_wait3A_117 = tpu.memref_slice %arg5[%add3A_89, %dma_wait3A_116] : memref<20480x128xf32, #tpu.memory_space<hbm>> -> memref<64x128xf32, #tpu.memory_space<hbm>>
      %dma_wait3A_118 = arith.constant 0 : i32
      %dma_wait3A_119 = arith.constant 0 : i32
      %dma_wait3A_120 = tpu.memref_slice %arg10[%dma_wait3A_118, %dma_wait3A_119] : memref<64x128xf32, #tpu.memory_space<vmem>> -> memref<64x128xf32, #tpu.memory_space<vmem>>
      tpu.wait_dma2 semaphore(%run_scoped3A : memref<!tpu.dma_semaphore, #tpu.memory_space<semaphore_mem>>) src(%dma_wait3A_120 : memref<64x128xf32, #tpu.memory_space<vmem>>) dst(%dma_wait3A_117 : memref<64x128xf32, #tpu.memory_space<hbm>>)
      tpu.yield
    }) : () -> ()
    %add3A_90 = arith.constant 512 : i32
    %add3A_91 = arith.addi %mul3A_49, %add3A_90 : i32
    "tpu.region"() ({
      %run_scoped3A = tpu.sem_alloc : memref<!tpu.dma_semaphore, #tpu.memory_space<semaphore_mem>>
      %dma_start3A = arith.constant 0 : i32
      %dma_start3A_103 = arith.constant 0 : i32
      %dma_start3A_104 = tpu.memref_slice %arg10[%dma_start3A, %dma_start3A_103] : memref<64x128xf32, #tpu.memory_space<vmem>> -> memref<64x128xf32, #tpu.memory_space<vmem>>
      %dma_start3A_105 = arith.constant 0 : i32
      %dma_start3A_106 = tpu.memref_slice %arg13[%add3A_91, %dma_start3A_105] : memref<10368x128xf32, #tpu.memory_space<vmem_shared>> -> memref<64x128xf32, #tpu.memory_space<vmem_shared>>
      %dma_start3A_107 = arith.constant 0 : i32
      %dma_start3A_108 = arith.constant 0 : i32
      %dma_start3A_109 = tpu.memref_slice %arg10[%dma_start3A_107, %dma_start3A_108] : memref<64x128xf32, #tpu.memory_space<vmem>> -> memref<64x128xf32, #tpu.memory_space<vmem>>
      %dma_start3A_110 = arith.constant 0 : i32
      %dma_start3A_111 = tpu.memref_slice %arg13[%add3A_91, %dma_start3A_110] : memref<10368x128xf32, #tpu.memory_space<vmem_shared>> -> memref<64x128xf32, #tpu.memory_space<vmem_shared>>
      tpu.enqueue_dma source(%dma_start3A_111 : memref<64x128xf32, #tpu.memory_space<vmem_shared>>) target(%dma_start3A_109 : memref<64x128xf32, #tpu.memory_space<vmem>>) target_semaphore(%run_scoped3A : memref<!tpu.dma_semaphore, #tpu.memory_space<semaphore_mem>>)
      %dma_wait3A = arith.constant 0 : i32
      %dma_wait3A_112 = arith.constant 0 : i32
      %dma_wait3A_113 = tpu.memref_slice %arg10[%dma_wait3A, %dma_wait3A_112] : memref<64x128xf32, #tpu.memory_space<vmem>> -> memref<64x128xf32, #tpu.memory_space<vmem>>
      %dma_wait3A_114 = arith.constant 0 : i32
      %dma_wait3A_115 = tpu.memref_slice %arg13[%add3A_91, %dma_wait3A_114] : memref<10368x128xf32, #tpu.memory_space<vmem_shared>> -> memref<64x128xf32, #tpu.memory_space<vmem_shared>>
      %dma_wait3A_116 = arith.constant 0 : i32
      %dma_wait3A_117 = arith.constant 0 : i32
      %dma_wait3A_118 = tpu.memref_slice %arg10[%dma_wait3A_116, %dma_wait3A_117] : memref<64x128xf32, #tpu.memory_space<vmem>> -> memref<64x128xf32, #tpu.memory_space<vmem>>
      %dma_wait3A_119 = arith.constant 0 : i32
      %dma_wait3A_120 = tpu.memref_slice %arg13[%add3A_91, %dma_wait3A_119] : memref<10368x128xf32, #tpu.memory_space<vmem_shared>> -> memref<64x128xf32, #tpu.memory_space<vmem_shared>>
      tpu.wait_dma2 semaphore(%run_scoped3A : memref<!tpu.dma_semaphore, #tpu.memory_space<semaphore_mem>>) src(%dma_wait3A_120 : memref<64x128xf32, #tpu.memory_space<vmem_shared>>) dst(%dma_wait3A_118 : memref<64x128xf32, #tpu.memory_space<vmem>>)
      tpu.yield
    }) : () -> ()
    %add3A_92 = arith.addi %mul3A_0, %mul3A_49 : i32
    %add3A_93 = arith.constant 512 : i32
    %add3A_94 = arith.addi %add3A_92, %add3A_93 : i32
    "tpu.region"() ({
      %run_scoped3A = tpu.sem_alloc : memref<!tpu.dma_semaphore, #tpu.memory_space<semaphore_mem>>
      %dma_start3A = arith.constant 0 : i32
      %dma_start3A_103 = arith.constant 0 : i32
      %dma_start3A_104 = tpu.memref_slice %arg10[%dma_start3A, %dma_start3A_103] : memref<64x128xf32, #tpu.memory_space<vmem>> -> memref<64x128xf32, #tpu.memory_space<vmem>>
      %dma_start3A_105 = arith.constant 0 : i32
      %dma_start3A_106 = tpu.memref_slice %arg5[%add3A_94, %dma_start3A_105] : memref<20480x128xf32, #tpu.memory_space<hbm>> -> memref<64x128xf32, #tpu.memory_space<hbm>>
      %dma_start3A_107 = arith.constant 0 : i32
      %dma_start3A_108 = tpu.memref_slice %arg5[%add3A_94, %dma_start3A_107] : memref<20480x128xf32, #tpu.memory_space<hbm>> -> memref<64x128xf32, #tpu.memory_space<hbm>>
      %dma_start3A_109 = arith.constant 0 : i32
      %dma_start3A_110 = arith.constant 0 : i32
      %dma_start3A_111 = tpu.memref_slice %arg10[%dma_start3A_109, %dma_start3A_110] : memref<64x128xf32, #tpu.memory_space<vmem>> -> memref<64x128xf32, #tpu.memory_space<vmem>>
      tpu.enqueue_dma source(%dma_start3A_111 : memref<64x128xf32, #tpu.memory_space<vmem>>) target(%dma_start3A_108 : memref<64x128xf32, #tpu.memory_space<hbm>>) target_semaphore(%run_scoped3A : memref<!tpu.dma_semaphore, #tpu.memory_space<semaphore_mem>>)
      %dma_wait3A = arith.constant 0 : i32
      %dma_wait3A_112 = arith.constant 0 : i32
      %dma_wait3A_113 = tpu.memref_slice %arg10[%dma_wait3A, %dma_wait3A_112] : memref<64x128xf32, #tpu.memory_space<vmem>> -> memref<64x128xf32, #tpu.memory_space<vmem>>
      %dma_wait3A_114 = arith.constant 0 : i32
      %dma_wait3A_115 = tpu.memref_slice %arg5[%add3A_94, %dma_wait3A_114] : memref<20480x128xf32, #tpu.memory_space<hbm>> -> memref<64x128xf32, #tpu.memory_space<hbm>>
      %dma_wait3A_116 = arith.constant 0 : i32
      %dma_wait3A_117 = tpu.memref_slice %arg5[%add3A_94, %dma_wait3A_116] : memref<20480x128xf32, #tpu.memory_space<hbm>> -> memref<64x128xf32, #tpu.memory_space<hbm>>
      %dma_wait3A_118 = arith.constant 0 : i32
      %dma_wait3A_119 = arith.constant 0 : i32
      %dma_wait3A_120 = tpu.memref_slice %arg10[%dma_wait3A_118, %dma_wait3A_119] : memref<64x128xf32, #tpu.memory_space<vmem>> -> memref<64x128xf32, #tpu.memory_space<vmem>>
      tpu.wait_dma2 semaphore(%run_scoped3A : memref<!tpu.dma_semaphore, #tpu.memory_space<semaphore_mem>>) src(%dma_wait3A_120 : memref<64x128xf32, #tpu.memory_space<vmem>>) dst(%dma_wait3A_117 : memref<64x128xf32, #tpu.memory_space<hbm>>)
      tpu.yield
    }) : () -> ()
    %add3A_95 = arith.constant 576 : i32
    %add3A_96 = arith.addi %mul3A_49, %add3A_95 : i32
    "tpu.region"() ({
      %run_scoped3A = tpu.sem_alloc : memref<!tpu.dma_semaphore, #tpu.memory_space<semaphore_mem>>
      %dma_start3A = arith.constant 0 : i32
      %dma_start3A_103 = arith.constant 0 : i32
      %dma_start3A_104 = tpu.memref_slice %arg10[%dma_start3A, %dma_start3A_103] : memref<64x128xf32, #tpu.memory_space<vmem>> -> memref<64x128xf32, #tpu.memory_space<vmem>>
      %dma_start3A_105 = arith.constant 0 : i32
      %dma_start3A_106 = tpu.memref_slice %arg13[%add3A_96, %dma_start3A_105] : memref<10368x128xf32, #tpu.memory_space<vmem_shared>> -> memref<64x128xf32, #tpu.memory_space<vmem_shared>>
      %dma_start3A_107 = arith.constant 0 : i32
      %dma_start3A_108 = arith.constant 0 : i32
      %dma_start3A_109 = tpu.memref_slice %arg10[%dma_start3A_107, %dma_start3A_108] : memref<64x128xf32, #tpu.memory_space<vmem>> -> memref<64x128xf32, #tpu.memory_space<vmem>>
      %dma_start3A_110 = arith.constant 0 : i32
      %dma_start3A_111 = tpu.memref_slice %arg13[%add3A_96, %dma_start3A_110] : memref<10368x128xf32, #tpu.memory_space<vmem_shared>> -> memref<64x128xf32, #tpu.memory_space<vmem_shared>>
      tpu.enqueue_dma source(%dma_start3A_111 : memref<64x128xf32, #tpu.memory_space<vmem_shared>>) target(%dma_start3A_109 : memref<64x128xf32, #tpu.memory_space<vmem>>) target_semaphore(%run_scoped3A : memref<!tpu.dma_semaphore, #tpu.memory_space<semaphore_mem>>)
      %dma_wait3A = arith.constant 0 : i32
      %dma_wait3A_112 = arith.constant 0 : i32
      %dma_wait3A_113 = tpu.memref_slice %arg10[%dma_wait3A, %dma_wait3A_112] : memref<64x128xf32, #tpu.memory_space<vmem>> -> memref<64x128xf32, #tpu.memory_space<vmem>>
      %dma_wait3A_114 = arith.constant 0 : i32
      %dma_wait3A_115 = tpu.memref_slice %arg13[%add3A_96, %dma_wait3A_114] : memref<10368x128xf32, #tpu.memory_space<vmem_shared>> -> memref<64x128xf32, #tpu.memory_space<vmem_shared>>
      %dma_wait3A_116 = arith.constant 0 : i32
      %dma_wait3A_117 = arith.constant 0 : i32
      %dma_wait3A_118 = tpu.memref_slice %arg10[%dma_wait3A_116, %dma_wait3A_117] : memref<64x128xf32, #tpu.memory_space<vmem>> -> memref<64x128xf32, #tpu.memory_space<vmem>>
      %dma_wait3A_119 = arith.constant 0 : i32
      %dma_wait3A_120 = tpu.memref_slice %arg13[%add3A_96, %dma_wait3A_119] : memref<10368x128xf32, #tpu.memory_space<vmem_shared>> -> memref<64x128xf32, #tpu.memory_space<vmem_shared>>
      tpu.wait_dma2 semaphore(%run_scoped3A : memref<!tpu.dma_semaphore, #tpu.memory_space<semaphore_mem>>) src(%dma_wait3A_120 : memref<64x128xf32, #tpu.memory_space<vmem_shared>>) dst(%dma_wait3A_118 : memref<64x128xf32, #tpu.memory_space<vmem>>)
      tpu.yield
    }) : () -> ()
    %add3A_97 = arith.addi %mul3A_0, %mul3A_49 : i32
    %add3A_98 = arith.constant 576 : i32
    %add3A_99 = arith.addi %add3A_97, %add3A_98 : i32
    "tpu.region"() ({
      %run_scoped3A = tpu.sem_alloc : memref<!tpu.dma_semaphore, #tpu.memory_space<semaphore_mem>>
      %dma_start3A = arith.constant 0 : i32
      %dma_start3A_103 = arith.constant 0 : i32
      %dma_start3A_104 = tpu.memref_slice %arg10[%dma_start3A, %dma_start3A_103] : memref<64x128xf32, #tpu.memory_space<vmem>> -> memref<64x128xf32, #tpu.memory_space<vmem>>
      %dma_start3A_105 = arith.constant 0 : i32
      %dma_start3A_106 = tpu.memref_slice %arg5[%add3A_99, %dma_start3A_105] : memref<20480x128xf32, #tpu.memory_space<hbm>> -> memref<64x128xf32, #tpu.memory_space<hbm>>
      %dma_start3A_107 = arith.constant 0 : i32
      %dma_start3A_108 = tpu.memref_slice %arg5[%add3A_99, %dma_start3A_107] : memref<20480x128xf32, #tpu.memory_space<hbm>> -> memref<64x128xf32, #tpu.memory_space<hbm>>
      %dma_start3A_109 = arith.constant 0 : i32
      %dma_start3A_110 = arith.constant 0 : i32
      %dma_start3A_111 = tpu.memref_slice %arg10[%dma_start3A_109, %dma_start3A_110] : memref<64x128xf32, #tpu.memory_space<vmem>> -> memref<64x128xf32, #tpu.memory_space<vmem>>
      tpu.enqueue_dma source(%dma_start3A_111 : memref<64x128xf32, #tpu.memory_space<vmem>>) target(%dma_start3A_108 : memref<64x128xf32, #tpu.memory_space<hbm>>) target_semaphore(%run_scoped3A : memref<!tpu.dma_semaphore, #tpu.memory_space<semaphore_mem>>)
      %dma_wait3A = arith.constant 0 : i32
      %dma_wait3A_112 = arith.constant 0 : i32
      %dma_wait3A_113 = tpu.memref_slice %arg10[%dma_wait3A, %dma_wait3A_112] : memref<64x128xf32, #tpu.memory_space<vmem>> -> memref<64x128xf32, #tpu.memory_space<vmem>>
      %dma_wait3A_114 = arith.constant 0 : i32
      %dma_wait3A_115 = tpu.memref_slice %arg5[%add3A_99, %dma_wait3A_114] : memref<20480x128xf32, #tpu.memory_space<hbm>> -> memref<64x128xf32, #tpu.memory_space<hbm>>
      %dma_wait3A_116 = arith.constant 0 : i32
      %dma_wait3A_117 = tpu.memref_slice %arg5[%add3A_99, %dma_wait3A_116] : memref<20480x128xf32, #tpu.memory_space<hbm>> -> memref<64x128xf32, #tpu.memory_space<hbm>>
      %dma_wait3A_118 = arith.constant 0 : i32
      %dma_wait3A_119 = arith.constant 0 : i32
      %dma_wait3A_120 = tpu.memref_slice %arg10[%dma_wait3A_118, %dma_wait3A_119] : memref<64x128xf32, #tpu.memory_space<vmem>> -> memref<64x128xf32, #tpu.memory_space<vmem>>
      tpu.wait_dma2 semaphore(%run_scoped3A : memref<!tpu.dma_semaphore, #tpu.memory_space<semaphore_mem>>) src(%dma_wait3A_120 : memref<64x128xf32, #tpu.memory_space<vmem>>) dst(%dma_wait3A_117 : memref<64x128xf32, #tpu.memory_space<hbm>>)
      tpu.yield
    }) : () -> ()
    %mul3A_100 = arith.constant 20480 : i32
    %mul3A_101 = arith.muli %arg1, %mul3A_100 : i32
    %add3A_102 = arith.addi %mul3A_101, %mul3A_0 : i32
    "tpu.region"() ({
      %run_scoped3A = tpu.sem_alloc : memref<!tpu.dma_semaphore, #tpu.memory_space<semaphore_mem>>
      %dma_start3A = tpu.memref_slice %arg6[%add3A_102] : memref<327680xf32, #tpu.memory_space<hbm>> -> memref<10240xf32, #tpu.memory_space<hbm>>
      %dma_start3A_103 = tpu.memref_slice %arg6[%add3A_102] : memref<327680xf32, #tpu.memory_space<hbm>> -> memref<10240xf32, #tpu.memory_space<hbm>>
      tpu.enqueue_dma source(%arg12 : memref<10240xf32, #tpu.memory_space<vmem>>) target(%dma_start3A_103 : memref<10240xf32, #tpu.memory_space<hbm>>) target_semaphore(%run_scoped3A : memref<!tpu.dma_semaphore, #tpu.memory_space<semaphore_mem>>)
      %dma_wait3A = tpu.memref_slice %arg6[%add3A_102] : memref<327680xf32, #tpu.memory_space<hbm>> -> memref<10240xf32, #tpu.memory_space<hbm>>
      %dma_wait3A_104 = tpu.memref_slice %arg6[%add3A_102] : memref<327680xf32, #tpu.memory_space<hbm>> -> memref<10240xf32, #tpu.memory_space<hbm>>
      tpu.wait_dma2 semaphore(%run_scoped3A : memref<!tpu.dma_semaphore, #tpu.memory_space<semaphore_mem>>) src(%arg12 : memref<10240xf32, #tpu.memory_space<vmem>>) dst(%dma_wait3A_104 : memref<10240xf32, #tpu.memory_space<hbm>>)
      tpu.yield
    }) : () -> ()
    return
  }
}

module attributes {stable_mosaic.version = 14 : i64} {
  func.func @body(%arg0: i32, %arg1: memref<1024x128xf32, #tpu.memory_space<vmem>>, %arg2: memref<16x1024xf32, #tpu.memory_space<vmem>>, %arg3: memref<1024x128xf32, #tpu.memory_space<vmem>>, %arg4: memref<128x128xf32, #tpu.memory_space<vmem>>, %arg5: memref<128x128xf32, #tpu.memory_space<vmem>>, %arg6: memref<1x128xf32, #tpu.memory_space<vmem>>, %arg7: memref<1024x128xf32, #tpu.memory_space<vmem>>) attributes {dimension_semantics = [#tpu.dimension_semantics<arbitrary>], iteration_bounds = array<i64: 20>, scalar_prefetch = 0 : i64, scratch_operands = 0 : i64, tpu.core_type = #tpu.core_type<tc>, window_params = [{transform_indices = @transform_0, window_bounds = array<i64: 1024, 128>}, {transform_indices = @transform_1, window_bounds = array<i64: 16, 1024>}, {transform_indices = @transform_2, window_bounds = array<i64: 1024, 128>}, {pipeline_mode = #tpu.pipeline_mode<synchronous>, transform_indices = @transform_3, window_bounds = array<i64: 128, 128>}, {pipeline_mode = #tpu.pipeline_mode<synchronous>, transform_indices = @transform_4, window_bounds = array<i64: 128, 128>}, {pipeline_mode = #tpu.pipeline_mode<synchronous>, transform_indices = @transform_5, window_bounds = array<i64: 1, 128>}, {transform_indices = @transform_6, window_bounds = array<i64: 1024, 128>}]} {
    %broadcast_in_dim3A = arith.constant 1.000000e+00 : f32
    %broadcast_in_dim3A_0 = vector.broadcast %broadcast_in_dim3A : f32 to vector<16x1xf32>
    %get3A = arith.constant 0 : index
    %get3A_1 = arith.constant 0 : index
    %get3A_2 = vector.load %arg2[%get3A, %get3A_1] : memref<16x1024xf32, #tpu.memory_space<vmem>>, vector<16x1024xf32>
    %dot_general3A = arith.constant dense<0.000000e+00> : vector<1024x1xf32>
    %dot_general3A_3 = tpu.matmul %get3A_2, %broadcast_in_dim3A_0, %dot_general3A {dimension_numbers = #tpu.dot_dimension_numbers<[0], [0], [1], [1], [0, 1, 1, 1], [], []>, transpose_lhs_hint = false} : vector<16x1024xf32>, vector<16x1xf32>, vector<1024x1xf32> -> vector<1024x1xf32>
    %get3A_4 = arith.constant 0 : index
    %get3A_5 = arith.constant 0 : index
    %get3A_6 = vector.load %arg1[%get3A_4, %get3A_5] : memref<1024x128xf32, #tpu.memory_space<vmem>>, vector<1024x128xf32>
    %max3A = arith.constant 1.000000e+00 : f32
    %max3A_7 = vector.broadcast %max3A : f32 to vector<1024x1xf32>
    %max3A_8 = arith.maximumf %dot_general3A_3, %max3A_7 : vector<1024x1xf32>
    %div3A = vector.broadcast %max3A_8 : vector<1024x1xf32> to vector<1024x128xf32>
    %div3A_9 = arith.divf %get3A_6, %div3A : vector<1024x128xf32>
    %get3A_10 = arith.constant 0 : index
    %get3A_11 = arith.constant 0 : index
    %get3A_12 = vector.load %arg4[%get3A_10, %get3A_11] : memref<128x128xf32, #tpu.memory_space<vmem>>, vector<128x128xf32>
    %dot_general3A_13 = arith.constant dense<0.000000e+00> : vector<1024x128xf32>
    %dot_general3A_14 = tpu.matmul %div3A_9, %get3A_12, %dot_general3A_13 {dimension_numbers = #tpu.dot_dimension_numbers<[1], [0], [0], [1], [0, 0, 1, 1], [], []>, precision = #tpu.contract_precision<fp32>, transpose_lhs_hint = false} : vector<1024x128xf32>, vector<128x128xf32>, vector<1024x128xf32> -> vector<1024x128xf32>
    %get3A_15 = arith.constant 0 : index
    %get3A_16 = arith.constant 0 : index
    %get3A_17 = vector.load %arg3[%get3A_15, %get3A_16] : memref<1024x128xf32, #tpu.memory_space<vmem>>, vector<1024x128xf32>
    %get3A_18 = arith.constant 0 : index
    %get3A_19 = arith.constant 0 : index
    %get3A_20 = vector.load %arg5[%get3A_18, %get3A_19] : memref<128x128xf32, #tpu.memory_space<vmem>>, vector<128x128xf32>
    %dot_general3A_21 = arith.constant dense<0.000000e+00> : vector<1024x128xf32>
    %dot_general3A_22 = tpu.matmul %get3A_17, %get3A_20, %dot_general3A_21 {dimension_numbers = #tpu.dot_dimension_numbers<[1], [0], [0], [1], [0, 0, 1, 1], [], []>, precision = #tpu.contract_precision<fp32>, transpose_lhs_hint = false} : vector<1024x128xf32>, vector<128x128xf32>, vector<1024x128xf32> -> vector<1024x128xf32>
    %add3A = arith.addf %dot_general3A_14, %dot_general3A_22 : vector<1024x128xf32>
    %get3A_23 = arith.constant 0 : index
    %get3A_24 = arith.constant 0 : index
    %get3A_25 = vector.load %arg6[%get3A_23, %get3A_24] : memref<1x128xf32, #tpu.memory_space<vmem>>, vector<1x128xf32>
    %add3A_26 = vector.broadcast %get3A_25 : vector<1x128xf32> to vector<1024x128xf32>
    %add3A_27 = arith.addf %add3A, %add3A_26 : vector<1024x128xf32>
    %max3A_28 = arith.constant 0.000000e+00 : f32
    %max3A_29 = vector.broadcast %max3A_28 : f32 to vector<1024x128xf32>
    %max3A_30 = arith.maximumf %add3A_27, %max3A_29 : vector<1024x128xf32>
    %swap3A = arith.constant 0 : index
    %swap3A_31 = arith.constant 0 : index
    %swap3A_32 = vector.load %arg7[%swap3A, %swap3A_31] : memref<1024x128xf32, #tpu.memory_space<vmem>>, vector<1024x128xf32>
    tpu.vector_store %arg7[%swap3A, %swap3A_31], %max3A_30 {strides = array<i32>} : memref<1024x128xf32, #tpu.memory_space<vmem>>, vector<1024x128xf32>,
    return
  }
  func.func @transform_0(%arg0: i32) -> (i32, i32) {
    %c0_i32 = arith.constant 0 : i32
    %c0_i32_0 = arith.constant 0 : i32
    return %arg0, %c0_i32 : i32, i32
  }
  func.func @transform_1(%arg0: i32) -> (i32, i32) {
    %c0_i32 = arith.constant 0 : i32
    %c0_i32_0 = arith.constant 0 : i32
    return %c0_i32, %arg0 : i32, i32
  }
  func.func @transform_2(%arg0: i32) -> (i32, i32) {
    %c0_i32 = arith.constant 0 : i32
    %c0_i32_0 = arith.constant 0 : i32
    return %arg0, %c0_i32 : i32, i32
  }
  func.func @transform_3(%arg0: i32) -> (i32, i32) {
    %c0_i32 = arith.constant 0 : i32
    %c0_i32_0 = arith.constant 0 : i32
    %c0_i32_1 = arith.constant 0 : i32
    return %c0_i32, %c0_i32_0 : i32, i32
  }
  func.func @transform_4(%arg0: i32) -> (i32, i32) {
    %c0_i32 = arith.constant 0 : i32
    %c0_i32_0 = arith.constant 0 : i32
    %c0_i32_1 = arith.constant 0 : i32
    return %c0_i32, %c0_i32_0 : i32, i32
  }
  func.func @transform_5(%arg0: i32) -> (i32, i32) {
    %c0_i32 = arith.constant 0 : i32
    %c0_i32_0 = arith.constant 0 : i32
    %c0_i32_1 = arith.constant 0 : i32
    return %c0_i32, %c0_i32_0 : i32, i32
  }
  func.func @transform_6(%arg0: i32) -> (i32, i32) {
    %c0_i32 = arith.constant 0 : i32
    %c0_i32_0 = arith.constant 0 : i32
    return %arg0, %c0_i32 : i32, i32
  }
}

module attributes {stable_mosaic.version = 14 : i64} {
  func.func @body(%arg0: i32, %arg1: memref<1024x128xf32, #tpu.memory_space<vmem>>, %arg2: memref<16x1024xf32, #tpu.memory_space<vmem>>, %arg3: memref<1024x128xf32, #tpu.memory_space<vmem>>, %arg4: memref<128x128xf32, #tpu.memory_space<vmem>>, %arg5: memref<128x128xf32, #tpu.memory_space<vmem>>, %arg6: memref<1x128xf32, #tpu.memory_space<vmem>>, %arg7: memref<1024x128xf32, #tpu.memory_space<vmem>>) attributes {dimension_semantics = [#tpu.dimension_semantics<arbitrary>], iteration_bounds = array<i64: 2>, scalar_prefetch = 0 : i64, scratch_operands = 0 : i64, tpu.core_type = #tpu.core_type<tc>, window_params = [{transform_indices = @transform_0, window_bounds = array<i64: 1024, 128>}, {transform_indices = @transform_1, window_bounds = array<i64: 16, 1024>}, {transform_indices = @transform_2, window_bounds = array<i64: 1024, 128>}, {pipeline_mode = #tpu.pipeline_mode<synchronous>, transform_indices = @transform_3, window_bounds = array<i64: 128, 128>}, {pipeline_mode = #tpu.pipeline_mode<synchronous>, transform_indices = @transform_4, window_bounds = array<i64: 128, 128>}, {pipeline_mode = #tpu.pipeline_mode<synchronous>, transform_indices = @transform_5, window_bounds = array<i64: 1, 128>}, {transform_indices = @transform_6, window_bounds = array<i64: 1024, 128>}]} {
    %broadcast_in_dim3A = arith.constant 1.000000e+00 : f32
    %broadcast_in_dim3A_0 = vector.broadcast %broadcast_in_dim3A : f32 to vector<16x1xf32>
    %get3A = arith.constant 0 : index
    %get3A_1 = arith.constant 0 : index
    %get3A_2 = vector.load %arg2[%get3A, %get3A_1] : memref<16x1024xf32, #tpu.memory_space<vmem>>, vector<16x1024xf32>
    %dot_general3A = arith.constant dense<0.000000e+00> : vector<1024x1xf32>
    %dot_general3A_3 = tpu.matmul %get3A_2, %broadcast_in_dim3A_0, %dot_general3A {dimension_numbers = #tpu.dot_dimension_numbers<[0], [0], [1], [1], [0, 1, 1, 1], [], []>, transpose_lhs_hint = false} : vector<16x1024xf32>, vector<16x1xf32>, vector<1024x1xf32> -> vector<1024x1xf32>
    %get3A_4 = arith.constant 0 : index
    %get3A_5 = arith.constant 0 : index
    %get3A_6 = vector.load %arg1[%get3A_4, %get3A_5] : memref<1024x128xf32, #tpu.memory_space<vmem>>, vector<1024x128xf32>
    %max3A = arith.constant 1.000000e+00 : f32
    %max3A_7 = vector.broadcast %max3A : f32 to vector<1024x1xf32>
    %max3A_8 = arith.maximumf %dot_general3A_3, %max3A_7 : vector<1024x1xf32>
    %div3A = vector.broadcast %max3A_8 : vector<1024x1xf32> to vector<1024x128xf32>
    %div3A_9 = arith.divf %get3A_6, %div3A : vector<1024x128xf32>
    %get3A_10 = arith.constant 0 : index
    %get3A_11 = arith.constant 0 : index
    %get3A_12 = vector.load %arg4[%get3A_10, %get3A_11] : memref<128x128xf32, #tpu.memory_space<vmem>>, vector<128x128xf32>
    %dot_general3A_13 = arith.constant dense<0.000000e+00> : vector<1024x128xf32>
    %dot_general3A_14 = tpu.matmul %div3A_9, %get3A_12, %dot_general3A_13 {dimension_numbers = #tpu.dot_dimension_numbers<[1], [0], [0], [1], [0, 0, 1, 1], [], []>, precision = #tpu.contract_precision<fp32>, transpose_lhs_hint = false} : vector<1024x128xf32>, vector<128x128xf32>, vector<1024x128xf32> -> vector<1024x128xf32>
    %get3A_15 = arith.constant 0 : index
    %get3A_16 = arith.constant 0 : index
    %get3A_17 = vector.load %arg3[%get3A_15, %get3A_16] : memref<1024x128xf32, #tpu.memory_space<vmem>>, vector<1024x128xf32>
    %get3A_18 = arith.constant 0 : index
    %get3A_19 = arith.constant 0 : index
    %get3A_20 = vector.load %arg5[%get3A_18, %get3A_19] : memref<128x128xf32, #tpu.memory_space<vmem>>, vector<128x128xf32>
    %dot_general3A_21 = arith.constant dense<0.000000e+00> : vector<1024x128xf32>
    %dot_general3A_22 = tpu.matmul %get3A_17, %get3A_20, %dot_general3A_21 {dimension_numbers = #tpu.dot_dimension_numbers<[1], [0], [0], [1], [0, 0, 1, 1], [], []>, precision = #tpu.contract_precision<fp32>, transpose_lhs_hint = false} : vector<1024x128xf32>, vector<128x128xf32>, vector<1024x128xf32> -> vector<1024x128xf32>
    %add3A = arith.addf %dot_general3A_14, %dot_general3A_22 : vector<1024x128xf32>
    %get3A_23 = arith.constant 0 : index
    %get3A_24 = arith.constant 0 : index
    %get3A_25 = vector.load %arg6[%get3A_23, %get3A_24] : memref<1x128xf32, #tpu.memory_space<vmem>>, vector<1x128xf32>
    %add3A_26 = vector.broadcast %get3A_25 : vector<1x128xf32> to vector<1024x128xf32>
    %add3A_27 = arith.addf %add3A, %add3A_26 : vector<1024x128xf32>
    %swap3A = arith.constant 0 : index
    %swap3A_28 = arith.constant 0 : index
    %swap3A_29 = vector.load %arg7[%swap3A, %swap3A_28] : memref<1024x128xf32, #tpu.memory_space<vmem>>, vector<1024x128xf32>
    tpu.vector_store %arg7[%swap3A, %swap3A_28], %add3A_27 {strides = array<i32>} : memref<1024x128xf32, #tpu.memory_space<vmem>>, vector<1024x128xf32>,
    return
  }
  func.func @transform_0(%arg0: i32) -> (i32, i32) {
    %c0_i32 = arith.constant 0 : i32
    %c0_i32_0 = arith.constant 0 : i32
    return %arg0, %c0_i32 : i32, i32
  }
  func.func @transform_1(%arg0: i32) -> (i32, i32) {
    %c0_i32 = arith.constant 0 : i32
    %c0_i32_0 = arith.constant 0 : i32
    return %c0_i32, %arg0 : i32, i32
  }
  func.func @transform_2(%arg0: i32) -> (i32, i32) {
    %c0_i32 = arith.constant 0 : i32
    %c0_i32_0 = arith.constant 0 : i32
    return %arg0, %c0_i32 : i32, i32
  }
  func.func @transform_3(%arg0: i32) -> (i32, i32) {
    %c0_i32 = arith.constant 0 : i32
    %c0_i32_0 = arith.constant 0 : i32
    %c0_i32_1 = arith.constant 0 : i32
    return %c0_i32, %c0_i32_0 : i32, i32
  }
  func.func @transform_4(%arg0: i32) -> (i32, i32) {
    %c0_i32 = arith.constant 0 : i32
    %c0_i32_0 = arith.constant 0 : i32
    %c0_i32_1 = arith.constant 0 : i32
    return %c0_i32, %c0_i32_0 : i32, i32
  }
  func.func @transform_5(%arg0: i32) -> (i32, i32) {
    %c0_i32 = arith.constant 0 : i32
    %c0_i32_0 = arith.constant 0 : i32
    %c0_i32_1 = arith.constant 0 : i32
    return %c0_i32, %c0_i32_0 : i32, i32
  }
  func.func @transform_6(%arg0: i32) -> (i32, i32) {
    %c0_i32 = arith.constant 0 : i32
    %c0_i32_0 = arith.constant 0 : i32
    return %arg0, %c0_i32 : i32, i32
  }
}

</mosaic_0001>

<sc_bundles>
// kernel: kernel.6.cloned.1.call-start
scs
__scs_entry_jumppad:
0x0: {  	(pc) =	sbr.rel $0x88, $3  }
0x1: {  	(tag) =	ssettag $0x0;
	lr =	simm.s32 $0x1  }
0x2: {  	[smem:$0x3F96] =	sst lr;
	_ =	strace $0xD0000000  }
0x3: {  	_ = 	snop  }
0x4: {  	_ = 	snop  }
0x5: {  	_ = 	snop  }
0x6: {  	_ = 	snop  }
0x7: {  	_ = 	snop  }
__scs_overlays_trampoline_lowered:
0x8: {  	[smem:$0x3FA5] =	sst s0  }
0x9: {  	[smem:$0x3FA6] =	sst s1  }
0xa: {  	[smem:$0x3FA7] =	sst s2  }
0xb: {  	[smem:$0x3FA8] =	sst s3  }
0xc: {  	[smem:$0x3FA9] =	sst s4  }
0xd: {  	[smem:$0x3FAA] =	sst s5  }
0xe: {  	[smem:$0x3FAB] =	sst s6  }
0xf: {  	[smem:$0x3FAC] =	sst s7  }
0x10: {  	[smem:$0x3FAD] =	sst s8  }
0x11: {  	[smem:$0x3FAE] =	sst s9;
	s0 =	simm.s32 @!p0 $0x0  }
0x12: {  	s1 =	sld [smem:$0x3F94];
	s0 =	simm.s32 @p0 $0x1  }
0x13: {  	[smem:$0x3FAF] =	sst s0;
	s0 =	simm.s32 @!p1 $0x0  }
0x14: {  	s2 =	sld [smem:$0x3F93];
	s0 =	simm.s32 @p1 $0x1  }
0x15: {  	[smem:$0x3FB0] =	sst s0;
	s0 =	simm.s32 @!p2 $0x0  }
0x16: {  	s3 =	sld [smem:$0x3FDB];
	s0 =	simm.s32 @p2 $0x1  }
0x17: {  	s4 =	simm.s32 $0x1BF5;
	[smem:$0x3FB2] =	sst s0  }
0x18: {  	s0 =	sld [smem:$0x3F95];
	_ =	swait.ge [sflag:s4], $0x0  }
0x19: {  	s7 =	sld [smem:$0x3F96]  }
0x1a: {  	s8 =	sadd.s32 $0xFFFFE003, lr  }
0x1b: {  	s9 =	sadd.s32 $0xFFFFFEF7, lr;
	s5 =	simm.s32 $0xFFFFFFFF;
	p2 =	slt.u32 s8, $0xFFFFF086  }
0x1c: {  	p1 =	slt.u32 s9, $0xF7A;
	s5 =	simm.s32 @!p2 $0x0  }
0x1d: {  	s5 =	simm.s32 @p1 $0x1;
	p0 =	seq.s32 s7, s2  }
0x1e: {  	s7 =	smul.u32 @!p0 $0xF7A, s2;
	p2 =	seq.s32 @!p0 s5, $0x0  }
0x1f: {  	s9 =	smul.u32 $0xF7A, s1;
	s8 =	simm.s32 @!p0 $0x1BF5;
	p2 =	por !p2, p0  }
0x20: {  	[sflag:s8] =	ssyncset.s32 @!p0 $0xFFFFF086;
	s6 =	sadd.s32 @!p0 s3, s7;
	s7 =	simm.s32 @!p0 $0x108  }
0x21: {  	s3 =	sadd.s32 s3, s9;
	s6 =	sadd.s32 @!p0 $0x88, s6;
	s7 =	simm.s32 @p2 $0x1082  }
0x22: {  	[simem:s7], [sflag:s8] =	dma.local @!p0 [hbm:s6], $0xF7A  }
0x23: {  	s9 =	sor.u32 $0xD0000000, s2;
	s6 =	simm.s32 $0x108;
	_ =	swait.ge @!p0 [sflag:s8], $0x0  }
0x24: {  	s3 =	sadd.s32 $0x88, s3;
	s6 =	simm.s32 @!p1 $0x1082;
	[sflag:s4] =	ssyncset.s32 $0xFFFFF086  }
0x25: {  	[simem:s6], [sflag:s4] =	dma.local [hbm:s3], $0xF7A  }
0x26: {  	[smem:$0x3F96] =	sst s1;
	(tag) =	ssettag s2;
	_ =	strace s9  }
0x27: {  	s1 =	sld [smem:$0x3FA6]  }
0x28: {  	s2 =	sld [smem:$0x3FA7]  }
0x29: {  	s4 =	sld [smem:$0x3FA9]  }
0x2a: {  	p0 =	seq.s32 s5, $0x0;
	s5 =	sld [smem:$0x3FAA]  }
0x2b: {  	s6 =	sld [smem:$0x3FAB]  }
0x2c: {  	s7 =	sld [smem:$0x3FAC]  }
0x2d: {  	s3 =	simm.s32 $0x108;
	s8 =	sld [smem:$0x3FAD]  }
0x2e: {  	s3 =	simm.s32 @!p0 $0x1082;
	s9 =	sld [smem:$0x3FAE]  }
0x2f: {  	lr =	sadd.s32 s0, s3;
	s0 =	sld [smem:$0x3FA5]  }
0x30: {  	s3 =	sld [smem:$0x3FA8]  }
0x31: {  	[smem:$0x3FB1] =	sst s10  }
0x32: {  	s10 =	sld [smem:$0x3FAF];
	_ =	sdelay $0x3  }
0x33: {  	p0 =	seq.s32 s10, $0x1;
	s10 =	sld [smem:$0x3FB1];
	_ =	sdelay $0x3  }
0x34: {  	[smem:$0x3FB1] =	sst s10  }
0x35: {  	s10 =	sld [smem:$0x3FB0];
	_ =	sdelay $0x3  }
0x36: {  	p1 =	seq.s32 s10, $0x1;
	s10 =	sld [smem:$0x3FB1];
	_ =	sdelay $0x3  }
0x37: {  	[smem:$0x3FB1] =	sst s10  }
0x38: {  	s10 =	sld [smem:$0x3FB2]  }
0x39: {  	_ = 	snop;
	(pc) =	sbr.ind lr, $3  }
0x3a: {  	_ = 	snop  }
0x3b: {  	_ = 	snop  }
0x3c: {  	p2 =	seq.s32 s10, $0x1;
	s10 =	sld [smem:$0x3FB1]  }
0x3d: {  	_ =	shalt  }
0x3e: {  	_ =	shalt  }
0x3f: {  	_ =	shalt  }
0x40: {  	_ =	shalt  }
0x41: {  	_ =	shalt  }
0x42: {  	_ =	shalt  }
0x43: {  	_ =	shalt  }
0x44: {  	_ =	shalt  }
0x45: {  	_ =	shalt  }
0x46: {  	_ =	shalt  }
0x47: {  	_ =	shalt  }
0x48: {  	_ =	shalt  }
0x49: {  	_ =	shalt  }
0x4a: {  	_ =	shalt  }
0x4b: {  	_ =	shalt  }
0x4c: {  	_ =	shalt  }
0x4d: {  	_ =	shalt  }
0x4e: {  	_ =	shalt  }
0x4f: {  	_ =	shalt  }
0x50: {  	_ =	shalt  }
0x51: {  	_ =	shalt  }
0x52: {  	_ =	shalt  }
0x53: {  	_ =	shalt  }
0x54: {  	_ =	shalt  }
0x55: {  	_ =	shalt  }
0x56: {  	_ =	shalt  }
0x57: {  	_ =	shalt  }
0x58: {  	_ =	shalt  }
0x59: {  	_ =	shalt  }
0x5a: {  	_ =	shalt  }
0x5b: {  	_ =	shalt  }
0x5c: {  	_ =	shalt  }
0x5d: {  	_ =	shalt  }
0x5e: {  	_ =	shalt  }
0x5f: {  	_ =	shalt  }
0x60: {  	_ =	shalt  }
0x61: {  	_ =	shalt  }
0x62: {  	_ =	shalt  }
0x63: {  	_ =	shalt  }
0x64: {  	_ =	shalt  }
0x65: {  	_ =	shalt  }
0x66: {  	_ =	shalt  }
0x67: {  	_ =	shalt  }
0x68: {  	_ =	shalt  }
0x69: {  	_ =	shalt  }
0x6a: {  	_ =	shalt  }
0x6b: {  	_ =	shalt  }
0x6c: {  	_ =	shalt  }
0x6d: {  	_ =	shalt  }
0x6e: {  	_ =	shalt  }
0x6f: {  	_ =	shalt  }
0x70: {  	_ =	shalt  }
0x71: {  	_ =	shalt  }
0x72: {  	_ =	shalt  }
0x73: {  	_ =	shalt  }
0x74: {  	_ =	shalt  }
0x75: {  	_ =	shalt  }
0x76: {  	_ =	shalt  }
0x77: {  	_ =	shalt  }
0x78: {  	_ =	shalt  }
0x79: {  	_ =	shalt  }
0x7a: {  	_ =	shalt  }
0x7b: {  	_ =	shalt  }
0x7c: {  	_ =	shalt  }
0x7d: {  	_ =	shalt  }
0x7e: {  	_ =	shalt  }
0x7f: {  	_ =	shalt  }
0x80: {  	_ =	shalt  }
0x81: {  	_ =	shalt  }
0x82: {  	_ =	shalt  }
0x83: {  	_ =	shalt  }
0x84: {  	_ =	shalt  }
0x85: {  	_ =	shalt  }
0x86: {  	_ =	shalt  }
0x87: {  	_ =	shalt  }
.Lfunc_end0:
.L_simem_size_0:
called_computation_lowered:
.L_overlay_start_0:
0x88: {  	s2 =	sld [smem:$0x3FD9]  }
0x89: {  	s3 =	sld [smem:$0x3FFE];
	_ =	sdelay $0x1  }
0x8a: {  	s1 =	srdreg.scid  }
0x8b: {  	s0 =	sand.u32 $0x1, s1  }
0x8c: {  	s17 =	sshll.u32 s0, $0xA;
	s2 =	sadd.s32 s3, s2  }
0x8d: {  	s2 =	sadd.s32 s2, s17  }
0x8e: {  	[smem:$0x3FBD] =	sst s2  }
0x8f: {  	_ = 	snop  }
0x90: {  	s2 =	sld [smem:$0x3FC9]  }
0x91: {  	s18 =	sld [smem:$0x3FC8]  }
0x92: {  	s4 =	sld [smem:$0x3FC7];
	(tm) =	ssettm $0x1  }
0x93: {  	s5 =	sld [smem:$0x3FFB];
	_ =	sdelay $0x3  }
0x94: {  	_ =	strace s5  }
0x95: {  	s5 =	sld [smem:$0x3FFC];
	_ =	sdelay $0x3  }
0x96: {  	_ =	strace s5  }
0x97: {  	s5 =	sld [smem:$0x3FFD];
	_ =	sdelay $0x3  }
0x98: {  	_ =	strace s5  }
0x99: {  	_ =	strace $0x8FFFFFFF  }
0x9a: {  	s19 =	sld [smem:$0x3FDB];
	_ =	sdelay $0x1  }
0x9b: {  	s6 =	simm.s32 $_scs_section_size  }
0x9c: {  	s7 =	simm.s32 $_size__tile_overlayer_lowered;
	s8 =	simm.s32 $_tile_overlayer_lowered  }
0x9d: {  	s22 =	simm.s32 $0x1BFF;
	s21 =	sshll.u32 s8, $0x1;
	s5 =	sadd.s32 s6, s19  }
0x9e: {  	s9 =	simm.s32 $0x0;
	s20 =	sshll.u32 s7, $0x1;
	s7 =	sadd.s32 s21, s5  }
0x9f: {  	[timem:s9], [sflag:s22] =	dma.local [hbm:s7], s20  }
0xa0: {  	_ =	swait.ge [sflag:s22], s20  }
0xa1: {  	s6 =	ssub.s32 $0x0, s20;
	[sflag:s22] =	ssyncset.done $0x0  }
0xa2: {  	[sflag:s22] =	ssyncadd.s32 s6;
	_ =	sdelay $0x1  }
0xa3: {  	s23 =	simm.s32 $0x1B8B  }
0xa4: {  	_ =	swait.ge [sflag:s23], $0x1  }
0xa5: {  	[sflag:s23] =	ssyncset.done $0x0  }
0xa6: {  	s25 =	simm.s32 $0x1B8E;
	s24 =	sld [smem:$0x3FFE];
	[sflag:s23] =	ssyncadd.s32 $0xFFFFFFFF  }
0xa7: {  	s26 =	simm.s32 $execute0_lowered;
	[smem:$0x3FD2] =	sst s25  }
0xa8: {  	s7 =	sshll.u32 s26, $0x1;
	_ =	strace $0x80000046;
	[dreg:$0x1] =	wrdreg $0xFFFFFFFF  }
0xa9: {  	s28 =	simm.s32 $_size_execute0_lowered;
	s5 =	sadd.s32 s5, s7;
	[dreg:$0x0] =	wrdreg $0x0  }
0xaa: {  	s7 =	sshll.u32 s28, $0x1;
	[dreg:$0x2] =	wrdreg s5  }
0xab: {  	[dreg:$0x3] =	wrdreg s7  }
0xac: {  	[dreg:$0x4] =	wrdreg $0xC0  }
0xad: {  	_ =	task [dreg:s9], $0x5FFFF  }
0xae: {  	[dreg:$0x1] =	wrdreg $0xFFFFFFFF  }
0xaf: {  	[dreg:$0x0] =	wrdreg $0x60  }
0xb0: {  	[dreg:$0x2] =	wrdreg s18  }
0xb1: {  	[dreg:$0x3] =	wrdreg s4  }
0xb2: {  	[dreg:$0x4] =	wrdreg s2  }
0xb3: {  	[dreg:$0x5] =	wrdreg s24  }
0xb4: {  	[dreg:$0x6] =	wrdreg $0x6F800  }
0xb5: {  	[dreg:$0x7] =	wrdreg $0x9  }
0xb6: {  	_ =	task.clear_ibuf [dreg:s9], $0x8FFFF;
	_ =	strace $0x90000046  }
0xb7: {  	s29 =	simm.s32 $0x9;
	_ =	strace $0x80000048  }
0xb8: {  	_ =	swait.ge [sflag:s29], $0x1  }
0xb9: {  	[sflag:s29] =	ssyncadd.s32 $0xFFFFFFFF  }
0xba: {  	_ =	strace $0x90000048  }
0xbb: {  	_ =	sfence  }
0xbc: {  	s30 =	sld [smem:$0x0];
	_ =	sdelay $0x2  }
0xbd: {  	s31 =	sshll.u32 s1, $0xD;
	s1 =	sshrl.u32 s1, $0x2  }
0xbe: {  	s3 =	sand.u32 $0x4000, s31;
	s1 =	sadd.s32 s1, s30  }
0xbf: {  	s0 =	sor.u32 s3, s0;
	s1 =	sshll.u32 s1, $0x11  }
0xc0: {  	s0 =	sor.u32 s1, s0  }
0xc1: {  	s0 =	sadd.s32 $0x8F2B, s0  }
0xc2: {  	[sflag:s0] =	ssyncadd.remote.s32 $0x1  }
0xc3: {  	_ =	sfence.sel $0xFFFF  }
0xc4: {  	[dreg:$0x0] =	wrdreg $0xFFFFFFFF;
	(pc) =	sbr.abs _section_cstart, $3  }
0xc5: {  	[dreg:$0x1] =	wrdreg $0xFFFFFFFF  }
0xc6: {  	_ =	task.clear_ibuf [dreg:s9], $0x2FFFF;
	_ =	strace $0x9FFFFFFF  }
0xc7: {  	(tm) =	ssettm $0x7FFFFFFF  }
tec
execute0_lowered:
.L_overlay_start_1:
0x0: {  	(tag) =	ssettag $0x1  }
0x1: {  	s2 =	rddreg [dreg:$0x2]  }
0x2: {  	s0 =	rddreg [dreg:$0x3];
	s11 =	stileid.u32  }
0x3: {  	s1 =	srdreg.scid;
	s4 =	smul.u32 $0x280, s11  }
0x4: {  	s5 =	rddreg [dreg:$0x4];
	s8 =	smul.u32 $0x51000, s11  }
0x5: {  	s6 =	simm.s32 $0x0;
	s3 =	sand.u32 $0x1, s1;
	s7 =	smul.u32 $0x5000, s11  }
0x6: {  	[smem:$0x7FF] =	sst s6;
	s10 =	smul.u32 $0x50000, s11;
	s8 =	sshrl.u32 s8, $0x2  }
0x7: {  	s1 =	smul.u32 $0x2800, s3;
	_ =	strace $0x80000047;
	s8 =	sadd.s32 s8, s5  }
0x8: {  	s3 =	ssub.s32 $0x2, s3;
	s17 =	sadd.s32 $0x2000, s8;
	[dreg:$0x6] =	wrdreg s8  }
0x9: {  	s9 =	sshrl.u32 s3, $0x1;
	s18 =	sadd.s32 $0x4000, s8;
	[dreg:$0x7] =	wrdreg s17  }
0xa: {  	s19 =	sshrl.u32 s10, $0x2;
	s20 =	sadd.s32 $0x6000, s8;
	[dreg:$0x8] =	wrdreg s18  }
0xb: {  	s3 =	ssub.s32 s3, s9;
	s21 =	sadd.s32 $0x8000, s8;
	[dreg:$0x9] =	wrdreg s20  }
0xc: {  	s4 =	sadd.s32 s4, s1;
	s13 =	smax.u32 s3, $0x1;
	[dreg:$0xa] =	wrdreg s21  }
0xd: {  	s7 =	sadd.s32 s1, s7;
	s14 =	sadd.s32 $0xA000, s8;
	[dreg:$0x17] =	wrdreg s13  }
0xe: {  	s4 =	sshll.u32 s4, $0x4;
	s15 =	sadd.s32 $0xC000, s8;
	[dreg:$0x18] =	wrdreg s14  }
0xf: {  	s7 =	sshrl.u32 s7, $0x3;
	s16 =	sadd.s32 $0xE000, s8;
	[dreg:$0x19] =	wrdreg s15  }
0x10: {  	s4 =	sadd.s32 s4, s0;
	[dreg:$0x1a] =	wrdreg s16;
	s17 =	sadd.s32 $0x10000, s8  }
0x11: {  	s0 =	sadd.s32 s7, s0;
	s18 =	sadd.s32 $0x12000, s8;
	[dreg:$0x1b] =	wrdreg s17  }
0x12: {  	s7 =	sadd.s32 s19, s5;
	s19 =	sadd.s32 $0x14000, s8;
	[dreg:$0x1c] =	wrdreg s18  }
0x13: {  	[dreg:$0x1d] =	wrdreg s19  }
0x14: {  	s22 =	sadd.s32 $0xC200, s4;
	[dreg:$0xb] =	wrdreg s7  }
0x15: {  	s23 =	sadd.s32 $0xC600, s4;
	[dreg:$0xc] =	wrdreg s22  }
0x16: {  	s24 =	sadd.s32 $0xCA00, s4;
	[dreg:$0xd] =	wrdreg s23  }
0x17: {  	s25 =	sadd.s32 $0xCE00, s4;
	[dreg:$0xe] =	wrdreg s24  }
0x18: {  	s28 =	simm.s32 $0x2;
	s26 =	sadd.s32 $0xD200, s4;
	[dreg:$0xf] =	wrdreg s25  }
0x19: {  	s30 =	simm.s32 $0x4;
	s29 =	sadd.s32 $0xD600, s4;
	[dreg:$0x10] =	wrdreg s26  }
0x1a: {  	v0 =	vmov s1;
	s1 =	simm.s32 $0x700;
	s31 =	sadd.s32 $0xDA00, s4;
	[dreg:$0x11] =	wrdreg s29  }
0x1b: {  	s3 =	smul.u32 $0x7D00, s11;
	s10 =	sadd.s32 $0xDE00, s4;
	[dreg:$0x12] =	wrdreg s31  }
0x1c: {  	s11 =	simm.s32 $0x600;
	s12 =	sadd.s32 $0xE200, s4;
	[dreg:$0x13] =	wrdreg s10  }
0x1d: {  	s13 =	simm.s32 $0x180;
	s4 =	sadd.s32 $0xE600, s4;
	[dreg:$0x14] =	wrdreg s12  }
0x1e: {  	s14 =	simm.s32 $0x640;
	s0 =	sadd.s32 $0x2200, s0;
	[dreg:$0x15] =	wrdreg s4  }
0x1f: {  	s15 =	simm.s32 $0x1C0;
	s20 =	sadd.s32 $0x2000, s7;
	[dreg:$0x16] =	wrdreg s0  }
0x20: {  	s16 =	simm.s32 $0x680;
	s21 =	sadd.s32 $0x4000, s7;
	[dreg:$0x1e] =	wrdreg s20  }
0x21: {  	s8 =	simm.s32 $0x0;
	[dreg:$0x1f] =	wrdreg s21;
	s22 =	sadd.s32 $0x6000, s7  }
0x22: {  	s17 =	simm.s32 $0x780;
	s23 =	sadd.s32 $0x8000, s7;
	[smem:$0x7F7] =	sst s22  }
0x23: {  	s18 =	simm.s32 $0x5;
	s24 =	sadd.s32 $0xA000, s7;
	[smem:$0x7F8] =	sst s23  }
0x24: {  	s19 =	simm.s32 $0x740;
	s25 =	sadd.s32 $0xC000, s7;
	[smem:$0x7F9] =	sst s24  }
0x25: {  	s26 =	sadd.s32 $0xE000, s7;
	s29 =	sadd.s32 $0x10000, s7;
	[smem:$0x7FA] =	sst s25  }
0x26: {  	s31 =	sadd.s32 $0x12000, s7;
	s20 =	simm.s32 $0x4780;
	[smem:$0x7FB] =	sst s26  }
0x27: {  	s21 =	simm.s32 $0x40;
	s12 =	simm.s32 $0x200;
	[smem:$0x7FC] =	sst s29  }
0x28: {  	s7 =	simm.s32 $0x6C0;
	s0 =	simm.s32 $0x240;
	[smem:$0x7FD] =	sst s31  }
0x29: {  	v1 =	vimm.f32 $0.0e+00;
	s22 =	simm.s32 $0x2780;
	s23 =	simm.s32 $0x1;
	s25 =	simm.s32 $0x3  }
.LBB2_1:
0x2a: {  	s24 =	simm.s32 $0x0;
	s4 =	simm.s32 $0x200  }
.LBB2_2:
0x2b: {  	p0 =	sne.s32 s4, $0x7E00;
	[tilespmem:s24+$0x27F0] =	vst v1  }
0x2c: {  	[tilespmem:s24+$0x780] =	vst v1  }
0x2d: {  	[tilespmem:s24+$0x2780] =	vst v1  }
0x2e: {  	[tilespmem:s24+$0x790] =	vst v1  }
0x2f: {  	[tilespmem:s24+$0x2790] =	vst v1  }
0x30: {  	[tilespmem:s24+$0x7A0] =	vst v1  }
0x31: {  	[tilespmem:s24+$0x27A0] =	vst v1  }
0x32: {  	[tilespmem:s24+$0x7B0] =	vst v1  }
0x33: {  	[tilespmem:s24+$0x27B0] =	vst v1  }
0x34: {  	[tilespmem:s24+$0x7C0] =	vst v1  }
0x35: {  	[tilespmem:s24+$0x27C0] =	vst v1  }
.Ltmp0:
0x36: {  	[tilespmem:s24+$0x7D0] =	vst v1;
	(pc) =	sbr.rel @p0 .LBB2_2-.Ltmp0, $4  }
0x37: {  	[tilespmem:s24+$0x27D0] =	vst v1  }
0x38: {  	[tilespmem:s24+$0x7E0] =	vst v1  }
0x39: {  	[tilespmem:s24+$0x27E0] =	vst v1  }
0x3a: {  	[tilespmem:s24+$0x7F0] =	vst v1;
	s24 =	sshra.s32 s4, $0x2;
	s4 =	sadd.s32 $0x200, s4  }
0x3b: {  	[tilespmem:s24+$0x27F0] =	vst v1  }
0x3c: {  	[tilespmem:s24+$0x780] =	vst v1  }
0x3d: {  	[tilespmem:s24+$0x2780] =	vst v1  }
0x3e: {  	[tilespmem:s24+$0x790] =	vst v1  }
0x3f: {  	[tilespmem:s24+$0x2790] =	vst v1  }
0x40: {  	[tilespmem:s24+$0x7A0] =	vst v1  }
0x41: {  	[tilespmem:s24+$0x27A0] =	vst v1  }
0x42: {  	[tilespmem:s24+$0x7B0] =	vst v1  }
0x43: {  	[tilespmem:s24+$0x27B0] =	vst v1  }
0x44: {  	[tilespmem:s24+$0x7C0] =	vst v1  }
0x45: {  	[tilespmem:s24+$0x27C0] =	vst v1  }
0x46: {  	[tilespmem:s24+$0x7D0] =	vst v1  }
0x47: {  	[tilespmem:s24+$0x27D0] =	vst v1  }
0x48: {  	[tilespmem:s24+$0x7E0] =	vst v1  }
0x49: {  	[tilespmem:s24+$0x27E0] =	vst v1  }
0x4a: {  	[smem:$0x7F6] =	sst s8;
	[tilespmem:s24+$0x7F0] =	vst v1;
	s4 =	simm.s32 $0x40;
	s24 =	simm.s32 $0x0  }
.LBB2_4:
0x4b: {  	p0 =	sne.s32 s4, $0x9FC0;
	[tilespmem:s24+$0x4780] =	vst v1;
	s24 =	smov.u32 s4;
	s4 =	sadd.s32 $0x40, s4  }
.Ltmp1:
0x4c: {  	(pc) =	sbr.rel @p0 .LBB2_4-.Ltmp1, $2  }
0x4d: {  	_ =	sdelay $0x2  }
0x4e: {  	s24 =	sshra.s32 s24, $0x2  }
0x4f: {  	[tilespmem:s24+$0x4780] =	vst v1;
	s4 =	rddreg [dreg:$0x6]  }
0x50: {  	[spmem:s4] =	stream.linear.scatter [tilespmem:s17], [sflag:$0x5], $0x2000, $0x38;
	[tilespmem:$0x1B380] =	vst v63  }
0x51: {  	_ =	swait.ge [sflag:s18], $0x2000  }
0x52: {  	[sflag:s18] =	ssyncset.done $0x0  }
0x53: {  	s26 =	rddreg [dreg:$0x7];
	[sflag:s18] =	ssyncadd.s32 $0xFFFFE000  }
0x54: {  	[spmem:s26] =	stream.linear.scatter [tilespmem:s17], [sflag:$0x5], $0x2000, $0x38;
	[tilespmem:$0x1B380] =	vst v63  }
0x55: {  	_ =	swait.ge [sflag:s18], $0x2000  }
0x56: {  	[sflag:s18] =	ssyncset.done $0x0  }
0x57: {  	s29 =	rddreg [dreg:$0x8];
	[sflag:s18] =	ssyncadd.s32 $0xFFFFE000  }
0x58: {  	[spmem:s29] =	stream.linear.scatter [tilespmem:s17], [sflag:$0x5], $0x2000, $0x38;
	[tilespmem:$0x1B380] =	vst v63  }
0x59: {  	_ =	swait.ge [sflag:s18], $0x2000  }
0x5a: {  	[sflag:s18] =	ssyncset.done $0x0  }
0x5b: {  	s31 =	rddreg [dreg:$0x9];
	[sflag:s18] =	ssyncadd.s32 $0xFFFFE000  }
0x5c: {  	[spmem:s31] =	stream.linear.scatter [tilespmem:s17], [sflag:$0x5], $0x2000, $0x38;
	[tilespmem:$0x1B380] =	vst v63  }
0x5d: {  	_ =	swait.ge [sflag:s18], $0x2000  }
0x5e: {  	[sflag:s18] =	ssyncset.done $0x0  }
0x5f: {  	s8 =	rddreg [dreg:$0xa];
	[sflag:s18] =	ssyncadd.s32 $0xFFFFE000  }
0x60: {  	[spmem:s8] =	stream.linear.scatter [tilespmem:s17], [sflag:$0x5], $0x2000, $0x38;
	[tilespmem:$0x1B380] =	vst v63  }
0x61: {  	_ =	swait.ge [sflag:s18], $0x2000  }
0x62: {  	[sflag:s18] =	ssyncset.done $0x0  }
0x63: {  	s9 =	rddreg [dreg:$0x18];
	[sflag:s18] =	ssyncadd.s32 $0xFFFFE000  }
0x64: {  	[spmem:s9] =	stream.linear.scatter [tilespmem:s17], [sflag:$0x5], $0x2000, $0x38;
	[tilespmem:$0x1B380] =	vst v63  }
0x65: {  	_ =	swait.ge [sflag:s18], $0x2000  }
0x66: {  	[sflag:s18] =	ssyncset.done $0x0  }
0x67: {  	s10 =	rddreg [dreg:$0x19];
	[sflag:s18] =	ssyncadd.s32 $0xFFFFE000  }
0x68: {  	[spmem:s10] =	stream.linear.scatter [tilespmem:s17], [sflag:$0x5], $0x2000, $0x38;
	[tilespmem:$0x1B380] =	vst v63  }
0x69: {  	_ =	swait.ge [sflag:s18], $0x2000  }
0x6a: {  	[sflag:s18] =	ssyncset.done $0x0  }
0x6b: {  	s24 =	rddreg [dreg:$0x1a];
	[sflag:s18] =	ssyncadd.s32 $0xFFFFE000  }
0x6c: {  	[spmem:s24] =	stream.linear.scatter [tilespmem:s17], [sflag:$0x5], $0x2000, $0x38;
	[tilespmem:$0x1B380] =	vst v63  }
0x6d: {  	_ =	swait.ge [sflag:s18], $0x2000  }
0x6e: {  	[sflag:s18] =	ssyncset.done $0x0  }
0x6f: {  	s26 =	rddreg [dreg:$0x1b];
	[sflag:s18] =	ssyncadd.s32 $0xFFFFE000  }
0x70: {  	[spmem:s26] =	stream.linear.scatter [tilespmem:s17], [sflag:$0x5], $0x2000, $0x38;
	[tilespmem:$0x1B380] =	vst v63  }
0x71: {  	_ =	swait.ge [sflag:s18], $0x2000  }
0x72: {  	[sflag:s18] =	ssyncset.done $0x0  }
0x73: {  	s29 =	rddreg [dreg:$0x1c];
	[sflag:s18] =	ssyncadd.s32 $0xFFFFE000  }
0x74: {  	[spmem:s29] =	stream.linear.scatter [tilespmem:s17], [sflag:$0x5], $0x2000, $0x38;
	[tilespmem:$0x1B380] =	vst v63  }
0x75: {  	_ =	swait.ge [sflag:s18], $0x2000  }
0x76: {  	[sflag:s18] =	ssyncset.done $0x0  }
0x77: {  	s31 =	rddreg [dreg:$0x1d];
	[sflag:s18] =	ssyncadd.s32 $0xFFFFE000  }
0x78: {  	[spmem:s31] =	stream.linear.scatter [tilespmem:s17], [sflag:$0x5], $0x400, $0x38;
	[tilespmem:$0x1B380] =	vst v63  }
0x79: {  	_ =	swait.ge [sflag:s18], $0x400  }
0x7a: {  	[sflag:s18] =	ssyncset.done $0x0  }
0x7b: {  	[sflag:s18] =	ssyncadd.s32 $0xFFFFFC00  }
0x7c: {  	s24 =	simm.s32 $0x0;
	s26 =	simm.s32 $0x0;
	[bflag:$0x0] =	sbarrier.arrive $0xFFFF  }
.LBB2_6:
0x7d: {  	s4 =	smul.u32 $0x280, s26;
	_ =	sdelay $0x1  }
0x7e: {  	s4 =	sadd.s32 s3, s4  }
0x7f: {  	s8 =	rddreg [dreg:$0x0];
	s4 =	sshrl.u32 s4, $0x3  }
0x80: {  	s29 =	sadd.s32 s8, s4  }
0x81: {  	[tilespmem:s24], [sflag:$0x5] =	stream.linear.gather [hbm4b:s29+s24], $0x280, $0x38;
	[tilespmem:$0x1B380] =	vst v63  }
0x82: {  	_ =	swait.ge [sflag:s18], $0x280  }
0x83: {  	[sflag:s18] =	ssyncset.done $0x0  }
0x84: {  	[sflag:s18] =	ssyncadd.s32 $0xFFFFFD80  }
0x85: {  	s9 =	rddreg [dreg:$0x1]  }
0x86: {  	s10 =	simm.s32 $0x280;
	s4 =	sadd.s32 s9, s4  }
0x87: {  	[tilespmem:s10], [sflag:$0x5] =	stream.linear.gather [hbm4b:s4+s24], $0x280, $0x38;
	[tilespmem:$0x1B380] =	vst v63  }
0x88: {  	_ =	swait.ge [sflag:s18], $0x280  }
0x89: {  	[sflag:s18] =	ssyncset.done $0x0  }
0x8a: {  	s9 =	simm.s32 $0x0;
	[sflag:s18] =	ssyncadd.s32 $0xFFFFFD80  }
0x8b: {  	v2 =	vld [tilespmem:s9+$0x280];
	_ =	sdelay $0x4  }
0x8c: {  	v2 =	vsub.s32 v2, v0  }
0x8d: {  	vm0 =	vlt.u32 v2, $0x2800  }
0x8e: {  	s10 =	sand.u32 $0xF00, s24;
	v3 =	vmin.u32 v2, $0x2800;
	v2 =	vnsel vm0, $0x0, v2  }
0x8f: {  	s29 =	sand.u32 $0x30, s24;
	s4 =	sshrl.u32 s10, $0x2  }
0x90: {  	s31 =	sor.u32 s29, s4  }
0x91: {  	s29 =	simm.s32 $0x10;
	s4 =	simm.s32 $0x20;
	[tilespmem:s31+$0x500] =	vst v3;
	v3 =	vsel vm0, $0x3F800000, v1;
	s31 =	simm.s32 $0x40  }
.LBB2_7:
0x92: {  	p0 =	sne.s32 s4, $0x270  }
0x93: {  	s8 =	sshra.s32 s31, $0x2;
	[tilespmem:v2+s20+$0x0] =	vst.idx.add.f32.msk $0xffff, v3;
	s9 =	smov.u32 s4;
	s4 =	sadd.s32 $0x10, s4  }
0x94: {  	v2 =	vld [tilespmem:s8+$0x280];
	_ =	sdelay $0x3  }
0x95: {  	s8 =	sand.u32 $0xF00, s31  }
0x96: {  	s10 =	sand.u32 $0x30, s29;
	s29 =	smov.u32 s9;
	s8 =	sshrl.u32 s8, $0x2;
	v2 =	vsub.s32 v2, v0  }
0x97: {  	s8 =	sor.u32 s10, s8;
	vm0 =	vlt.u32 v2, $0x2800;
	v3 =	vmin.u32 v2, $0x2800  }
.Ltmp2:
0x98: {  	[tilespmem:s8+$0x500] =	vst v3;
	v2 =	vnsel vm0, $0x0, v2;
	(pc) =	sbr.rel @p0 .LBB2_7-.Ltmp2, $2  }
0x99: {  	_ =	sdelay $0x2  }
0x9a: {  	s31 =	sadd.s32 $0x40, s31;
	v3 =	vsel vm0, $0x3F800000, v1  }
0x9b: {  	_ =	sdelay $0x3  }
0x9c: {  	s4 =	sshra.s32 s31, $0x2;
	[tilespmem:v2+s20+$0x0] =	vst.idx.add.f32.msk $0xffff, v3  }
0x9d: {  	v2 =	vld [tilespmem:s4+$0x280];
	_ =	sdelay $0x4  }
0x9e: {  	v2 =	vsub.s32 v2, v0  }
0x9f: {  	vm0 =	vlt.u32 v2, $0x2800  }
0xa0: {  	v3 =	vnsel vm0, $0x0, v2  }
0xa1: {  	s9 =	sand.u32 $0xF00, s31  }
0xa2: {  	s8 =	sand.u32 $0x30, s29;
	s4 =	sshrl.u32 s9, $0x2  }
0xa3: {  	s4 =	sor.u32 s8, s4;
	v2 =	vmin.u32 v2, $0x2800  }
0xa4: {  	[tilespmem:s4+$0x500] =	vst v2;
	v2 =	vsel vm0, $0x3F800000, v1  }
0xa5: {  	[tilespmem:v3+s20+$0x0] =	vst.idx.add.f32.msk $0xffff, v2  }
0xa6: {  	[tilespmem:s17], [sflag:$0x1] =	stream.indirect.gather [hbm4b:s2+s21], $0x80, s6, s21, $0xb8;
	[tilespmem:$0x1B380] =	vst v63  }
0xa7: {  	_ = 	snop  }
0xa8: {  	[tilespmem:s22], [sflag:$0x2] =	stream.indirect.gather [hbm4b:s2+s21], $0x80, s21, s21, $0xb8;
	[tilespmem:$0x1B380] =	vst v63  }
0xa9: {  	_ =	swait.ge [sflag:s23], $0x2000  }
0xaa: {  	[sflag:s23] =	ssyncset.done $0x0  }
0xab: {  	s10 =	simm.s32 $0x500;
	[sflag:s23] =	ssyncadd.s32 $0xFFFFE000  }
0xac: {  	[spmem:s5] =	stream.indirect.scatter.add.f32 [tilespmem:s17], [sflag:$0x3], $0x80, s10, s21, $0xb8;
	[tilespmem:$0x1B380] =	vst v63  }
0xad: {  	_ =	swait.ge [sflag:s25], $0x2000  }
0xae: {  	[sflag:s25] =	ssyncset.done $0x0  }
0xaf: {  	s29 =	simm.s32 $0x80;
	[sflag:s25] =	ssyncadd.s32 $0xFFFFE000  }
0xb0: {  	[tilespmem:s17], [sflag:$0x1] =	stream.indirect.gather [hbm4b:s2+s21], $0x80, s29, s21, $0xb8;
	[tilespmem:$0x1B380] =	vst v63  }
0xb1: {  	_ =	swait.ge [sflag:s28], $0x2000  }
0xb2: {  	[sflag:s28] =	ssyncset.done $0x0  }
0xb3: {  	s31 =	simm.s32 $0x540;
	[sflag:s28] =	ssyncadd.s32 $0xFFFFE000  }
0xb4: {  	[spmem:s5] =	stream.indirect.scatter.add.f32 [tilespmem:s22], [sflag:$0x4], $0x80, s31, s21, $0xb8;
	[tilespmem:$0x1B380] =	vst v63  }
0xb5: {  	_ =	swait.ge [sflag:s30], $0x2000  }
0xb6: {  	[sflag:s30] =	ssyncset.done $0x0  }
0xb7: {  	s8 =	simm.s32 $0xC0;
	[sflag:s30] =	ssyncadd.s32 $0xFFFFE000  }
0xb8: {  	[tilespmem:s22], [sflag:$0x2] =	stream.indirect.gather [hbm4b:s2+s21], $0x80, s8, s21, $0xb8;
	[tilespmem:$0x1B380] =	vst v63  }
0xb9: {  	_ =	swait.ge [sflag:s23], $0x2000  }
0xba: {  	[sflag:s23] =	ssyncset.done $0x0  }
0xbb: {  	s9 =	simm.s32 $0x580;
	[sflag:s23] =	ssyncadd.s32 $0xFFFFE000  }
0xbc: {  	[spmem:s5] =	stream.indirect.scatter.add.f32 [tilespmem:s17], [sflag:$0x3], $0x80, s9, s21, $0xb8;
	[tilespmem:$0x1B380] =	vst v63  }
0xbd: {  	_ =	swait.ge [sflag:s25], $0x2000  }
0xbe: {  	[sflag:s25] =	ssyncset.done $0x0  }
0xbf: {  	s10 =	simm.s32 $0x100;
	[sflag:s25] =	ssyncadd.s32 $0xFFFFE000  }
0xc0: {  	[tilespmem:s17], [sflag:$0x1] =	stream.indirect.gather [hbm4b:s2+s21], $0x80, s10, s21, $0xb8;
	[tilespmem:$0x1B380] =	vst v63  }
0xc1: {  	_ =	swait.ge [sflag:s28], $0x2000  }
0xc2: {  	[sflag:s28] =	ssyncset.done $0x0  }
0xc3: {  	s29 =	simm.s32 $0x5C0;
	[sflag:s28] =	ssyncadd.s32 $0xFFFFE000  }
0xc4: {  	[spmem:s5] =	stream.indirect.scatter.add.f32 [tilespmem:s22], [sflag:$0x4], $0x80, s29, s21, $0xb8;
	[tilespmem:$0x1B380] =	vst v63  }
0xc5: {  	_ =	swait.ge [sflag:s30], $0x2000  }
0xc6: {  	[sflag:s30] =	ssyncset.done $0x0  }
0xc7: {  	s31 =	simm.s32 $0x140;
	[sflag:s30] =	ssyncadd.s32 $0xFFFFE000  }
0xc8: {  	[tilespmem:s22], [sflag:$0x2] =	stream.indirect.gather [hbm4b:s2+s21], $0x80, s31, s21, $0xb8;
	[tilespmem:$0x1B380] =	vst v63  }
0xc9: {  	_ =	swait.ge [sflag:s23], $0x2000  }
0xca: {  	[sflag:s23] =	ssyncset.done $0x0  }
0xcb: {  	[sflag:s23] =	ssyncadd.s32 $0xFFFFE000  }
0xcc: {  	[spmem:s5] =	stream.indirect.scatter.add.f32 [tilespmem:s17], [sflag:$0x3], $0x80, s11, s21, $0xb8;
	[tilespmem:$0x1B380] =	vst v63  }
0xcd: {  	_ =	swait.ge [sflag:s25], $0x2000  }
0xce: {  	[sflag:s25] =	ssyncset.done $0x0  }
0xcf: {  	[sflag:s25] =	ssyncadd.s32 $0xFFFFE000  }
0xd0: {  	[tilespmem:s17], [sflag:$0x1] =	stream.indirect.gather [hbm4b:s2+s21], $0x80, s13, s21, $0xb8;
	[tilespmem:$0x1B380] =	vst v63  }
0xd1: {  	_ =	swait.ge [sflag:s28], $0x2000  }
0xd2: {  	[sflag:s28] =	ssyncset.done $0x0  }
0xd3: {  	[sflag:s28] =	ssyncadd.s32 $0xFFFFE000  }
0xd4: {  	[spmem:s5] =	stream.indirect.scatter.add.f32 [tilespmem:s22], [sflag:$0x4], $0x80, s14, s21, $0xb8;
	[tilespmem:$0x1B380] =	vst v63  }
0xd5: {  	_ =	swait.ge [sflag:s30], $0x2000  }
0xd6: {  	[sflag:s30] =	ssyncset.done $0x0  }
0xd7: {  	[sflag:s30] =	ssyncadd.s32 $0xFFFFE000  }
0xd8: {  	[tilespmem:s22], [sflag:$0x2] =	stream.indirect.gather [hbm4b:s2+s21], $0x80, s15, s21, $0xb8;
	[tilespmem:$0x1B380] =	vst v63  }
0xd9: {  	_ =	swait.ge [sflag:s23], $0x2000  }
0xda: {  	[sflag:s23] =	ssyncset.done $0x0  }
0xdb: {  	[sflag:s23] =	ssyncadd.s32 $0xFFFFE000  }
0xdc: {  	[spmem:s5] =	stream.indirect.scatter.add.f32 [tilespmem:s17], [sflag:$0x3], $0x80, s16, s21, $0xb8;
	[tilespmem:$0x1B380] =	vst v63  }
0xdd: {  	_ =	swait.ge [sflag:s25], $0x2000  }
0xde: {  	[sflag:s25] =	ssyncset.done $0x0  }
0xdf: {  	[sflag:s25] =	ssyncadd.s32 $0xFFFFE000  }
0xe0: {  	[tilespmem:s17], [sflag:$0x1] =	stream.indirect.gather [hbm4b:s2+s21], $0x80, s12, s21, $0xb8;
	[tilespmem:$0x1B380] =	vst v63  }
0xe1: {  	_ =	swait.ge [sflag:s28], $0x2000  }
0xe2: {  	[sflag:s28] =	ssyncset.done $0x0  }
0xe3: {  	[sflag:s28] =	ssyncadd.s32 $0xFFFFE000  }
0xe4: {  	[spmem:s5] =	stream.indirect.scatter.add.f32 [tilespmem:s22], [sflag:$0x4], $0x80, s7, s21, $0xb8;
	[tilespmem:$0x1B380] =	vst v63  }
0xe5: {  	_ =	swait.ge [sflag:s30], $0x2000  }
0xe6: {  	[sflag:s30] =	ssyncset.done $0x0  }
0xe7: {  	[sflag:s30] =	ssyncadd.s32 $0xFFFFE000  }
0xe8: {  	[tilespmem:s22], [sflag:$0x2] =	stream.indirect.gather [hbm4b:s2+s21], $0x80, s0, s21, $0xb8;
	[tilespmem:$0x1B380] =	vst v63  }
0xe9: {  	_ =	swait.ge [sflag:s23], $0x2000  }
0xea: {  	[sflag:s23] =	ssyncset.done $0x0  }
0xeb: {  	[sflag:s23] =	ssyncadd.s32 $0xFFFFE000  }
0xec: {  	[spmem:s5] =	stream.indirect.scatter.add.f32 [tilespmem:s17], [sflag:$0x3], $0x80, s1, s21, $0xb8;
	[tilespmem:$0x1B380] =	vst v63  }
0xed: {  	_ =	swait.ge [sflag:s25], $0x2000  }
0xee: {  	[sflag:s25] =	ssyncset.done $0x0  }
0xef: {  	[sflag:s25] =	ssyncadd.s32 $0xFFFFE000  }
0xf0: {  	s26 =	sadd.s32 $0x1, s26;
	_ =	swait.ge [sflag:s28], $0x2000  }
0xf1: {  	p0 =	sne.s32 s26, $0x32;
	[sflag:s28] =	ssyncset.done $0x0  }
.Ltmp3:
0xf2: {  	[sflag:s28] =	ssyncadd.s32 $0xFFFFE000;
	(pc) =	sbr.rel @p0 .LBB2_6-.Ltmp3, $4  }
0xf3: {  	[spmem:s5] =	stream.indirect.scatter.add.f32 [tilespmem:s22], [sflag:$0x4], $0x80, s19, s21, $0xb8;
	[tilespmem:$0x1B380] =	vst v63  }
0xf4: {  	_ =	swait.ge [sflag:s30], $0x2000  }
0xf5: {  	[sflag:s30] =	ssyncset.done $0x0  }
0xf6: {  	[sflag:s30] =	ssyncadd.s32 $0xFFFFE000  }
0xf7: {  	[bflag:$0x0] =	sbarrier.arrive $0xFFFF  }
0xf8: {  	s4 =	rddreg [dreg:$0xb]  }
0xf9: {  	[tilespmem:s17], [sflag:$0x5] =	stream.linear.gather [spmem:s4], $0x2000, $0x38;
	[tilespmem:$0x1B380] =	vst v63  }
0xfa: {  	_ =	swait.ge [sflag:s18], $0x2000  }
0xfb: {  	[sflag:s18] =	ssyncset.done $0x0  }
0xfc: {  	s8 =	rddreg [dreg:$0xc];
	[sflag:s18] =	ssyncadd.s32 $0xFFFFE000  }
0xfd: {  	[hbm4b:s8+s6] =	stream.linear.scatter [tilespmem:s17], [sflag:$0x5], $0x2000, $0x38;
	[tilespmem:$0x1B380] =	vst v63  }
0xfe: {  	_ =	swait.ge [sflag:s18], $0x2000  }
0xff: {  	[sflag:s18] =	ssyncset.done $0x0  }
0x100: {  	s9 =	rddreg [dreg:$0x1e];
	[sflag:s18] =	ssyncadd.s32 $0xFFFFE000  }
0x101: {  	[tilespmem:s17], [sflag:$0x5] =	stream.linear.gather [spmem:s9], $0x2000, $0x38;
	[tilespmem:$0x1B380] =	vst v63  }
0x102: {  	_ =	swait.ge [sflag:s18], $0x2000  }
0x103: {  	[sflag:s18] =	ssyncset.done $0x0  }
0x104: {  	s10 =	rddreg [dreg:$0xd];
	[sflag:s18] =	ssyncadd.s32 $0xFFFFE000  }
0x105: {  	[hbm4b:s10+s6] =	stream.linear.scatter [tilespmem:s17], [sflag:$0x5], $0x2000, $0x38;
	[tilespmem:$0x1B380] =	vst v63  }
0x106: {  	_ =	swait.ge [sflag:s18], $0x2000  }
0x107: {  	[sflag:s18] =	ssyncset.done $0x0  }
0x108: {  	s24 =	rddreg [dreg:$0x1f];
	[sflag:s18] =	ssyncadd.s32 $0xFFFFE000  }
0x109: {  	[tilespmem:s17], [sflag:$0x5] =	stream.linear.gather [spmem:s24], $0x2000, $0x38;
	[tilespmem:$0x1B380] =	vst v63  }
0x10a: {  	_ =	swait.ge [sflag:s18], $0x2000  }
0x10b: {  	[sflag:s18] =	ssyncset.done $0x0  }
0x10c: {  	s26 =	rddreg [dreg:$0xe];
	[sflag:s18] =	ssyncadd.s32 $0xFFFFE000  }
0x10d: {  	[hbm4b:s26+s6] =	stream.linear.scatter [tilespmem:s17], [sflag:$0x5], $0x2000, $0x38;
	[tilespmem:$0x1B380] =	vst v63  }
0x10e: {  	_ =	swait.ge [sflag:s18], $0x2000  }
0x10f: {  	s29 =	sld [smem:$0x7F7]  }
0x110: {  	[sflag:s18] =	ssyncset.done $0x0  }
0x111: {  	[sflag:s18] =	ssyncadd.s32 $0xFFFFE000  }
0x112: {  	[tilespmem:s17], [sflag:$0x5] =	stream.linear.gather [spmem:s29], $0x2000, $0x38;
	[tilespmem:$0x1B380] =	vst v63  }
0x113: {  	_ =	swait.ge [sflag:s18], $0x2000  }
0x114: {  	[sflag:s18] =	ssyncset.done $0x0  }
0x115: {  	s31 =	rddreg [dreg:$0xf];
	[sflag:s18] =	ssyncadd.s32 $0xFFFFE000  }
0x116: {  	[hbm4b:s31+s6] =	stream.linear.scatter [tilespmem:s17], [sflag:$0x5], $0x2000, $0x38;
	[tilespmem:$0x1B380] =	vst v63  }
0x117: {  	_ =	swait.ge [sflag:s18], $0x2000  }
0x118: {  	s8 =	sld [smem:$0x7F8]  }
0x119: {  	[sflag:s18] =	ssyncset.done $0x0  }
0x11a: {  	[sflag:s18] =	ssyncadd.s32 $0xFFFFE000  }
0x11b: {  	[tilespmem:s17], [sflag:$0x5] =	stream.linear.gather [spmem:s8], $0x2000, $0x38;
	[tilespmem:$0x1B380] =	vst v63  }
0x11c: {  	_ =	swait.ge [sflag:s18], $0x2000  }
0x11d: {  	[sflag:s18] =	ssyncset.done $0x0  }
0x11e: {  	s9 =	rddreg [dreg:$0x10];
	[sflag:s18] =	ssyncadd.s32 $0xFFFFE000  }
0x11f: {  	[hbm4b:s9+s6] =	stream.linear.scatter [tilespmem:s17], [sflag:$0x5], $0x2000, $0x38;
	[tilespmem:$0x1B380] =	vst v63  }
0x120: {  	_ =	swait.ge [sflag:s18], $0x2000  }
0x121: {  	s10 =	sld [smem:$0x7F9]  }
0x122: {  	[sflag:s18] =	ssyncset.done $0x0  }
0x123: {  	[sflag:s18] =	ssyncadd.s32 $0xFFFFE000  }
0x124: {  	[tilespmem:s17], [sflag:$0x5] =	stream.linear.gather [spmem:s10], $0x2000, $0x38;
	[tilespmem:$0x1B380] =	vst v63  }
0x125: {  	_ =	swait.ge [sflag:s18], $0x2000  }
0x126: {  	[sflag:s18] =	ssyncset.done $0x0  }
0x127: {  	s24 =	rddreg [dreg:$0x11];
	[sflag:s18] =	ssyncadd.s32 $0xFFFFE000  }
0x128: {  	[hbm4b:s24+s6] =	stream.linear.scatter [tilespmem:s17], [sflag:$0x5], $0x2000, $0x38;
	[tilespmem:$0x1B380] =	vst v63  }
0x129: {  	_ =	swait.ge [sflag:s18], $0x2000  }
0x12a: {  	s26 =	sld [smem:$0x7FA]  }
0x12b: {  	[sflag:s18] =	ssyncset.done $0x0  }
0x12c: {  	[sflag:s18] =	ssyncadd.s32 $0xFFFFE000  }
0x12d: {  	[tilespmem:s17], [sflag:$0x5] =	stream.linear.gather [spmem:s26], $0x2000, $0x38;
	[tilespmem:$0x1B380] =	vst v63  }
0x12e: {  	_ =	swait.ge [sflag:s18], $0x2000  }
0x12f: {  	[sflag:s18] =	ssyncset.done $0x0  }
0x130: {  	s29 =	rddreg [dreg:$0x12];
	[sflag:s18] =	ssyncadd.s32 $0xFFFFE000  }
0x131: {  	[hbm4b:s29+s6] =	stream.linear.scatter [tilespmem:s17], [sflag:$0x5], $0x2000, $0x38;
	[tilespmem:$0x1B380] =	vst v63  }
0x132: {  	_ =	swait.ge [sflag:s18], $0x2000  }
0x133: {  	s31 =	sld [smem:$0x7FB]  }
0x134: {  	[sflag:s18] =	ssyncset.done $0x0  }
0x135: {  	[sflag:s18] =	ssyncadd.s32 $0xFFFFE000  }
0x136: {  	[tilespmem:s17], [sflag:$0x5] =	stream.linear.gather [spmem:s31], $0x2000, $0x38;
	[tilespmem:$0x1B380] =	vst v63  }
0x137: {  	_ =	swait.ge [sflag:s18], $0x2000  }
0x138: {  	[sflag:s18] =	ssyncset.done $0x0  }
0x139: {  	s8 =	rddreg [dreg:$0x13];
	[sflag:s18] =	ssyncadd.s32 $0xFFFFE000  }
0x13a: {  	[hbm4b:s8+s6] =	stream.linear.scatter [tilespmem:s17], [sflag:$0x5], $0x2000, $0x38;
	[tilespmem:$0x1B380] =	vst v63  }
0x13b: {  	_ =	swait.ge [sflag:s18], $0x2000  }
0x13c: {  	s9 =	sld [smem:$0x7FC]  }
0x13d: {  	[sflag:s18] =	ssyncset.done $0x0  }
0x13e: {  	[sflag:s18] =	ssyncadd.s32 $0xFFFFE000  }
0x13f: {  	[tilespmem:s17], [sflag:$0x5] =	stream.linear.gather [spmem:s9], $0x2000, $0x38;
	[tilespmem:$0x1B380] =	vst v63  }
0x140: {  	_ =	swait.ge [sflag:s18], $0x2000  }
0x141: {  	[sflag:s18] =	ssyncset.done $0x0  }
0x142: {  	s10 =	rddreg [dreg:$0x14];
	[sflag:s18] =	ssyncadd.s32 $0xFFFFE000  }
0x143: {  	[hbm4b:s10+s6] =	stream.linear.scatter [tilespmem:s17], [sflag:$0x5], $0x2000, $0x38;
	[tilespmem:$0x1B380] =	vst v63  }
0x144: {  	_ =	swait.ge [sflag:s18], $0x2000  }
0x145: {  	s24 =	sld [smem:$0x7FD]  }
0x146: {  	[sflag:s18] =	ssyncset.done $0x0  }
0x147: {  	[sflag:s18] =	ssyncadd.s32 $0xFFFFE000  }
0x148: {  	[tilespmem:s17], [sflag:$0x5] =	stream.linear.gather [spmem:s24], $0x2000, $0x38;
	[tilespmem:$0x1B380] =	vst v63  }
0x149: {  	_ =	swait.ge [sflag:s18], $0x2000  }
0x14a: {  	[sflag:s18] =	ssyncset.done $0x0  }
0x14b: {  	s26 =	rddreg [dreg:$0x15];
	[sflag:s18] =	ssyncadd.s32 $0xFFFFE000  }
0x14c: {  	[hbm4b:s26+s6] =	stream.linear.scatter [tilespmem:s17], [sflag:$0x5], $0x2000, $0x38;
	[tilespmem:$0x1B380] =	vst v63  }
0x14d: {  	_ =	swait.ge [sflag:s18], $0x2000  }
0x14e: {  	[sflag:s18] =	ssyncset.done $0x0  }
0x14f: {  	s29 =	rddreg [dreg:$0x16];
	[sflag:s18] =	ssyncadd.s32 $0xFFFFE000  }
0x150: {  	[hbm4b:s29+s6] =	stream.linear.scatter [tilespmem:s20], [sflag:$0x5], $0x2800, $0x38;
	[tilespmem:$0x1B380] =	vst v63  }
0x151: {  	_ =	swait.ge [sflag:s18], $0x2800  }
0x152: {  	s8 =	sld [smem:$0x7F6];
	_ =	sdelay $0x2  }
0x153: {  	s31 =	rddreg [dreg:$0x17];
	s8 =	sadd.s32 $0x1, s8  }
0x154: {  	p0 =	sne.s32 s8, s31  }
.Ltmp4:
0x155: {  	_ = 	snop;
	(pc) =	sbr.rel @p0 .LBB2_1-.Ltmp4, $3  }
0x156: {  	_ =	sdelay $0x1  }
0x157: {  	[sflag:s18] =	ssyncset.done $0x0  }
0x158: {  	[sflag:s18] =	ssyncadd.s32 $0xFFFFD800  }
0x159: {  	_ =	sfence.sel $0x180000  }
0x15a: {  	[bflag:$0x0] =	sbarrier.arrive $0xFFFF  }
0x15b: {  	_ =	strace $0x90000047  }
0x15c: {  	s0 =	stileid.u32;
	[bflag:$0x2] =	sbarrier.arrive $0xFFFF  }
0x15d: {  	p0 =	sne.s32 s0, $0x0;
	s0 =	rddreg [dreg:$0x5]  }
0x15e: {  	s0 =	sadd.s32 @!p0 $0x100000, s0  }
0x15f: {  	[sflag:s0] =	ssyncadd.tile.s32 @!p0 $0x1;
	_ =	shalt  }
.Lfunc_end2:
_tile_overlayer_lowered:
.L_overlay_start_2:
0x160: {  	(tag) =	ssettag $0x2  }
0x161: {  	s0 =	rddreg [dreg:$0x0];
	s2 =	stileid.u32  }
0x162: {  	s1 =	rddreg [dreg:$0x1];
	p0 =	sne.s32 s2, $0x0  }
0x163: {  	s3 =	rddreg [dreg:$0x2];
	[bflag:$0x3] =	sbarrier.arrive $0xFFFF;
	s2 =	simm.s32 @!p0 $0x1C05  }
0x164: {  	[timem:s3], [sflag:s2] =	dma.local @!p0 [hbm:s0], s1  }
0x165: {  	s0 =	simm.s32 @!p0 $0x5  }
0x166: {  	_ =	swait.ge @!p0 [sflag:s0], s1  }
0x167: {  	s1 =	ssub.s32 @!p0 $0x0, s1;
	[sflag:s0] =	ssyncset.done @!p0 $0x0  }
0x168: {  	[sflag:s0] =	ssyncadd.s32 @!p0 s1  }
0x169: {  	[bflag:$0x3] =	sbarrier.arrive $0xFFFF  }
0x16a: {  	_ =	shalt  }

// kernel: kernel.9.cloned.1.call-start
scs
__scs_entry_jumppad:
0x0: {  	(pc) =	sbr.rel $0x88, $3  }
0x1: {  	(tag) =	ssettag $0x0;
	lr =	simm.s32 $0x1  }
0x2: {  	[smem:$0x3F96] =	sst lr;
	_ =	strace $0xD0000000  }
0x3: {  	_ = 	snop  }
0x4: {  	_ = 	snop  }
0x5: {  	_ = 	snop  }
0x6: {  	_ = 	snop  }
0x7: {  	_ = 	snop  }
__scs_overlays_trampoline_lowered:
0x8: {  	[smem:$0x3FA5] =	sst s0  }
0x9: {  	[smem:$0x3FA6] =	sst s1  }
0xa: {  	[smem:$0x3FA7] =	sst s2  }
0xb: {  	[smem:$0x3FA8] =	sst s3  }
0xc: {  	[smem:$0x3FA9] =	sst s4  }
0xd: {  	[smem:$0x3FAA] =	sst s5  }
0xe: {  	[smem:$0x3FAB] =	sst s6  }
0xf: {  	[smem:$0x3FAC] =	sst s7  }
0x10: {  	[smem:$0x3FAD] =	sst s8  }
0x11: {  	[smem:$0x3FAE] =	sst s9;
	s0 =	simm.s32 @!p0 $0x0  }
0x12: {  	s1 =	sld [smem:$0x3F94];
	s0 =	simm.s32 @p0 $0x1  }
0x13: {  	[smem:$0x3FAF] =	sst s0;
	s0 =	simm.s32 @!p1 $0x0  }
0x14: {  	s2 =	sld [smem:$0x3F93];
	s0 =	simm.s32 @p1 $0x1  }
0x15: {  	[smem:$0x3FB0] =	sst s0;
	s0 =	simm.s32 @!p2 $0x0  }
0x16: {  	s3 =	sld [smem:$0x3FDB];
	s0 =	simm.s32 @p2 $0x1  }
0x17: {  	s4 =	simm.s32 $0x1BF5;
	[smem:$0x3FB2] =	sst s0  }
0x18: {  	s0 =	sld [smem:$0x3F95];
	_ =	swait.ge [sflag:s4], $0x0  }
0x19: {  	s7 =	sld [smem:$0x3F96]  }
0x1a: {  	s8 =	sadd.s32 $0xFFFFE003, lr  }
0x1b: {  	s9 =	sadd.s32 $0xFFFFFEF7, lr;
	s5 =	simm.s32 $0xFFFFFFFF;
	p2 =	slt.u32 s8, $0xFFFFF086  }
0x1c: {  	p1 =	slt.u32 s9, $0xF7A;
	s5 =	simm.s32 @!p2 $0x0  }
0x1d: {  	s5 =	simm.s32 @p1 $0x1;
	p0 =	seq.s32 s7, s2  }
0x1e: {  	s7 =	smul.u32 @!p0 $0xF7A, s2;
	p2 =	seq.s32 @!p0 s5, $0x0  }
0x1f: {  	s9 =	smul.u32 $0xF7A, s1;
	s8 =	simm.s32 @!p0 $0x1BF5;
	p2 =	por !p2, p0  }
0x20: {  	[sflag:s8] =	ssyncset.s32 @!p0 $0xFFFFF086;
	s6 =	sadd.s32 @!p0 s3, s7;
	s7 =	simm.s32 @!p0 $0x108  }
0x21: {  	s3 =	sadd.s32 s3, s9;
	s6 =	sadd.s32 @!p0 $0x88, s6;
	s7 =	simm.s32 @p2 $0x1082  }
0x22: {  	[simem:s7], [sflag:s8] =	dma.local @!p0 [hbm:s6], $0xF7A  }
0x23: {  	s9 =	sor.u32 $0xD0000000, s2;
	s6 =	simm.s32 $0x108;
	_ =	swait.ge @!p0 [sflag:s8], $0x0  }
0x24: {  	s3 =	sadd.s32 $0x88, s3;
	s6 =	simm.s32 @!p1 $0x1082;
	[sflag:s4] =	ssyncset.s32 $0xFFFFF086  }
0x25: {  	[simem:s6], [sflag:s4] =	dma.local [hbm:s3], $0xF7A  }
0x26: {  	[smem:$0x3F96] =	sst s1;
	(tag) =	ssettag s2;
	_ =	strace s9  }
0x27: {  	s1 =	sld [smem:$0x3FA6]  }
0x28: {  	s2 =	sld [smem:$0x3FA7]  }
0x29: {  	s4 =	sld [smem:$0x3FA9]  }
0x2a: {  	p0 =	seq.s32 s5, $0x0;
	s5 =	sld [smem:$0x3FAA]  }
0x2b: {  	s6 =	sld [smem:$0x3FAB]  }
0x2c: {  	s7 =	sld [smem:$0x3FAC]  }
0x2d: {  	s3 =	simm.s32 $0x108;
	s8 =	sld [smem:$0x3FAD]  }
0x2e: {  	s3 =	simm.s32 @!p0 $0x1082;
	s9 =	sld [smem:$0x3FAE]  }
0x2f: {  	lr =	sadd.s32 s0, s3;
	s0 =	sld [smem:$0x3FA5]  }
0x30: {  	s3 =	sld [smem:$0x3FA8]  }
0x31: {  	[smem:$0x3FB1] =	sst s10  }
0x32: {  	s10 =	sld [smem:$0x3FAF];
	_ =	sdelay $0x3  }
0x33: {  	p0 =	seq.s32 s10, $0x1;
	s10 =	sld [smem:$0x3FB1];
	_ =	sdelay $0x3  }
0x34: {  	[smem:$0x3FB1] =	sst s10  }
0x35: {  	s10 =	sld [smem:$0x3FB0];
	_ =	sdelay $0x3  }
0x36: {  	p1 =	seq.s32 s10, $0x1;
	s10 =	sld [smem:$0x3FB1];
	_ =	sdelay $0x3  }
0x37: {  	[smem:$0x3FB1] =	sst s10  }
0x38: {  	s10 =	sld [smem:$0x3FB2]  }
0x39: {  	_ = 	snop;
	(pc) =	sbr.ind lr, $3  }
0x3a: {  	_ = 	snop  }
0x3b: {  	_ = 	snop  }
0x3c: {  	p2 =	seq.s32 s10, $0x1;
	s10 =	sld [smem:$0x3FB1]  }
0x3d: {  	_ =	shalt  }
0x3e: {  	_ =	shalt  }
0x3f: {  	_ =	shalt  }
0x40: {  	_ =	shalt  }
0x41: {  	_ =	shalt  }
0x42: {  	_ =	shalt  }
0x43: {  	_ =	shalt  }
0x44: {  	_ =	shalt  }
0x45: {  	_ =	shalt  }
0x46: {  	_ =	shalt  }
0x47: {  	_ =	shalt  }
0x48: {  	_ =	shalt  }
0x49: {  	_ =	shalt  }
0x4a: {  	_ =	shalt  }
0x4b: {  	_ =	shalt  }
0x4c: {  	_ =	shalt  }
0x4d: {  	_ =	shalt  }
0x4e: {  	_ =	shalt  }
0x4f: {  	_ =	shalt  }
0x50: {  	_ =	shalt  }
0x51: {  	_ =	shalt  }
0x52: {  	_ =	shalt  }
0x53: {  	_ =	shalt  }
0x54: {  	_ =	shalt  }
0x55: {  	_ =	shalt  }
0x56: {  	_ =	shalt  }
0x57: {  	_ =	shalt  }
0x58: {  	_ =	shalt  }
0x59: {  	_ =	shalt  }
0x5a: {  	_ =	shalt  }
0x5b: {  	_ =	shalt  }
0x5c: {  	_ =	shalt  }
0x5d: {  	_ =	shalt  }
0x5e: {  	_ =	shalt  }
0x5f: {  	_ =	shalt  }
0x60: {  	_ =	shalt  }
0x61: {  	_ =	shalt  }
0x62: {  	_ =	shalt  }
0x63: {  	_ =	shalt  }
0x64: {  	_ =	shalt  }
0x65: {  	_ =	shalt  }
0x66: {  	_ =	shalt  }
0x67: {  	_ =	shalt  }
0x68: {  	_ =	shalt  }
0x69: {  	_ =	shalt  }
0x6a: {  	_ =	shalt  }
0x6b: {  	_ =	shalt  }
0x6c: {  	_ =	shalt  }
0x6d: {  	_ =	shalt  }
0x6e: {  	_ =	shalt  }
0x6f: {  	_ =	shalt  }
0x70: {  	_ =	shalt  }
0x71: {  	_ =	shalt  }
0x72: {  	_ =	shalt  }
0x73: {  	_ =	shalt  }
0x74: {  	_ =	shalt  }
0x75: {  	_ =	shalt  }
0x76: {  	_ =	shalt  }
0x77: {  	_ =	shalt  }
0x78: {  	_ =	shalt  }
0x79: {  	_ =	shalt  }
0x7a: {  	_ =	shalt  }
0x7b: {  	_ =	shalt  }
0x7c: {  	_ =	shalt  }
0x7d: {  	_ =	shalt  }
0x7e: {  	_ =	shalt  }
0x7f: {  	_ =	shalt  }
0x80: {  	_ =	shalt  }
0x81: {  	_ =	shalt  }
0x82: {  	_ =	shalt  }
0x83: {  	_ =	shalt  }
0x84: {  	_ =	shalt  }
0x85: {  	_ =	shalt  }
0x86: {  	_ =	shalt  }
0x87: {  	_ =	shalt  }
.Lfunc_end0:
.L_simem_size_0:
called_computation.1_lowered:
.L_overlay_start_0:
0x88: {  	s2 =	sld [smem:$0x3FD9]  }
0x89: {  	s3 =	sld [smem:$0x3FFE];
	_ =	sdelay $0x1  }
0x8a: {  	s1 =	srdreg.scid  }
0x8b: {  	s0 =	sand.u32 $0x1, s1  }
0x8c: {  	s17 =	sshll.u32 s0, $0xA;
	s2 =	sadd.s32 s3, s2  }
0x8d: {  	s2 =	sadd.s32 s2, s17  }
0x8e: {  	[smem:$0x3FBD] =	sst s2  }
0x8f: {  	_ = 	snop  }
0x90: {  	s2 =	sld [smem:$0x3FC6]  }
0x91: {  	s18 =	sld [smem:$0x3FC5]  }
0x92: {  	s4 =	sld [smem:$0x3FD0];
	(tm) =	ssettm $0x1  }
0x93: {  	s5 =	sld [smem:$0x3FFB];
	_ =	sdelay $0x3  }
0x94: {  	_ =	strace s5  }
0x95: {  	s5 =	sld [smem:$0x3FFC];
	_ =	sdelay $0x3  }
0x96: {  	_ =	strace s5  }
0x97: {  	s5 =	sld [smem:$0x3FFD];
	_ =	sdelay $0x3  }
0x98: {  	_ =	strace s5  }
0x99: {  	_ =	strace $0x8FFFFFFF  }
0x9a: {  	s19 =	sld [smem:$0x3FDB];
	_ =	sdelay $0x1  }
0x9b: {  	s6 =	simm.s32 $_scs_section_size  }
0x9c: {  	s7 =	simm.s32 $_size__tile_overlayer_lowered;
	s8 =	simm.s32 $_tile_overlayer_lowered  }
0x9d: {  	s22 =	simm.s32 $0x1BFF;
	s21 =	sshll.u32 s8, $0x1;
	s5 =	sadd.s32 s6, s19  }
0x9e: {  	s9 =	simm.s32 $0x0;
	s20 =	sshll.u32 s7, $0x1;
	s7 =	sadd.s32 s21, s5  }
0x9f: {  	[timem:s9], [sflag:s22] =	dma.local [hbm:s7], s20  }
0xa0: {  	_ =	swait.ge [sflag:s22], s20  }
0xa1: {  	s6 =	ssub.s32 $0x0, s20;
	[sflag:s22] =	ssyncset.done $0x0  }
0xa2: {  	[sflag:s22] =	ssyncadd.s32 s6;
	_ =	sdelay $0x1  }
0xa3: {  	s23 =	simm.s32 $0x1B8B  }
0xa4: {  	_ =	swait.ge [sflag:s23], $0x1  }
0xa5: {  	[sflag:s23] =	ssyncset.done $0x0  }
0xa6: {  	s25 =	simm.s32 $0x1B8E;
	s24 =	sld [smem:$0x3FFE];
	[sflag:s23] =	ssyncadd.s32 $0xFFFFFFFF  }
0xa7: {  	s26 =	simm.s32 $execute0_lowered;
	[smem:$0x3FD2] =	sst s25  }
0xa8: {  	s7 =	sshll.u32 s26, $0x1;
	_ =	strace $0x80000049;
	[dreg:$0x1] =	wrdreg $0xFFFFFFFF  }
0xa9: {  	s28 =	simm.s32 $_size_execute0_lowered;
	s5 =	sadd.s32 s5, s7;
	[dreg:$0x0] =	wrdreg $0x0  }
0xaa: {  	s7 =	sshll.u32 s28, $0x1;
	[dreg:$0x2] =	wrdreg s5  }
0xab: {  	[dreg:$0x3] =	wrdreg s7  }
0xac: {  	[dreg:$0x4] =	wrdreg $0xC0  }
0xad: {  	_ =	task [dreg:s9], $0x5FFFF  }
0xae: {  	[dreg:$0x1] =	wrdreg $0xFFFFFFFF  }
0xaf: {  	[dreg:$0x0] =	wrdreg $0x60  }
0xb0: {  	[dreg:$0x2] =	wrdreg s2  }
0xb1: {  	[dreg:$0x3] =	wrdreg s18  }
0xb2: {  	[dreg:$0x4] =	wrdreg s24  }
0xb3: {  	[dreg:$0x5] =	wrdreg s4  }
0xb4: {  	[dreg:$0x6] =	wrdreg $0x4B800  }
0xb5: {  	[dreg:$0x7] =	wrdreg $0x9  }
0xb6: {  	_ =	task.clear_ibuf [dreg:s9], $0x8FFFF;
	_ =	strace $0x90000049  }
0xb7: {  	s29 =	simm.s32 $0x9;
	_ =	strace $0x8000004B  }
0xb8: {  	_ =	swait.ge [sflag:s29], $0x1  }
0xb9: {  	[sflag:s29] =	ssyncadd.s32 $0xFFFFFFFF  }
0xba: {  	_ =	strace $0x9000004B  }
0xbb: {  	_ =	sfence  }
0xbc: {  	s30 =	sld [smem:$0x0];
	_ =	sdelay $0x2  }
0xbd: {  	s31 =	sshll.u32 s1, $0xD;
	s1 =	sshrl.u32 s1, $0x2  }
0xbe: {  	s3 =	sand.u32 $0x4000, s31;
	s1 =	sadd.s32 s1, s30  }
0xbf: {  	s0 =	sor.u32 s3, s0;
	s1 =	sshll.u32 s1, $0x11  }
0xc0: {  	s0 =	sor.u32 s1, s0  }
0xc1: {  	s0 =	sadd.s32 $0x8F2B, s0  }
0xc2: {  	[sflag:s0] =	ssyncadd.remote.s32 $0x1  }
0xc3: {  	_ =	sfence.sel $0xFFFF  }
0xc4: {  	[dreg:$0x0] =	wrdreg $0xFFFFFFFF;
	(pc) =	sbr.abs _section_cstart, $3  }
0xc5: {  	[dreg:$0x1] =	wrdreg $0xFFFFFFFF  }
0xc6: {  	_ =	task.clear_ibuf [dreg:s9], $0x2FFFF;
	_ =	strace $0x9FFFFFFF  }
0xc7: {  	(tm) =	ssettm $0x7FFFFFFF  }
tec
execute0_lowered:
.L_overlay_start_1:
0x0: {  	(tag) =	ssettag $0x1  }
0x1: {  	s0 =	rddreg [dreg:$0x2]  }
0x2: {  	s1 =	rddreg [dreg:$0x3]  }
0x3: {  	s3 =	rddreg [dreg:$0x4];
	s2 =	simm.s32 $0x0;
	s31 =	simm.s32 $0x0  }
0x4: {  	s24 =	srdreg.scid;
	s10 =	stileid.u32;
	s14 =	simm.s32 $0x780  }
0x5: {  	s15 =	simm.s32 $0x5;
	s17 =	simm.s32 $0x4780;
	s18 =	simm.s32 $0x40  }
0x6: {  	s19 =	simm.s32 $0x2780;
	s20 =	simm.s32 $0x1;
	s22 =	simm.s32 $0x3  }
0x7: {  	s11 =	simm.s32 $0x1C0;
	s12 =	simm.s32 $0x680;
	s13 =	simm.s32 $0x6C0  }
0x8: {  	s21 =	simm.s32 $0x0;
	[smem:$0x7FF] =	sst s2;
	s2 =	sand.u32 $0x1, s24  }
0x9: {  	s4 =	sshll.u32 s10, $0xB;
	s7 =	smul.u32 $0x9000, s10;
	s6 =	sadd.s32 $0x2200, s0  }
0xa: {  	s26 =	sshll.u32 s10, $0xD;
	s28 =	sshll.u32 s10, $0xA;
	s24 =	simm.s32 $0x2  }
0xb: {  	_ =	strace $0x8000004A;
	s5 =	sshll.u32 s2, $0xA;
	s8 =	ssub.s32 $0x2, s2  }
0xc: {  	s2 =	sshll.u32 s2, $0xE;
	s29 =	sadd.s32 s26, s3;
	s26 =	simm.s32 $0x4  }
0xd: {  	s4 =	sor.u32 s5, s4;
	s9 =	sshrl.u32 s8, $0x1;
	s7 =	sshrl.u32 s7, $0x2  }
0xe: {  	s1 =	sadd.s32 s1, s2;
	[dreg:$0x8] =	wrdreg s29;
	s2 =	simm.s32 $0x700  }
0xf: {  	v0 =	vmov s5;
	s5 =	simm.s32 $0x740;
	s4 =	sshrl.u32 s4, $0x3;
	s25 =	ssub.s32 s8, s9  }
0x10: {  	s7 =	sadd.s32 s7, s3;
	s9 =	smul.u32 $0x500, s10;
	s1 =	sadd.s32 s28, s1  }
0x11: {  	s8 =	simm.s32 $0x180;
	s10 =	simm.s32 $0x640;
	[dreg:$0x6] =	wrdreg s7  }
0x12: {  	s0 =	sadd.s32 s4, s0;
	s7 =	sadd.s32 $0x2000, s7;
	[dreg:$0x9] =	wrdreg s1  }
0x13: {  	s30 =	smax.u32 s25, $0x1;
	s4 =	simm.s32 $0x600;
	[dreg:$0x7] =	wrdreg s7  }
0x14: {  	s1 =	simm.s32 $0x240;
	s0 =	sadd.s32 $0x52200, s0;
	[dreg:$0xb] =	wrdreg s30  }
0x15: {  	v1 =	vimm.f32 $0.0e+00;
	s7 =	simm.s32 $0x200;
	[dreg:$0xa] =	wrdreg s0;
	s0 =	simm.s32 $0x140  }
.LBB2_1:
0x16: {  	[dreg:$0xc] =	wrdreg s21;
	s16 =	simm.s32 $0x0;
	s21 =	simm.s32 $0x200  }
.LBB2_2:
0x17: {  	p0 =	sne.s32 s21, $0x7E00;
	[tilespmem:s16+$0x27F0] =	vst v1  }
0x18: {  	[tilespmem:s16+$0x780] =	vst v1  }
0x19: {  	[tilespmem:s16+$0x2780] =	vst v1  }
0x1a: {  	[tilespmem:s16+$0x790] =	vst v1  }
0x1b: {  	[tilespmem:s16+$0x2790] =	vst v1  }
0x1c: {  	[tilespmem:s16+$0x7A0] =	vst v1  }
0x1d: {  	[tilespmem:s16+$0x27A0] =	vst v1  }
0x1e: {  	[tilespmem:s16+$0x7B0] =	vst v1  }
0x1f: {  	[tilespmem:s16+$0x27B0] =	vst v1  }
0x20: {  	[tilespmem:s16+$0x7C0] =	vst v1  }
0x21: {  	[tilespmem:s16+$0x27C0] =	vst v1  }
.Ltmp0:
0x22: {  	[tilespmem:s16+$0x7D0] =	vst v1;
	(pc) =	sbr.rel @p0 .LBB2_2-.Ltmp0, $4  }
0x23: {  	[tilespmem:s16+$0x27D0] =	vst v1  }
0x24: {  	[tilespmem:s16+$0x7E0] =	vst v1  }
0x25: {  	[tilespmem:s16+$0x27E0] =	vst v1  }
0x26: {  	[tilespmem:s16+$0x7F0] =	vst v1;
	s16 =	sshra.s32 s21, $0x2;
	s21 =	sadd.s32 $0x200, s21  }
0x27: {  	[tilespmem:s16+$0x27F0] =	vst v1  }
0x28: {  	[tilespmem:s16+$0x780] =	vst v1  }
0x29: {  	[tilespmem:s16+$0x2780] =	vst v1  }
0x2a: {  	[tilespmem:s16+$0x790] =	vst v1  }
0x2b: {  	[tilespmem:s16+$0x2790] =	vst v1  }
0x2c: {  	[tilespmem:s16+$0x7A0] =	vst v1  }
0x2d: {  	[tilespmem:s16+$0x27A0] =	vst v1  }
0x2e: {  	[tilespmem:s16+$0x7B0] =	vst v1  }
0x2f: {  	[tilespmem:s16+$0x27B0] =	vst v1  }
0x30: {  	[tilespmem:s16+$0x7C0] =	vst v1  }
0x31: {  	[tilespmem:s16+$0x27C0] =	vst v1  }
0x32: {  	[tilespmem:s16+$0x7D0] =	vst v1  }
0x33: {  	[tilespmem:s16+$0x27D0] =	vst v1  }
0x34: {  	[tilespmem:s16+$0x7E0] =	vst v1  }
0x35: {  	[tilespmem:s16+$0x27E0] =	vst v1  }
0x36: {  	[tilespmem:s16+$0x7F0] =	vst v1;
	s16 =	simm.s32 $0x40;
	s21 =	simm.s32 $0x0  }
.LBB2_4:
0x37: {  	p0 =	sne.s32 s16, $0xFC0;
	[tilespmem:s21+$0x4780] =	vst v1;
	s21 =	smov.u32 s16;
	s16 =	sadd.s32 $0x40, s16  }
.Ltmp1:
0x38: {  	(pc) =	sbr.rel @p0 .LBB2_4-.Ltmp1, $2  }
0x39: {  	_ =	sdelay $0x2  }
0x3a: {  	s21 =	sshra.s32 s21, $0x2  }
0x3b: {  	[tilespmem:s21+$0x4780] =	vst v1;
	s16 =	rddreg [dreg:$0x6]  }
0x3c: {  	[spmem:s16] =	stream.linear.scatter [tilespmem:s14], [sflag:$0x5], $0x2000, $0x38;
	[tilespmem:$0x6F80] =	vst v63  }
0x3d: {  	_ =	swait.ge [sflag:s15], $0x2000  }
0x3e: {  	[sflag:s15] =	ssyncset.done $0x0  }
0x3f: {  	s30 =	rddreg [dreg:$0x7];
	[sflag:s15] =	ssyncadd.s32 $0xFFFFE000  }
0x40: {  	[spmem:s30] =	stream.linear.scatter [tilespmem:s14], [sflag:$0x5], $0x400, $0x38;
	[tilespmem:$0x6F80] =	vst v63  }
0x41: {  	_ =	swait.ge [sflag:s15], $0x400  }
0x42: {  	[sflag:s15] =	ssyncset.done $0x0  }
0x43: {  	p1 =	por $0x1, $0x1;
	[sflag:s15] =	ssyncadd.s32 $0xFFFFFC00  }
0x44: {  	s21 =	simm.s32 $0x0;
	s16 =	simm.s32 $0x0;
	[bflag:$0x0] =	sbarrier.arrive $0xFFFF  }
.LBB2_6:
0x45: {  	s21 =	sadd.s32 s9, s21  }
0x46: {  	s23 =	rddreg [dreg:$0x0];
	s21 =	sshrl.u32 s21, $0x3  }
0x47: {  	s23 =	sadd.s32 s23, s21  }
0x48: {  	[tilespmem:s16], [sflag:$0x5] =	stream.linear.gather [hbm4b:s23+s16], $0x280, $0x38;
	[tilespmem:$0x6F80] =	vst v63  }
0x49: {  	_ =	swait.ge [sflag:s15], $0x280  }
0x4a: {  	[sflag:s15] =	ssyncset.done $0x0  }
0x4b: {  	[sflag:s15] =	ssyncadd.s32 $0xFFFFFD80  }
0x4c: {  	s30 =	rddreg [dreg:$0x1]  }
0x4d: {  	s25 =	simm.s32 $0x280;
	s21 =	sadd.s32 s30, s21  }
0x4e: {  	[tilespmem:s25], [sflag:$0x5] =	stream.linear.gather [hbm4b:s21+s16], $0x280, $0x38;
	[tilespmem:$0x6F80] =	vst v63  }
0x4f: {  	_ =	swait.ge [sflag:s15], $0x280  }
0x50: {  	[sflag:s15] =	ssyncset.done $0x0  }
0x51: {  	s28 =	simm.s32 $0x0;
	[sflag:s15] =	ssyncadd.s32 $0xFFFFFD80  }
0x52: {  	v2 =	vld [tilespmem:s28+$0x280];
	_ =	sdelay $0x4  }
0x53: {  	v2 =	vsub.s32 v2, v0  }
0x54: {  	vm0 =	vlt.u32 v2, $0x400  }
0x55: {  	s29 =	sand.u32 $0xF00, s16;
	v3 =	vmin.u32 v2, $0x400;
	v2 =	vnsel vm0, $0x0, v2  }
0x56: {  	s30 =	sand.u32 $0x30, s16;
	s21 =	sshrl.u32 s29, $0x2  }
0x57: {  	p0 =	por p1, p1;
	s23 =	sor.u32 s30, s21  }
0x58: {  	s25 =	simm.s32 $0x20;
	s21 =	simm.s32 $0x10;
	[tilespmem:s23+$0x500] =	vst v3;
	v3 =	vsel vm0, $0x3F800000, v1;
	s23 =	simm.s32 $0x40  }
.LBB2_7:
0x59: {  	p1 =	sne.s32 s25, $0x270  }
0x5a: {  	s28 =	sshra.s32 s23, $0x2;
	[tilespmem:v2+s17+$0x0] =	vst.idx.add.f32.msk $0xffff, v3;
	s29 =	smov.u32 s25;
	s25 =	sadd.s32 $0x10, s25  }
0x5b: {  	v2 =	vld [tilespmem:s28+$0x280];
	_ =	sdelay $0x3  }
0x5c: {  	s28 =	sand.u32 $0xF00, s23  }
0x5d: {  	s30 =	sand.u32 $0x30, s21;
	s21 =	smov.u32 s29;
	s28 =	sshrl.u32 s28, $0x2;
	v2 =	vsub.s32 v2, v0  }
0x5e: {  	s28 =	sor.u32 s30, s28;
	vm0 =	vlt.u32 v2, $0x400;
	v3 =	vmin.u32 v2, $0x400  }
.Ltmp2:
0x5f: {  	[tilespmem:s28+$0x500] =	vst v3;
	v2 =	vnsel vm0, $0x0, v2;
	(pc) =	sbr.rel @p1 .LBB2_7-.Ltmp2, $2  }
0x60: {  	_ =	sdelay $0x2  }
0x61: {  	s23 =	sadd.s32 $0x40, s23;
	v3 =	vsel vm0, $0x3F800000, v1  }
0x62: {  	_ =	sdelay $0x3  }
0x63: {  	s25 =	sshra.s32 s23, $0x2;
	[tilespmem:v2+s17+$0x0] =	vst.idx.add.f32.msk $0xffff, v3  }
0x64: {  	v2 =	vld [tilespmem:s25+$0x280];
	_ =	sdelay $0x4  }
0x65: {  	v2 =	vsub.s32 v2, v0  }
0x66: {  	vm0 =	vlt.u32 v2, $0x400  }
0x67: {  	v3 =	vnsel vm0, $0x0, v2  }
0x68: {  	s28 =	sand.u32 $0xF00, s23  }
0x69: {  	s21 =	sand.u32 $0x30, s21;
	s23 =	sshrl.u32 s28, $0x2  }
0x6a: {  	s21 =	sor.u32 s21, s23;
	v2 =	vmin.u32 v2, $0x400  }
0x6b: {  	[tilespmem:s21+$0x500] =	vst v2;
	v2 =	vsel vm0, $0x3F800000, v1  }
0x6c: {  	[tilespmem:v3+s17+$0x0] =	vst.idx.add.f32.msk $0xffff, v2  }
0x6d: {  	[tilespmem:s14], [sflag:$0x1] =	stream.indirect.gather [hbm4b:s6+s18], $0x80, s31, s18, $0xb8;
	[tilespmem:$0x6F80] =	vst v63  }
0x6e: {  	_ = 	snop  }
0x6f: {  	[tilespmem:s19], [sflag:$0x2] =	stream.indirect.gather [hbm4b:s6+s18], $0x80, s18, s18, $0xb8;
	[tilespmem:$0x6F80] =	vst v63  }
0x70: {  	_ =	swait.ge [sflag:s20], $0x2000  }
0x71: {  	[sflag:s20] =	ssyncset.done $0x0  }
0x72: {  	s29 =	simm.s32 $0x500;
	[sflag:s20] =	ssyncadd.s32 $0xFFFFE000  }
0x73: {  	[spmem:s3] =	stream.indirect.scatter.add.f32 [tilespmem:s14], [sflag:$0x3], $0x80, s29, s18, $0xb8;
	[tilespmem:$0x6F80] =	vst v63  }
0x74: {  	_ =	swait.ge [sflag:s22], $0x2000  }
0x75: {  	[sflag:s22] =	ssyncset.done $0x0  }
0x76: {  	s30 =	simm.s32 $0x80;
	[sflag:s22] =	ssyncadd.s32 $0xFFFFE000  }
0x77: {  	[tilespmem:s14], [sflag:$0x1] =	stream.indirect.gather [hbm4b:s6+s18], $0x80, s30, s18, $0xb8;
	[tilespmem:$0x6F80] =	vst v63  }
0x78: {  	_ =	swait.ge [sflag:s24], $0x2000  }
0x79: {  	[sflag:s24] =	ssyncset.done $0x0  }
0x7a: {  	s23 =	simm.s32 $0x540;
	[sflag:s24] =	ssyncadd.s32 $0xFFFFE000  }
0x7b: {  	[spmem:s3] =	stream.indirect.scatter.add.f32 [tilespmem:s19], [sflag:$0x4], $0x80, s23, s18, $0xb8;
	[tilespmem:$0x6F80] =	vst v63  }
0x7c: {  	_ =	swait.ge [sflag:s26], $0x2000  }
0x7d: {  	[sflag:s26] =	ssyncset.done $0x0  }
0x7e: {  	s25 =	simm.s32 $0xC0;
	[sflag:s26] =	ssyncadd.s32 $0xFFFFE000  }
0x7f: {  	[tilespmem:s19], [sflag:$0x2] =	stream.indirect.gather [hbm4b:s6+s18], $0x80, s25, s18, $0xb8;
	[tilespmem:$0x6F80] =	vst v63  }
0x80: {  	_ =	swait.ge [sflag:s20], $0x2000  }
0x81: {  	[sflag:s20] =	ssyncset.done $0x0  }
0x82: {  	s28 =	simm.s32 $0x580;
	[sflag:s20] =	ssyncadd.s32 $0xFFFFE000  }
0x83: {  	[spmem:s3] =	stream.indirect.scatter.add.f32 [tilespmem:s14], [sflag:$0x3], $0x80, s28, s18, $0xb8;
	[tilespmem:$0x6F80] =	vst v63  }
0x84: {  	_ =	swait.ge [sflag:s22], $0x2000  }
0x85: {  	[sflag:s22] =	ssyncset.done $0x0  }
0x86: {  	s29 =	simm.s32 $0x100;
	[sflag:s22] =	ssyncadd.s32 $0xFFFFE000  }
0x87: {  	[tilespmem:s14], [sflag:$0x1] =	stream.indirect.gather [hbm4b:s6+s18], $0x80, s29, s18, $0xb8;
	[tilespmem:$0x6F80] =	vst v63  }
0x88: {  	_ =	swait.ge [sflag:s24], $0x2000  }
0x89: {  	[sflag:s24] =	ssyncset.done $0x0  }
0x8a: {  	s30 =	simm.s32 $0x5C0;
	[sflag:s24] =	ssyncadd.s32 $0xFFFFE000  }
0x8b: {  	[spmem:s3] =	stream.indirect.scatter.add.f32 [tilespmem:s19], [sflag:$0x4], $0x80, s30, s18, $0xb8;
	[tilespmem:$0x6F80] =	vst v63  }
0x8c: {  	_ =	swait.ge [sflag:s26], $0x2000  }
0x8d: {  	[sflag:s26] =	ssyncset.done $0x0  }
0x8e: {  	[sflag:s26] =	ssyncadd.s32 $0xFFFFE000  }
0x8f: {  	[tilespmem:s19], [sflag:$0x2] =	stream.indirect.gather [hbm4b:s6+s18], $0x80, s0, s18, $0xb8;
	[tilespmem:$0x6F80] =	vst v63  }
0x90: {  	_ =	swait.ge [sflag:s20], $0x2000  }
0x91: {  	[sflag:s20] =	ssyncset.done $0x0  }
0x92: {  	[sflag:s20] =	ssyncadd.s32 $0xFFFFE000  }
0x93: {  	[spmem:s3] =	stream.indirect.scatter.add.f32 [tilespmem:s14], [sflag:$0x3], $0x80, s4, s18, $0xb8;
	[tilespmem:$0x6F80] =	vst v63  }
0x94: {  	_ =	swait.ge [sflag:s22], $0x2000  }
0x95: {  	[sflag:s22] =	ssyncset.done $0x0  }
0x96: {  	[sflag:s22] =	ssyncadd.s32 $0xFFFFE000  }
0x97: {  	[tilespmem:s14], [sflag:$0x1] =	stream.indirect.gather [hbm4b:s6+s18], $0x80, s8, s18, $0xb8;
	[tilespmem:$0x6F80] =	vst v63  }
0x98: {  	_ =	swait.ge [sflag:s24], $0x2000  }
0x99: {  	[sflag:s24] =	ssyncset.done $0x0  }
0x9a: {  	[sflag:s24] =	ssyncadd.s32 $0xFFFFE000  }
0x9b: {  	[spmem:s3] =	stream.indirect.scatter.add.f32 [tilespmem:s19], [sflag:$0x4], $0x80, s10, s18, $0xb8;
	[tilespmem:$0x6F80] =	vst v63  }
0x9c: {  	_ =	swait.ge [sflag:s26], $0x2000  }
0x9d: {  	[sflag:s26] =	ssyncset.done $0x0  }
0x9e: {  	[sflag:s26] =	ssyncadd.s32 $0xFFFFE000  }
0x9f: {  	[tilespmem:s19], [sflag:$0x2] =	stream.indirect.gather [hbm4b:s6+s18], $0x80, s11, s18, $0xb8;
	[tilespmem:$0x6F80] =	vst v63  }
0xa0: {  	_ =	swait.ge [sflag:s20], $0x2000  }
0xa1: {  	[sflag:s20] =	ssyncset.done $0x0  }
0xa2: {  	[sflag:s20] =	ssyncadd.s32 $0xFFFFE000  }
0xa3: {  	[spmem:s3] =	stream.indirect.scatter.add.f32 [tilespmem:s14], [sflag:$0x3], $0x80, s12, s18, $0xb8;
	[tilespmem:$0x6F80] =	vst v63  }
0xa4: {  	_ =	swait.ge [sflag:s22], $0x2000  }
0xa5: {  	[sflag:s22] =	ssyncset.done $0x0  }
0xa6: {  	[sflag:s22] =	ssyncadd.s32 $0xFFFFE000  }
0xa7: {  	[tilespmem:s14], [sflag:$0x1] =	stream.indirect.gather [hbm4b:s6+s18], $0x80, s7, s18, $0xb8;
	[tilespmem:$0x6F80] =	vst v63  }
0xa8: {  	_ =	swait.ge [sflag:s24], $0x2000  }
0xa9: {  	[sflag:s24] =	ssyncset.done $0x0  }
0xaa: {  	[sflag:s24] =	ssyncadd.s32 $0xFFFFE000  }
0xab: {  	[spmem:s3] =	stream.indirect.scatter.add.f32 [tilespmem:s19], [sflag:$0x4], $0x80, s13, s18, $0xb8;
	[tilespmem:$0x6F80] =	vst v63  }
0xac: {  	_ =	swait.ge [sflag:s26], $0x2000  }
0xad: {  	[sflag:s26] =	ssyncset.done $0x0  }
0xae: {  	[sflag:s26] =	ssyncadd.s32 $0xFFFFE000  }
0xaf: {  	[tilespmem:s19], [sflag:$0x2] =	stream.indirect.gather [hbm4b:s6+s18], $0x80, s1, s18, $0xb8;
	[tilespmem:$0x6F80] =	vst v63  }
0xb0: {  	_ =	swait.ge [sflag:s20], $0x2000  }
0xb1: {  	[sflag:s20] =	ssyncset.done $0x0  }
0xb2: {  	[sflag:s20] =	ssyncadd.s32 $0xFFFFE000  }
0xb3: {  	[spmem:s3] =	stream.indirect.scatter.add.f32 [tilespmem:s14], [sflag:$0x3], $0x80, s2, s18, $0xb8;
	[tilespmem:$0x6F80] =	vst v63  }
0xb4: {  	_ =	swait.ge [sflag:s22], $0x2000  }
0xb5: {  	[sflag:s22] =	ssyncset.done $0x0  }
0xb6: {  	[sflag:s22] =	ssyncadd.s32 $0xFFFFE000  }
0xb7: {  	_ =	swait.ge [sflag:s24], $0x2000  }
0xb8: {  	[sflag:s24] =	ssyncset.done $0x0  }
.Ltmp3:
0xb9: {  	[sflag:s24] =	ssyncadd.s32 $0xFFFFE000;
	(pc) =	sbr.rel @p0 .LBB2_6-.Ltmp3, $4  }
0xba: {  	[spmem:s3] =	stream.indirect.scatter.add.f32 [tilespmem:s19], [sflag:$0x4], $0x80, s5, s18, $0xb8;
	[tilespmem:$0x6F80] =	vst v63  }
0xbb: {  	_ =	swait.ge [sflag:s26], $0x2000  }
0xbc: {  	[sflag:s26] =	ssyncset.done $0x0  }
0xbd: {  	p1 =	por $0x0, $0x0;
	s21 =	simm.s32 $0x280;
	[sflag:s26] =	ssyncadd.s32 $0xFFFFE000  }
0xbe: {  	[bflag:$0x0] =	sbarrier.arrive $0xFFFF  }
0xbf: {  	s16 =	rddreg [dreg:$0x8]  }
0xc0: {  	[tilespmem:s14], [sflag:$0x5] =	stream.linear.gather [spmem:s16], $0x2000, $0x38;
	[tilespmem:$0x6F80] =	vst v63  }
0xc1: {  	_ =	swait.ge [sflag:s15], $0x2000  }
0xc2: {  	[sflag:s15] =	ssyncset.done $0x0  }
0xc3: {  	s25 =	simm.s32 $0x0;
	s21 =	rddreg [dreg:$0x9];
	[sflag:s15] =	ssyncadd.s32 $0xFFFFE000  }
0xc4: {  	[hbm4b:s21+s25] =	stream.linear.scatter [tilespmem:s14], [sflag:$0x5], $0x2000, $0x38;
	[tilespmem:$0x6F80] =	vst v63  }
0xc5: {  	_ =	swait.ge [sflag:s15], $0x2000  }
0xc6: {  	[sflag:s15] =	ssyncset.done $0x0  }
0xc7: {  	s28 =	rddreg [dreg:$0xa];
	[sflag:s15] =	ssyncadd.s32 $0xFFFFE000  }
0xc8: {  	[hbm4b:s28+s25] =	stream.linear.scatter [tilespmem:s17], [sflag:$0x5], $0x400, $0x38;
	[tilespmem:$0x6F80] =	vst v63  }
0xc9: {  	_ =	swait.ge [sflag:s15], $0x400  }
0xca: {  	s29 =	rddreg [dreg:$0xc]  }
0xcb: {  	s30 =	rddreg [dreg:$0xb];
	s21 =	sadd.s32 $0x1, s29  }
0xcc: {  	p0 =	sne.s32 s21, s30  }
.Ltmp4:
0xcd: {  	_ = 	snop;
	(pc) =	sbr.rel @p0 .LBB2_1-.Ltmp4, $3  }
0xce: {  	_ =	sdelay $0x1  }
0xcf: {  	[sflag:s15] =	ssyncset.done $0x0  }
0xd0: {  	s31 =	simm.s32 $0x0;
	[sflag:s15] =	ssyncadd.s32 $0xFFFFFC00  }
0xd1: {  	_ =	sfence.sel $0x180000  }
0xd2: {  	[bflag:$0x0] =	sbarrier.arrive $0xFFFF  }
0xd3: {  	_ =	strace $0x9000004A  }
0xd4: {  	s0 =	stileid.u32;
	[bflag:$0x2] =	sbarrier.arrive $0xFFFF  }
0xd5: {  	p0 =	sne.s32 s0, $0x0;
	s0 =	rddreg [dreg:$0x5]  }
0xd6: {  	s0 =	sadd.s32 @!p0 $0x100000, s0  }
0xd7: {  	[sflag:s0] =	ssyncadd.tile.s32 @!p0 $0x1;
	_ =	shalt  }
.Lfunc_end2:
_tile_overlayer_lowered:
.L_overlay_start_2:
0xd8: {  	(tag) =	ssettag $0x2  }
0xd9: {  	s0 =	rddreg [dreg:$0x0];
	s2 =	stileid.u32  }
0xda: {  	s1 =	rddreg [dreg:$0x1];
	p0 =	sne.s32 s2, $0x0  }
0xdb: {  	s3 =	rddreg [dreg:$0x2];
	[bflag:$0x3] =	sbarrier.arrive $0xFFFF;
	s2 =	simm.s32 @!p0 $0x1C05  }
0xdc: {  	[timem:s3], [sflag:s2] =	dma.local @!p0 [hbm:s0], s1  }
0xdd: {  	s0 =	simm.s32 @!p0 $0x5  }
0xde: {  	_ =	swait.ge @!p0 [sflag:s0], s1  }
0xdf: {  	s1 =	ssub.s32 @!p0 $0x0, s1;
	[sflag:s0] =	ssyncset.done @!p0 $0x0  }
0xe0: {  	[sflag:s0] =	ssyncadd.s32 @!p0 s1  }
0xe1: {  	[bflag:$0x3] =	sbarrier.arrive $0xFFFF  }
0xe2: {  	_ =	shalt  }

</sc_bundles>
